<compile_context>
chip_gen: v7x
topology: tpu7x:2x2x1
jax: 0.10.2.dev20260603
libtpu: 0.0.44.dev20260713+nightly
codegen_flags: <defaults>
</compile_context>

<pallas_src>
import jax
import jax.numpy as jnp
from jax import lax
from jax.experimental import pallas as pl
from jax.experimental.pallas import tpu as pltpu, tpu_sc as plsc

_N = 4194304
_G = 16
_L = 16

_NC = 2
_NS = 16
_NW = _NC * _NS

_PER_W = _N // _NW
_CHUNK = 8192
_SIZES = [_CHUNK] * (_PER_W // _CHUNK)
_OFFS = [sum(_SIZES[:i]) for i in range(len(_SIZES))]
_NCHUNKS = len(_SIZES)
_NBUF = 4

_GATHER_DNUMS = lax.GatherDimensionNumbers(
    offset_dims=(), collapsed_slice_dims=(0,), start_index_map=(0,))


def _vreg_gather(table, idx):
    return lax.gather(table, idx[:, None], _GATHER_DNUMS, (1,),
                      mode=lax.GatherScatterMode.PROMISE_IN_BOUNDS)


def _sc_body(x_hbm, g_hbm, c_hbm, s_hbm, out_hbm,
             x_v, g_v, o_v, c_v, s_v, sem_in, sem_out):
    wid = lax.axis_index("s") * _NC + lax.axis_index("c")
    base = wid * _PER_W

    pltpu.sync_copy(c_hbm, c_v)
    pltpu.sync_copy(s_hbm, s_v)
    c_reg = c_v[...]
    a_reg = 1.0 / s_v[...]

    def start_in(ci):
        b = ci % _NBUF
        off = base + _OFFS[ci]
        n = _SIZES[ci]
        hx = pltpu.async_copy(x_hbm.at[pl.ds(off, n)],
                              x_v[b].at[pl.ds(0, n)], sem_in[b])
        hg = pltpu.async_copy(g_hbm.at[pl.ds(off, n)],
                              g_v[b].at[pl.ds(0, n)], sem_in[b])
        return (hx, hg)

    def start_out(ci):
        b = ci % _NBUF
        off = base + _OFFS[ci]
        n = _SIZES[ci]
        return pltpu.async_copy(o_v[b].at[pl.ds(0, n)],
                                out_hbm.at[pl.ds(off, n)], sem_out[b])

    def compute(ci):
        b = ci % _NBUF
        xb, gb, ob = x_v[b], g_v[b], o_v[b]

        @plsc.parallel_loop(0, _SIZES[ci], step=_L, unroll=8)
        def _body(i):
            sl = pl.ds(i, _L)
            gidx = gb[sl] - 1
            c = _vreg_gather(c_reg, gidx)
            a = _vreg_gather(a_reg, gidx)
            ob[sl] = (xb[sl] - c) * a

    in_h = {}
    out_h = {}
    for ci in range(min(_NBUF, _NCHUNKS)):
        in_h[ci] = start_in(ci)
    for ci in range(_NCHUNKS):
        for h in in_h.pop(ci):
            h.wait()
        if ci - _NBUF in out_h:
            out_h.pop(ci - _NBUF).wait()
        compute(ci)
        out_h[ci] = start_out(ci)
        if ci + _NBUF < _NCHUNKS:
            in_h[ci + _NBUF] = start_in(ci + _NBUF)
    for ci in sorted(out_h):
        out_h.pop(ci).wait()


@jax.jit
def _standardize(x, group, centers, scales):
    mesh = plsc.VectorSubcoreMesh(core_axis_name="c", subcore_axis_name="s")
    buf = lambda dt: [pltpu.VMEM((_CHUNK,), dt) for _ in range(_NBUF)]
    return pl.kernel(
        _sc_body,
        out_type=jax.ShapeDtypeStruct((_N,), jnp.float32),
        mesh=mesh,
        scratch_types=[
            buf(jnp.float32),
            buf(jnp.int32),
            buf(jnp.float32),
            pltpu.VMEM((_G,), jnp.float32),
            pltpu.VMEM((_G,), jnp.float32),
            [pltpu.SemaphoreType.DMA for _ in range(_NBUF)],
            [pltpu.SemaphoreType.DMA for _ in range(_NBUF)],
        ],
        compiler_params=pltpu.CompilerParams(needs_layout_passes=False),
    )(x, group, centers, scales)


def kernel(x, group, centers, scales):
    return _standardize(x, group, centers, scales)

# --- scband reference (transcript-rebuilt; emitter-appended) ---
"""Pipeline reference for scband-cont-transformer-standardize-grouped-45466523796015 (READ-ONLY COPY).

The authoritative reference and input builder live on the scoring server;
editing this copy changes nothing except your own understanding.
"""

import jax, jax.numpy as jnp
import numpy as np

N = 4194304
G = 16

_INIT_X = np.array([1.0,11.0,2.0,12.0,3.0,13.0,4.0,14.0,5.0,15.0,6.0,16.0,7.0,17.0,8.0,18.0,9.0,19.0,10.0,20.0,11.0,21.0,12.0,22.0,13.0,23.0,14.0,24.0,15.0,25.0,16.0,26.0], dtype=np.float32)
_INIT_GROUP = np.array([1,1,2,2,3,3,4,4,5,5,6,6,7,7,8,8,9,9,10,10,11,11,12,12,13,13,14,14,15,15,16,16], dtype=np.int32)


def _fit():
    # Mirrors ContTransformerStandardizeGrouped.__init__ (robust=False):
    # per-group mean and sqrt(unbiased var), groups ordered by torch.unique (sorted).
    gids = np.unique(_INIT_GROUP)
    centers = np.stack([_INIT_X[_INIT_GROUP == g].mean() for g in gids])
    scales = np.stack([np.sqrt(_INIT_X[_INIT_GROUP == g].var(ddof=1)) for g in gids])
    return centers.astype(np.float32), scales.astype(np.float32)


def setup_inputs(seed: int = 0) -> dict:
    key = jax.random.key(seed)
    k1, k2 = jax.random.split(key)
    x = jax.random.normal(k1, (N,), dtype=jnp.float32)
    # group ids are 1-indexed (forward does group - 1), so draw from [1, G]
    group = jax.random.randint(k2, (N,), 1, G + 1, dtype=jnp.int32)
    centers, scales = _fit()
    return {"x": x, "group": group, "centers": jnp.asarray(centers), "scales": jnp.asarray(scales)}


def reference(x, group, centers, scales):
    # forward: gather per-group center/scale via (group - 1), then standardize
    c = jnp.take(centers, group - 1, axis=0)
    s = jnp.take(scales, group - 1, axis=0)
    return ((x - c) / s).astype(jnp.float32)

if __name__ == "__main__":
    import jax
    _d = setup_inputs()
    print(jax.jit(kernel)(*tuple(_d.values())))

</pallas_src>

<mosaic_0001>
#map = affine_map<(d0, d1) -> (0)>
module attributes {stable_mosaic.version = 14 : i64} {
  func.func @_sc_body(%arg0: i32, %arg1: i32, %arg2: memref<4194304xf32, #tpu.memory_space<hbm>>, %arg3: memref<4194304xi32, #tpu.memory_space<hbm>>, %arg4: memref<16xf32, #tpu.memory_space<hbm>>, %arg5: memref<16xf32, #tpu.memory_space<hbm>>, %arg6: memref<4194304xf32, #tpu.memory_space<hbm>>, %arg7: memref<8192xf32, #tpu.memory_space<vmem>>, %arg8: memref<8192xf32, #tpu.memory_space<vmem>>, %arg9: memref<8192xf32, #tpu.memory_space<vmem>>, %arg10: memref<8192xf32, #tpu.memory_space<vmem>>, %arg11: memref<8192xi32, #tpu.memory_space<vmem>>, %arg12: memref<8192xi32, #tpu.memory_space<vmem>>, %arg13: memref<8192xi32, #tpu.memory_space<vmem>>, %arg14: memref<8192xi32, #tpu.memory_space<vmem>>, %arg15: memref<8192xf32, #tpu.memory_space<vmem>>, %arg16: memref<8192xf32, #tpu.memory_space<vmem>>, %arg17: memref<8192xf32, #tpu.memory_space<vmem>>, %arg18: memref<8192xf32, #tpu.memory_space<vmem>>, %arg19: memref<16xf32, #tpu.memory_space<vmem>>, %arg20: memref<16xf32, #tpu.memory_space<vmem>>, %arg21: memref<!tpu.dma_semaphore, #tpu.memory_space<semaphore_mem>>, %arg22: memref<!tpu.dma_semaphore, #tpu.memory_space<semaphore_mem>>, %arg23: memref<!tpu.dma_semaphore, #tpu.memory_space<semaphore_mem>>, %arg24: memref<!tpu.dma_semaphore, #tpu.memory_space<semaphore_mem>>, %arg25: memref<!tpu.dma_semaphore, #tpu.memory_space<semaphore_mem>>, %arg26: memref<!tpu.dma_semaphore, #tpu.memory_space<semaphore_mem>>, %arg27: memref<!tpu.dma_semaphore, #tpu.memory_space<semaphore_mem>>, %arg28: memref<!tpu.dma_semaphore, #tpu.memory_space<semaphore_mem>>) attributes {dimension_semantics = [#tpu.dimension_semantics<core_parallel>, #tpu.dimension_semantics<subcore_parallel>], iteration_bounds = array<i64: 2, 16>, scalar_prefetch = 0 : i64, scratch_operands = 22 : i64, tpu.core_type = #tpu.core_type<sc_vector_subcore>, window_params = [{transform_indices = #map}, {transform_indices = #map}, {transform_indices = #map}, {transform_indices = #map}, {transform_indices = #map}]} {
    %mul3A = arith.constant 2 : i32
    %mul3A_0 = arith.muli %arg1, %mul3A : i32
    %add3A = arith.addi %mul3A_0, %arg0 : i32
    %mul3A_1 = arith.constant 131072 : i32
    %mul3A_2 = arith.muli %add3A, %mul3A_1 : i32
    "tpu.region"() ({
      %run_scoped3A = tpu.sem_alloc : memref<!tpu.dma_semaphore, #tpu.memory_space<semaphore_mem>>
      tpu.enqueue_dma source(%arg4 : memref<16xf32, #tpu.memory_space<hbm>>) target(%arg19 : memref<16xf32, #tpu.memory_space<vmem>>) target_semaphore(%run_scoped3A : memref<!tpu.dma_semaphore, #tpu.memory_space<semaphore_mem>>)
      tpu.wait_dma2 semaphore(%run_scoped3A : memref<!tpu.dma_semaphore, #tpu.memory_space<semaphore_mem>>) src(%arg4 : memref<16xf32, #tpu.memory_space<hbm>>) dst(%arg19 : memref<16xf32, #tpu.memory_space<vmem>>)
      tpu.yield
    }) : () -> ()
    "tpu.region"() ({
      %run_scoped3A = tpu.sem_alloc : memref<!tpu.dma_semaphore, #tpu.memory_space<semaphore_mem>>
      tpu.enqueue_dma source(%arg5 : memref<16xf32, #tpu.memory_space<hbm>>) target(%arg20 : memref<16xf32, #tpu.memory_space<vmem>>) target_semaphore(%run_scoped3A : memref<!tpu.dma_semaphore, #tpu.memory_space<semaphore_mem>>)
      tpu.wait_dma2 semaphore(%run_scoped3A : memref<!tpu.dma_semaphore, #tpu.memory_space<semaphore_mem>>) src(%arg5 : memref<16xf32, #tpu.memory_space<hbm>>) dst(%arg20 : memref<16xf32, #tpu.memory_space<vmem>>)
      tpu.yield
    }) : () -> ()
    %get3A = arith.constant 0 : index
    %get3A_3 = tpu.vector_load %arg19[%get3A] {strides = array<i32>} : memref<16xf32, #tpu.memory_space<vmem>>, vector<16xf32>,
    %get3A_4 = arith.constant 0 : index
    %get3A_5 = tpu.vector_load %arg20[%get3A_4] {strides = array<i32>} : memref<16xf32, #tpu.memory_space<vmem>>, vector<16xf32>,
    %div3A = arith.constant 1.000000e+00 : f32
    %div3A_6 = vector.broadcast %div3A : f32 to vector<16xf32>
    %div3A_7 = arith.divf %div3A_6, %get3A_5 : vector<16xf32>
    %add3A_8 = arith.constant 0 : i32
    %add3A_9 = arith.addi %mul3A_2, %add3A_8 : i32
    %dma_start3A = arith.constant 0 : i32
    %dma_start3A_10 = tpu.memref_slice %arg7[%dma_start3A] : memref<8192xf32, #tpu.memory_space<vmem>> -> memref<8192xf32, #tpu.memory_space<vmem>>
    %dma_start3A_11 = tpu.memref_slice %arg2[%add3A_9] : memref<4194304xf32, #tpu.memory_space<hbm>> -> memref<8192xf32, #tpu.memory_space<hbm>>
    %dma_start3A_12 = arith.constant 0 : i32
    %dma_start3A_13 = tpu.memref_slice %arg7[%dma_start3A_12] : memref<8192xf32, #tpu.memory_space<vmem>> -> memref<8192xf32, #tpu.memory_space<vmem>>
    %dma_start3A_14 = tpu.memref_slice %arg2[%add3A_9] : memref<4194304xf32, #tpu.memory_space<hbm>> -> memref<8192xf32, #tpu.memory_space<hbm>>
    tpu.enqueue_dma source(%dma_start3A_14 : memref<8192xf32, #tpu.memory_space<hbm>>) target(%dma_start3A_13 : memref<8192xf32, #tpu.memory_space<vmem>>) target_semaphore(%arg21 : memref<!tpu.dma_semaphore, #tpu.memory_space<semaphore_mem>>)
    %dma_start3A_15 = arith.constant 0 : i32
    %dma_start3A_16 = tpu.memref_slice %arg11[%dma_start3A_15] : memref<8192xi32, #tpu.memory_space<vmem>> -> memref<8192xi32, #tpu.memory_space<vmem>>
    %dma_start3A_17 = tpu.memref_slice %arg3[%add3A_9] : memref<4194304xi32, #tpu.memory_space<hbm>> -> memref<8192xi32, #tpu.memory_space<hbm>>
    %dma_start3A_18 = arith.constant 0 : i32
    %dma_start3A_19 = tpu.memref_slice %arg11[%dma_start3A_18] : memref<8192xi32, #tpu.memory_space<vmem>> -> memref<8192xi32, #tpu.memory_space<vmem>>
    %dma_start3A_20 = tpu.memref_slice %arg3[%add3A_9] : memref<4194304xi32, #tpu.memory_space<hbm>> -> memref<8192xi32, #tpu.memory_space<hbm>>
    tpu.enqueue_dma source(%dma_start3A_20 : memref<8192xi32, #tpu.memory_space<hbm>>) target(%dma_start3A_19 : memref<8192xi32, #tpu.memory_space<vmem>>) target_semaphore(%arg21 : memref<!tpu.dma_semaphore, #tpu.memory_space<semaphore_mem>>)
    %add3A_21 = arith.constant 8192 : i32
    %add3A_22 = arith.addi %mul3A_2, %add3A_21 : i32
    %dma_start3A_23 = arith.constant 0 : i32
    %dma_start3A_24 = tpu.memref_slice %arg8[%dma_start3A_23] : memref<8192xf32, #tpu.memory_space<vmem>> -> memref<8192xf32, #tpu.memory_space<vmem>>
    %dma_start3A_25 = tpu.memref_slice %arg2[%add3A_22] : memref<4194304xf32, #tpu.memory_space<hbm>> -> memref<8192xf32, #tpu.memory_space<hbm>>
    %dma_start3A_26 = arith.constant 0 : i32
    %dma_start3A_27 = tpu.memref_slice %arg8[%dma_start3A_26] : memref<8192xf32, #tpu.memory_space<vmem>> -> memref<8192xf32, #tpu.memory_space<vmem>>
    %dma_start3A_28 = tpu.memref_slice %arg2[%add3A_22] : memref<4194304xf32, #tpu.memory_space<hbm>> -> memref<8192xf32, #tpu.memory_space<hbm>>
    tpu.enqueue_dma source(%dma_start3A_28 : memref<8192xf32, #tpu.memory_space<hbm>>) target(%dma_start3A_27 : memref<8192xf32, #tpu.memory_space<vmem>>) target_semaphore(%arg22 : memref<!tpu.dma_semaphore, #tpu.memory_space<semaphore_mem>>)
    %dma_start3A_29 = arith.constant 0 : i32
    %dma_start3A_30 = tpu.memref_slice %arg12[%dma_start3A_29] : memref<8192xi32, #tpu.memory_space<vmem>> -> memref<8192xi32, #tpu.memory_space<vmem>>
    %dma_start3A_31 = tpu.memref_slice %arg3[%add3A_22] : memref<4194304xi32, #tpu.memory_space<hbm>> -> memref<8192xi32, #tpu.memory_space<hbm>>
    %dma_start3A_32 = arith.constant 0 : i32
    %dma_start3A_33 = tpu.memref_slice %arg12[%dma_start3A_32] : memref<8192xi32, #tpu.memory_space<vmem>> -> memref<8192xi32, #tpu.memory_space<vmem>>
    %dma_start3A_34 = tpu.memref_slice %arg3[%add3A_22] : memref<4194304xi32, #tpu.memory_space<hbm>> -> memref<8192xi32, #tpu.memory_space<hbm>>
    tpu.enqueue_dma source(%dma_start3A_34 : memref<8192xi32, #tpu.memory_space<hbm>>) target(%dma_start3A_33 : memref<8192xi32, #tpu.memory_space<vmem>>) target_semaphore(%arg22 : memref<!tpu.dma_semaphore, #tpu.memory_space<semaphore_mem>>)
    %add3A_35 = arith.constant 16384 : i32
    %add3A_36 = arith.addi %mul3A_2, %add3A_35 : i32
    %dma_start3A_37 = arith.constant 0 : i32
    %dma_start3A_38 = tpu.memref_slice %arg9[%dma_start3A_37] : memref<8192xf32, #tpu.memory_space<vmem>> -> memref<8192xf32, #tpu.memory_space<vmem>>
    %dma_start3A_39 = tpu.memref_slice %arg2[%add3A_36] : memref<4194304xf32, #tpu.memory_space<hbm>> -> memref<8192xf32, #tpu.memory_space<hbm>>
    %dma_start3A_40 = arith.constant 0 : i32
    %dma_start3A_41 = tpu.memref_slice %arg9[%dma_start3A_40] : memref<8192xf32, #tpu.memory_space<vmem>> -> memref<8192xf32, #tpu.memory_space<vmem>>
    %dma_start3A_42 = tpu.memref_slice %arg2[%add3A_36] : memref<4194304xf32, #tpu.memory_space<hbm>> -> memref<8192xf32, #tpu.memory_space<hbm>>
    tpu.enqueue_dma source(%dma_start3A_42 : memref<8192xf32, #tpu.memory_space<hbm>>) target(%dma_start3A_41 : memref<8192xf32, #tpu.memory_space<vmem>>) target_semaphore(%arg23 : memref<!tpu.dma_semaphore, #tpu.memory_space<semaphore_mem>>)
    %dma_start3A_43 = arith.constant 0 : i32
    %dma_start3A_44 = tpu.memref_slice %arg13[%dma_start3A_43] : memref<8192xi32, #tpu.memory_space<vmem>> -> memref<8192xi32, #tpu.memory_space<vmem>>
    %dma_start3A_45 = tpu.memref_slice %arg3[%add3A_36] : memref<4194304xi32, #tpu.memory_space<hbm>> -> memref<8192xi32, #tpu.memory_space<hbm>>
    %dma_start3A_46 = arith.constant 0 : i32
    %dma_start3A_47 = tpu.memref_slice %arg13[%dma_start3A_46] : memref<8192xi32, #tpu.memory_space<vmem>> -> memref<8192xi32, #tpu.memory_space<vmem>>
    %dma_start3A_48 = tpu.memref_slice %arg3[%add3A_36] : memref<4194304xi32, #tpu.memory_space<hbm>> -> memref<8192xi32, #tpu.memory_space<hbm>>
    tpu.enqueue_dma source(%dma_start3A_48 : memref<8192xi32, #tpu.memory_space<hbm>>) target(%dma_start3A_47 : memref<8192xi32, #tpu.memory_space<vmem>>) target_semaphore(%arg23 : memref<!tpu.dma_semaphore, #tpu.memory_space<semaphore_mem>>)
    %add3A_49 = arith.constant 24576 : i32
    %add3A_50 = arith.addi %mul3A_2, %add3A_49 : i32
    %dma_start3A_51 = arith.constant 0 : i32
    %dma_start3A_52 = tpu.memref_slice %arg10[%dma_start3A_51] : memref<8192xf32, #tpu.memory_space<vmem>> -> memref<8192xf32, #tpu.memory_space<vmem>>
    %dma_start3A_53 = tpu.memref_slice %arg2[%add3A_50] : memref<4194304xf32, #tpu.memory_space<hbm>> -> memref<8192xf32, #tpu.memory_space<hbm>>
    %dma_start3A_54 = arith.constant 0 : i32
    %dma_start3A_55 = tpu.memref_slice %arg10[%dma_start3A_54] : memref<8192xf32, #tpu.memory_space<vmem>> -> memref<8192xf32, #tpu.memory_space<vmem>>
    %dma_start3A_56 = tpu.memref_slice %arg2[%add3A_50] : memref<4194304xf32, #tpu.memory_space<hbm>> -> memref<8192xf32, #tpu.memory_space<hbm>>
    tpu.enqueue_dma source(%dma_start3A_56 : memref<8192xf32, #tpu.memory_space<hbm>>) target(%dma_start3A_55 : memref<8192xf32, #tpu.memory_space<vmem>>) target_semaphore(%arg24 : memref<!tpu.dma_semaphore, #tpu.memory_space<semaphore_mem>>)
    %dma_start3A_57 = arith.constant 0 : i32
    %dma_start3A_58 = tpu.memref_slice %arg14[%dma_start3A_57] : memref<8192xi32, #tpu.memory_space<vmem>> -> memref<8192xi32, #tpu.memory_space<vmem>>
    %dma_start3A_59 = tpu.memref_slice %arg3[%add3A_50] : memref<4194304xi32, #tpu.memory_space<hbm>> -> memref<8192xi32, #tpu.memory_space<hbm>>
    %dma_start3A_60 = arith.constant 0 : i32
    %dma_start3A_61 = tpu.memref_slice %arg14[%dma_start3A_60] : memref<8192xi32, #tpu.memory_space<vmem>> -> memref<8192xi32, #tpu.memory_space<vmem>>
    %dma_start3A_62 = tpu.memref_slice %arg3[%add3A_50] : memref<4194304xi32, #tpu.memory_space<hbm>> -> memref<8192xi32, #tpu.memory_space<hbm>>
    tpu.enqueue_dma source(%dma_start3A_62 : memref<8192xi32, #tpu.memory_space<hbm>>) target(%dma_start3A_61 : memref<8192xi32, #tpu.memory_space<vmem>>) target_semaphore(%arg24 : memref<!tpu.dma_semaphore, #tpu.memory_space<semaphore_mem>>)
    %dma_wait3A = arith.constant 0 : i32
    %dma_wait3A_63 = tpu.memref_slice %arg7[%dma_wait3A] : memref<8192xf32, #tpu.memory_space<vmem>> -> memref<8192xf32, #tpu.memory_space<vmem>>
    %dma_wait3A_64 = tpu.memref_slice %arg2[%add3A_9] : memref<4194304xf32, #tpu.memory_space<hbm>> -> memref<8192xf32, #tpu.memory_space<hbm>>
    %dma_wait3A_65 = arith.constant 0 : i32
    %dma_wait3A_66 = tpu.memref_slice %arg7[%dma_wait3A_65] : memref<8192xf32, #tpu.memory_space<vmem>> -> memref<8192xf32, #tpu.memory_space<vmem>>
    %dma_wait3A_67 = tpu.memref_slice %arg2[%add3A_9] : memref<4194304xf32, #tpu.memory_space<hbm>> -> memref<8192xf32, #tpu.memory_space<hbm>>
    tpu.wait_dma2 semaphore(%arg21 : memref<!tpu.dma_semaphore, #tpu.memory_space<semaphore_mem>>) src(%dma_wait3A_67 : memref<8192xf32, #tpu.memory_space<hbm>>) dst(%dma_wait3A_66 : memref<8192xf32, #tpu.memory_space<vmem>>)
    %dma_wait3A_68 = arith.constant 0 : i32
    %dma_wait3A_69 = tpu.memref_slice %arg11[%dma_wait3A_68] : memref<8192xi32, #tpu.memory_space<vmem>> -> memref<8192xi32, #tpu.memory_space<vmem>>
    %dma_wait3A_70 = tpu.memref_slice %arg3[%add3A_9] : memref<4194304xi32, #tpu.memory_space<hbm>> -> memref<8192xi32, #tpu.memory_space<hbm>>
    %dma_wait3A_71 = arith.constant 0 : i32
    %dma_wait3A_72 = tpu.memref_slice %arg11[%dma_wait3A_71] : memref<8192xi32, #tpu.memory_space<vmem>> -> memref<8192xi32, #tpu.memory_space<vmem>>
    %dma_wait3A_73 = tpu.memref_slice %arg3[%add3A_9] : memref<4194304xi32, #tpu.memory_space<hbm>> -> memref<8192xi32, #tpu.memory_space<hbm>>
    tpu.wait_dma2 semaphore(%arg21 : memref<!tpu.dma_semaphore, #tpu.memory_space<semaphore_mem>>) src(%dma_wait3A_73 : memref<8192xi32, #tpu.memory_space<hbm>>) dst(%dma_wait3A_72 : memref<8192xi32, #tpu.memory_space<vmem>>)
    %parallel_loop3A = arith.constant 0 : i32
    %parallel_loop3A_74 = arith.constant 8192 : i32
    %parallel_loop3A_75 = arith.constant 16 : i32
    scf.for %parallel_loop3A_693 = %parallel_loop3A to %parallel_loop3A_74 step %parallel_loop3A_75  : i32 {
      %parallel_loop3A_694 = arith.index_cast %parallel_loop3A_693 : i32 to index
      %parallel_loop3A_695 = tpu.vector_load %arg11[%parallel_loop3A_694] {strides = array<i32>} : memref<8192xi32, #tpu.memory_space<vmem>>, vector<16xi32>,
      %parallel_loop3A_696 = arith.constant 1 : i32
      %parallel_loop3A_697 = vector.broadcast %parallel_loop3A_696 : i32 to vector<16xi32>
      %parallel_loop3A_698 = arith.subi %parallel_loop3A_695, %parallel_loop3A_697 : vector<16xi32>
      %parallel_loop3A_699 = vector.shape_cast %parallel_loop3A_698 : vector<16xi32> to vector<16x1xi32>
      %parallel_loop3A_700 = vector.shape_cast %parallel_loop3A_699 : vector<16x1xi32> to vector<16xi32>
      %parallel_loop3A_701 = tpu.dynamic_gather %get3A_3[%parallel_loop3A_700] in [0] : vector<16xf32>, vector<16xi32> -> vector<16xf32>
      %parallel_loop3A_702 = vector.shape_cast %parallel_loop3A_698 : vector<16xi32> to vector<16x1xi32>
      %parallel_loop3A_703 = vector.shape_cast %parallel_loop3A_702 : vector<16x1xi32> to vector<16xi32>
      %parallel_loop3A_704 = tpu.dynamic_gather %div3A_7[%parallel_loop3A_703] in [0] : vector<16xf32>, vector<16xi32> -> vector<16xf32>
      %parallel_loop3A_705 = arith.index_cast %parallel_loop3A_693 : i32 to index
      %parallel_loop3A_706 = tpu.vector_load %arg7[%parallel_loop3A_705] {strides = array<i32>} : memref<8192xf32, #tpu.memory_space<vmem>>, vector<16xf32>,
      %parallel_loop3A_707 = arith.subf %parallel_loop3A_706, %parallel_loop3A_701 : vector<16xf32>
      %parallel_loop3A_708 = arith.mulf %parallel_loop3A_707, %parallel_loop3A_704 : vector<16xf32>
      %parallel_loop3A_709 = arith.index_cast %parallel_loop3A_693 : i32 to index
      %parallel_loop3A_710 = tpu.vector_load %arg15[%parallel_loop3A_709] {strides = array<i32>} : memref<8192xf32, #tpu.memory_space<vmem>>, vector<16xf32>,
      tpu.vector_store %arg15[%parallel_loop3A_709], %parallel_loop3A_708 {strides = array<i32>} : memref<8192xf32, #tpu.memory_space<vmem>>, vector<16xf32>,
    } {sc.loop_unroll_factor = 8 : i64, sc.parallel_access}
    %add3A_76 = arith.constant 0 : i32
    %add3A_77 = arith.addi %mul3A_2, %add3A_76 : i32
    %dma_start3A_78 = arith.constant 0 : i32
    %dma_start3A_79 = tpu.memref_slice %arg15[%dma_start3A_78] : memref<8192xf32, #tpu.memory_space<vmem>> -> memref<8192xf32, #tpu.memory_space<vmem>>
    %dma_start3A_80 = tpu.memref_slice %arg6[%add3A_77] : memref<4194304xf32, #tpu.memory_space<hbm>> -> memref<8192xf32, #tpu.memory_space<hbm>>
    %dma_start3A_81 = tpu.memref_slice %arg6[%add3A_77] : memref<4194304xf32, #tpu.memory_space<hbm>> -> memref<8192xf32, #tpu.memory_space<hbm>>
    %dma_start3A_82 = arith.constant 0 : i32
    %dma_start3A_83 = tpu.memref_slice %arg15[%dma_start3A_82] : memref<8192xf32, #tpu.memory_space<vmem>> -> memref<8192xf32, #tpu.memory_space<vmem>>
    tpu.enqueue_dma source(%dma_start3A_83 : memref<8192xf32, #tpu.memory_space<vmem>>) target(%dma_start3A_81 : memref<8192xf32, #tpu.memory_space<hbm>>) target_semaphore(%arg25 : memref<!tpu.dma_semaphore, #tpu.memory_space<semaphore_mem>>)
    %add3A_84 = arith.constant 32768 : i32
    %add3A_85 = arith.addi %mul3A_2, %add3A_84 : i32
    %dma_start3A_86 = arith.constant 0 : i32
    %dma_start3A_87 = tpu.memref_slice %arg7[%dma_start3A_86] : memref<8192xf32, #tpu.memory_space<vmem>> -> memref<8192xf32, #tpu.memory_space<vmem>>
    %dma_start3A_88 = tpu.memref_slice %arg2[%add3A_85] : memref<4194304xf32, #tpu.memory_space<hbm>> -> memref<8192xf32, #tpu.memory_space<hbm>>
    %dma_start3A_89 = arith.constant 0 : i32
    %dma_start3A_90 = tpu.memref_slice %arg7[%dma_start3A_89] : memref<8192xf32, #tpu.memory_space<vmem>> -> memref<8192xf32, #tpu.memory_space<vmem>>
    %dma_start3A_91 = tpu.memref_slice %arg2[%add3A_85] : memref<4194304xf32, #tpu.memory_space<hbm>> -> memref<8192xf32, #tpu.memory_space<hbm>>
    tpu.enqueue_dma source(%dma_start3A_91 : memref<8192xf32, #tpu.memory_space<hbm>>) target(%dma_start3A_90 : memref<8192xf32, #tpu.memory_space<vmem>>) target_semaphore(%arg21 : memref<!tpu.dma_semaphore, #tpu.memory_space<semaphore_mem>>)
    %dma_start3A_92 = arith.constant 0 : i32
    %dma_start3A_93 = tpu.memref_slice %arg11[%dma_start3A_92] : memref<8192xi32, #tpu.memory_space<vmem>> -> memref<8192xi32, #tpu.memory_space<vmem>>
    %dma_start3A_94 = tpu.memref_slice %arg3[%add3A_85] : memref<4194304xi32, #tpu.memory_space<hbm>> -> memref<8192xi32, #tpu.memory_space<hbm>>
    %dma_start3A_95 = arith.constant 0 : i32
    %dma_start3A_96 = tpu.memref_slice %arg11[%dma_start3A_95] : memref<8192xi32, #tpu.memory_space<vmem>> -> memref<8192xi32, #tpu.memory_space<vmem>>
    %dma_start3A_97 = tpu.memref_slice %arg3[%add3A_85] : memref<4194304xi32, #tpu.memory_space<hbm>> -> memref<8192xi32, #tpu.memory_space<hbm>>
    tpu.enqueue_dma source(%dma_start3A_97 : memref<8192xi32, #tpu.memory_space<hbm>>) target(%dma_start3A_96 : memref<8192xi32, #tpu.memory_space<vmem>>) target_semaphore(%arg21 : memref<!tpu.dma_semaphore, #tpu.memory_space<semaphore_mem>>)
    %dma_wait3A_98 = arith.constant 0 : i32
    %dma_wait3A_99 = tpu.memref_slice %arg8[%dma_wait3A_98] : memref<8192xf32, #tpu.memory_space<vmem>> -> memref<8192xf32, #tpu.memory_space<vmem>>
    %dma_wait3A_100 = tpu.memref_slice %arg2[%add3A_22] : memref<4194304xf32, #tpu.memory_space<hbm>> -> memref<8192xf32, #tpu.memory_space<hbm>>
    %dma_wait3A_101 = arith.constant 0 : i32
    %dma_wait3A_102 = tpu.memref_slice %arg8[%dma_wait3A_101] : memref<8192xf32, #tpu.memory_space<vmem>> -> memref<8192xf32, #tpu.memory_space<vmem>>
    %dma_wait3A_103 = tpu.memref_slice %arg2[%add3A_22] : memref<4194304xf32, #tpu.memory_space<hbm>> -> memref<8192xf32, #tpu.memory_space<hbm>>
    tpu.wait_dma2 semaphore(%arg22 : memref<!tpu.dma_semaphore, #tpu.memory_space<semaphore_mem>>) src(%dma_wait3A_103 : memref<8192xf32, #tpu.memory_space<hbm>>) dst(%dma_wait3A_102 : memref<8192xf32, #tpu.memory_space<vmem>>)
    %dma_wait3A_104 = arith.constant 0 : i32
    %dma_wait3A_105 = tpu.memref_slice %arg12[%dma_wait3A_104] : memref<8192xi32, #tpu.memory_space<vmem>> -> memref<8192xi32, #tpu.memory_space<vmem>>
    %dma_wait3A_106 = tpu.memref_slice %arg3[%add3A_22] : memref<4194304xi32, #tpu.memory_space<hbm>> -> memref<8192xi32, #tpu.memory_space<hbm>>
    %dma_wait3A_107 = arith.constant 0 : i32
    %dma_wait3A_108 = tpu.memref_slice %arg12[%dma_wait3A_107] : memref<8192xi32, #tpu.memory_space<vmem>> -> memref<8192xi32, #tpu.memory_space<vmem>>
    %dma_wait3A_109 = tpu.memref_slice %arg3[%add3A_22] : memref<4194304xi32, #tpu.memory_space<hbm>> -> memref<8192xi32, #tpu.memory_space<hbm>>
    tpu.wait_dma2 semaphore(%arg22 : memref<!tpu.dma_semaphore, #tpu.memory_space<semaphore_mem>>) src(%dma_wait3A_109 : memref<8192xi32, #tpu.memory_space<hbm>>) dst(%dma_wait3A_108 : memref<8192xi32, #tpu.memory_space<vmem>>)
    %parallel_loop3A_110 = arith.constant 0 : i32
    %parallel_loop3A_111 = arith.constant 8192 : i32
    %parallel_loop3A_112 = arith.constant 16 : i32
    scf.for %parallel_loop3A_693 = %parallel_loop3A_110 to %parallel_loop3A_111 step %parallel_loop3A_112  : i32 {
      %parallel_loop3A_694 = arith.index_cast %parallel_loop3A_693 : i32 to index
      %parallel_loop3A_695 = tpu.vector_load %arg12[%parallel_loop3A_694] {strides = array<i32>} : memref<8192xi32, #tpu.memory_space<vmem>>, vector<16xi32>,
      %parallel_loop3A_696 = arith.constant 1 : i32
      %parallel_loop3A_697 = vector.broadcast %parallel_loop3A_696 : i32 to vector<16xi32>
      %parallel_loop3A_698 = arith.subi %parallel_loop3A_695, %parallel_loop3A_697 : vector<16xi32>
      %parallel_loop3A_699 = vector.shape_cast %parallel_loop3A_698 : vector<16xi32> to vector<16x1xi32>
      %parallel_loop3A_700 = vector.shape_cast %parallel_loop3A_699 : vector<16x1xi32> to vector<16xi32>
      %parallel_loop3A_701 = tpu.dynamic_gather %get3A_3[%parallel_loop3A_700] in [0] : vector<16xf32>, vector<16xi32> -> vector<16xf32>
      %parallel_loop3A_702 = vector.shape_cast %parallel_loop3A_698 : vector<16xi32> to vector<16x1xi32>
      %parallel_loop3A_703 = vector.shape_cast %parallel_loop3A_702 : vector<16x1xi32> to vector<16xi32>
      %parallel_loop3A_704 = tpu.dynamic_gather %div3A_7[%parallel_loop3A_703] in [0] : vector<16xf32>, vector<16xi32> -> vector<16xf32>
      %parallel_loop3A_705 = arith.index_cast %parallel_loop3A_693 : i32 to index
      %parallel_loop3A_706 = tpu.vector_load %arg8[%parallel_loop3A_705] {strides = array<i32>} : memref<8192xf32, #tpu.memory_space<vmem>>, vector<16xf32>,
      %parallel_loop3A_707 = arith.subf %parallel_loop3A_706, %parallel_loop3A_701 : vector<16xf32>
      %parallel_loop3A_708 = arith.mulf %parallel_loop3A_707, %parallel_loop3A_704 : vector<16xf32>
      %parallel_loop3A_709 = arith.index_cast %parallel_loop3A_693 : i32 to index
      %parallel_loop3A_710 = tpu.vector_load %arg16[%parallel_loop3A_709] {strides = array<i32>} : memref<8192xf32, #tpu.memory_space<vmem>>, vector<16xf32>,
      tpu.vector_store %arg16[%parallel_loop3A_709], %parallel_loop3A_708 {strides = array<i32>} : memref<8192xf32, #tpu.memory_space<vmem>>, vector<16xf32>,
    } {sc.loop_unroll_factor = 8 : i64, sc.parallel_access}
    %add3A_113 = arith.constant 8192 : i32
    %add3A_114 = arith.addi %mul3A_2, %add3A_113 : i32
    %dma_start3A_115 = arith.constant 0 : i32
    %dma_start3A_116 = tpu.memref_slice %arg16[%dma_start3A_115] : memref<8192xf32, #tpu.memory_space<vmem>> -> memref<8192xf32, #tpu.memory_space<vmem>>
    %dma_start3A_117 = tpu.memref_slice %arg6[%add3A_114] : memref<4194304xf32, #tpu.memory_space<hbm>> -> memref<8192xf32, #tpu.memory_space<hbm>>
    %dma_start3A_118 = tpu.memref_slice %arg6[%add3A_114] : memref<4194304xf32, #tpu.memory_space<hbm>> -> memref<8192xf32, #tpu.memory_space<hbm>>
    %dma_start3A_119 = arith.constant 0 : i32
    %dma_start3A_120 = tpu.memref_slice %arg16[%dma_start3A_119] : memref<8192xf32, #tpu.memory_space<vmem>> -> memref<8192xf32, #tpu.memory_space<vmem>>
    tpu.enqueue_dma source(%dma_start3A_120 : memref<8192xf32, #tpu.memory_space<vmem>>) target(%dma_start3A_118 : memref<8192xf32, #tpu.memory_space<hbm>>) target_semaphore(%arg26 : memref<!tpu.dma_semaphore, #tpu.memory_space<semaphore_mem>>)
    %add3A_121 = arith.constant 40960 : i32
    %add3A_122 = arith.addi %mul3A_2, %add3A_121 : i32
    %dma_start3A_123 = arith.constant 0 : i32
    %dma_start3A_124 = tpu.memref_slice %arg8[%dma_start3A_123] : memref<8192xf32, #tpu.memory_space<vmem>> -> memref<8192xf32, #tpu.memory_space<vmem>>
    %dma_start3A_125 = tpu.memref_slice %arg2[%add3A_122] : memref<4194304xf32, #tpu.memory_space<hbm>> -> memref<8192xf32, #tpu.memory_space<hbm>>
    %dma_start3A_126 = arith.constant 0 : i32
    %dma_start3A_127 = tpu.memref_slice %arg8[%dma_start3A_126] : memref<8192xf32, #tpu.memory_space<vmem>> -> memref<8192xf32, #tpu.memory_space<vmem>>
    %dma_start3A_128 = tpu.memref_slice %arg2[%add3A_122] : memref<4194304xf32, #tpu.memory_space<hbm>> -> memref<8192xf32, #tpu.memory_space<hbm>>
    tpu.enqueue_dma source(%dma_start3A_128 : memref<8192xf32, #tpu.memory_space<hbm>>) target(%dma_start3A_127 : memref<8192xf32, #tpu.memory_space<vmem>>) target_semaphore(%arg22 : memref<!tpu.dma_semaphore, #tpu.memory_space<semaphore_mem>>)
    %dma_start3A_129 = arith.constant 0 : i32
    %dma_start3A_130 = tpu.memref_slice %arg12[%dma_start3A_129] : memref<8192xi32, #tpu.memory_space<vmem>> -> memref<8192xi32, #tpu.memory_space<vmem>>
    %dma_start3A_131 = tpu.memref_slice %arg3[%add3A_122] : memref<4194304xi32, #tpu.memory_space<hbm>> -> memref<8192xi32, #tpu.memory_space<hbm>>
    %dma_start3A_132 = arith.constant 0 : i32
    %dma_start3A_133 = tpu.memref_slice %arg12[%dma_start3A_132] : memref<8192xi32, #tpu.memory_space<vmem>> -> memref<8192xi32, #tpu.memory_space<vmem>>
    %dma_start3A_134 = tpu.memref_slice %arg3[%add3A_122] : memref<4194304xi32, #tpu.memory_space<hbm>> -> memref<8192xi32, #tpu.memory_space<hbm>>
    tpu.enqueue_dma source(%dma_start3A_134 : memref<8192xi32, #tpu.memory_space<hbm>>) target(%dma_start3A_133 : memref<8192xi32, #tpu.memory_space<vmem>>) target_semaphore(%arg22 : memref<!tpu.dma_semaphore, #tpu.memory_space<semaphore_mem>>)
    %dma_wait3A_135 = arith.constant 0 : i32
    %dma_wait3A_136 = tpu.memref_slice %arg9[%dma_wait3A_135] : memref<8192xf32, #tpu.memory_space<vmem>> -> memref<8192xf32, #tpu.memory_space<vmem>>
    %dma_wait3A_137 = tpu.memref_slice %arg2[%add3A_36] : memref<4194304xf32, #tpu.memory_space<hbm>> -> memref<8192xf32, #tpu.memory_space<hbm>>
    %dma_wait3A_138 = arith.constant 0 : i32
    %dma_wait3A_139 = tpu.memref_slice %arg9[%dma_wait3A_138] : memref<8192xf32, #tpu.memory_space<vmem>> -> memref<8192xf32, #tpu.memory_space<vmem>>
    %dma_wait3A_140 = tpu.memref_slice %arg2[%add3A_36] : memref<4194304xf32, #tpu.memory_space<hbm>> -> memref<8192xf32, #tpu.memory_space<hbm>>
    tpu.wait_dma2 semaphore(%arg23 : memref<!tpu.dma_semaphore, #tpu.memory_space<semaphore_mem>>) src(%dma_wait3A_140 : memref<8192xf32, #tpu.memory_space<hbm>>) dst(%dma_wait3A_139 : memref<8192xf32, #tpu.memory_space<vmem>>)
    %dma_wait3A_141 = arith.constant 0 : i32
    %dma_wait3A_142 = tpu.memref_slice %arg13[%dma_wait3A_141] : memref<8192xi32, #tpu.memory_space<vmem>> -> memref<8192xi32, #tpu.memory_space<vmem>>
    %dma_wait3A_143 = tpu.memref_slice %arg3[%add3A_36] : memref<4194304xi32, #tpu.memory_space<hbm>> -> memref<8192xi32, #tpu.memory_space<hbm>>
    %dma_wait3A_144 = arith.constant 0 : i32
    %dma_wait3A_145 = tpu.memref_slice %arg13[%dma_wait3A_144] : memref<8192xi32, #tpu.memory_space<vmem>> -> memref<8192xi32, #tpu.memory_space<vmem>>
    %dma_wait3A_146 = tpu.memref_slice %arg3[%add3A_36] : memref<4194304xi32, #tpu.memory_space<hbm>> -> memref<8192xi32, #tpu.memory_space<hbm>>
    tpu.wait_dma2 semaphore(%arg23 : memref<!tpu.dma_semaphore, #tpu.memory_space<semaphore_mem>>) src(%dma_wait3A_146 : memref<8192xi32, #tpu.memory_space<hbm>>) dst(%dma_wait3A_145 : memref<8192xi32, #tpu.memory_space<vmem>>)
    %parallel_loop3A_147 = arith.constant 0 : i32
    %parallel_loop3A_148 = arith.constant 8192 : i32
    %parallel_loop3A_149 = arith.constant 16 : i32
    scf.for %parallel_loop3A_693 = %parallel_loop3A_147 to %parallel_loop3A_148 step %parallel_loop3A_149  : i32 {
      %parallel_loop3A_694 = arith.index_cast %parallel_loop3A_693 : i32 to index
      %parallel_loop3A_695 = tpu.vector_load %arg13[%parallel_loop3A_694] {strides = array<i32>} : memref<8192xi32, #tpu.memory_space<vmem>>, vector<16xi32>,
      %parallel_loop3A_696 = arith.constant 1 : i32
      %parallel_loop3A_697 = vector.broadcast %parallel_loop3A_696 : i32 to vector<16xi32>
      %parallel_loop3A_698 = arith.subi %parallel_loop3A_695, %parallel_loop3A_697 : vector<16xi32>
      %parallel_loop3A_699 = vector.shape_cast %parallel_loop3A_698 : vector<16xi32> to vector<16x1xi32>
      %parallel_loop3A_700 = vector.shape_cast %parallel_loop3A_699 : vector<16x1xi32> to vector<16xi32>
      %parallel_loop3A_701 = tpu.dynamic_gather %get3A_3[%parallel_loop3A_700] in [0] : vector<16xf32>, vector<16xi32> -> vector<16xf32>
      %parallel_loop3A_702 = vector.shape_cast %parallel_loop3A_698 : vector<16xi32> to vector<16x1xi32>
      %parallel_loop3A_703 = vector.shape_cast %parallel_loop3A_702 : vector<16x1xi32> to vector<16xi32>
      %parallel_loop3A_704 = tpu.dynamic_gather %div3A_7[%parallel_loop3A_703] in [0] : vector<16xf32>, vector<16xi32> -> vector<16xf32>
      %parallel_loop3A_705 = arith.index_cast %parallel_loop3A_693 : i32 to index
      %parallel_loop3A_706 = tpu.vector_load %arg9[%parallel_loop3A_705] {strides = array<i32>} : memref<8192xf32, #tpu.memory_space<vmem>>, vector<16xf32>,
      %parallel_loop3A_707 = arith.subf %parallel_loop3A_706, %parallel_loop3A_701 : vector<16xf32>
      %parallel_loop3A_708 = arith.mulf %parallel_loop3A_707, %parallel_loop3A_704 : vector<16xf32>
      %parallel_loop3A_709 = arith.index_cast %parallel_loop3A_693 : i32 to index
      %parallel_loop3A_710 = tpu.vector_load %arg17[%parallel_loop3A_709] {strides = array<i32>} : memref<8192xf32, #tpu.memory_space<vmem>>, vector<16xf32>,
      tpu.vector_store %arg17[%parallel_loop3A_709], %parallel_loop3A_708 {strides = array<i32>} : memref<8192xf32, #tpu.memory_space<vmem>>, vector<16xf32>,
    } {sc.loop_unroll_factor = 8 : i64, sc.parallel_access}
    %add3A_150 = arith.constant 16384 : i32
    %add3A_151 = arith.addi %mul3A_2, %add3A_150 : i32
    %dma_start3A_152 = arith.constant 0 : i32
    %dma_start3A_153 = tpu.memref_slice %arg17[%dma_start3A_152] : memref<8192xf32, #tpu.memory_space<vmem>> -> memref<8192xf32, #tpu.memory_space<vmem>>
    %dma_start3A_154 = tpu.memref_slice %arg6[%add3A_151] : memref<4194304xf32, #tpu.memory_space<hbm>> -> memref<8192xf32, #tpu.memory_space<hbm>>
    %dma_start3A_155 = tpu.memref_slice %arg6[%add3A_151] : memref<4194304xf32, #tpu.memory_space<hbm>> -> memref<8192xf32, #tpu.memory_space<hbm>>
    %dma_start3A_156 = arith.constant 0 : i32
    %dma_start3A_157 = tpu.memref_slice %arg17[%dma_start3A_156] : memref<8192xf32, #tpu.memory_space<vmem>> -> memref<8192xf32, #tpu.memory_space<vmem>>
    tpu.enqueue_dma source(%dma_start3A_157 : memref<8192xf32, #tpu.memory_space<vmem>>) target(%dma_start3A_155 : memref<8192xf32, #tpu.memory_space<hbm>>) target_semaphore(%arg27 : memref<!tpu.dma_semaphore, #tpu.memory_space<semaphore_mem>>)
    %add3A_158 = arith.constant 49152 : i32
    %add3A_159 = arith.addi %mul3A_2, %add3A_158 : i32
    %dma_start3A_160 = arith.constant 0 : i32
    %dma_start3A_161 = tpu.memref_slice %arg9[%dma_start3A_160] : memref<8192xf32, #tpu.memory_space<vmem>> -> memref<8192xf32, #tpu.memory_space<vmem>>
    %dma_start3A_162 = tpu.memref_slice %arg2[%add3A_159] : memref<4194304xf32, #tpu.memory_space<hbm>> -> memref<8192xf32, #tpu.memory_space<hbm>>
    %dma_start3A_163 = arith.constant 0 : i32
    %dma_start3A_164 = tpu.memref_slice %arg9[%dma_start3A_163] : memref<8192xf32, #tpu.memory_space<vmem>> -> memref<8192xf32, #tpu.memory_space<vmem>>
    %dma_start3A_165 = tpu.memref_slice %arg2[%add3A_159] : memref<4194304xf32, #tpu.memory_space<hbm>> -> memref<8192xf32, #tpu.memory_space<hbm>>
    tpu.enqueue_dma source(%dma_start3A_165 : memref<8192xf32, #tpu.memory_space<hbm>>) target(%dma_start3A_164 : memref<8192xf32, #tpu.memory_space<vmem>>) target_semaphore(%arg23 : memref<!tpu.dma_semaphore, #tpu.memory_space<semaphore_mem>>)
    %dma_start3A_166 = arith.constant 0 : i32
    %dma_start3A_167 = tpu.memref_slice %arg13[%dma_start3A_166] : memref<8192xi32, #tpu.memory_space<vmem>> -> memref<8192xi32, #tpu.memory_space<vmem>>
    %dma_start3A_168 = tpu.memref_slice %arg3[%add3A_159] : memref<4194304xi32, #tpu.memory_space<hbm>> -> memref<8192xi32, #tpu.memory_space<hbm>>
    %dma_start3A_169 = arith.constant 0 : i32
    %dma_start3A_170 = tpu.memref_slice %arg13[%dma_start3A_169] : memref<8192xi32, #tpu.memory_space<vmem>> -> memref<8192xi32, #tpu.memory_space<vmem>>
    %dma_start3A_171 = tpu.memref_slice %arg3[%add3A_159] : memref<4194304xi32, #tpu.memory_space<hbm>> -> memref<8192xi32, #tpu.memory_space<hbm>>
    tpu.enqueue_dma source(%dma_start3A_171 : memref<8192xi32, #tpu.memory_space<hbm>>) target(%dma_start3A_170 : memref<8192xi32, #tpu.memory_space<vmem>>) target_semaphore(%arg23 : memref<!tpu.dma_semaphore, #tpu.memory_space<semaphore_mem>>)
    %dma_wait3A_172 = arith.constant 0 : i32
    %dma_wait3A_173 = tpu.memref_slice %arg10[%dma_wait3A_172] : memref<8192xf32, #tpu.memory_space<vmem>> -> memref<8192xf32, #tpu.memory_space<vmem>>
    %dma_wait3A_174 = tpu.memref_slice %arg2[%add3A_50] : memref<4194304xf32, #tpu.memory_space<hbm>> -> memref<8192xf32, #tpu.memory_space<hbm>>
    %dma_wait3A_175 = arith.constant 0 : i32
    %dma_wait3A_176 = tpu.memref_slice %arg10[%dma_wait3A_175] : memref<8192xf32, #tpu.memory_space<vmem>> -> memref<8192xf32, #tpu.memory_space<vmem>>
    %dma_wait3A_177 = tpu.memref_slice %arg2[%add3A_50] : memref<4194304xf32, #tpu.memory_space<hbm>> -> memref<8192xf32, #tpu.memory_space<hbm>>
    tpu.wait_dma2 semaphore(%arg24 : memref<!tpu.dma_semaphore, #tpu.memory_space<semaphore_mem>>) src(%dma_wait3A_177 : memref<8192xf32, #tpu.memory_space<hbm>>) dst(%dma_wait3A_176 : memref<8192xf32, #tpu.memory_space<vmem>>)
    %dma_wait3A_178 = arith.constant 0 : i32
    %dma_wait3A_179 = tpu.memref_slice %arg14[%dma_wait3A_178] : memref<8192xi32, #tpu.memory_space<vmem>> -> memref<8192xi32, #tpu.memory_space<vmem>>
    %dma_wait3A_180 = tpu.memref_slice %arg3[%add3A_50] : memref<4194304xi32, #tpu.memory_space<hbm>> -> memref<8192xi32, #tpu.memory_space<hbm>>
    %dma_wait3A_181 = arith.constant 0 : i32
    %dma_wait3A_182 = tpu.memref_slice %arg14[%dma_wait3A_181] : memref<8192xi32, #tpu.memory_space<vmem>> -> memref<8192xi32, #tpu.memory_space<vmem>>
    %dma_wait3A_183 = tpu.memref_slice %arg3[%add3A_50] : memref<4194304xi32, #tpu.memory_space<hbm>> -> memref<8192xi32, #tpu.memory_space<hbm>>
    tpu.wait_dma2 semaphore(%arg24 : memref<!tpu.dma_semaphore, #tpu.memory_space<semaphore_mem>>) src(%dma_wait3A_183 : memref<8192xi32, #tpu.memory_space<hbm>>) dst(%dma_wait3A_182 : memref<8192xi32, #tpu.memory_space<vmem>>)
    %parallel_loop3A_184 = arith.constant 0 : i32
    %parallel_loop3A_185 = arith.constant 8192 : i32
    %parallel_loop3A_186 = arith.constant 16 : i32
    scf.for %parallel_loop3A_693 = %parallel_loop3A_184 to %parallel_loop3A_185 step %parallel_loop3A_186  : i32 {
      %parallel_loop3A_694 = arith.index_cast %parallel_loop3A_693 : i32 to index
      %parallel_loop3A_695 = tpu.vector_load %arg14[%parallel_loop3A_694] {strides = array<i32>} : memref<8192xi32, #tpu.memory_space<vmem>>, vector<16xi32>,
      %parallel_loop3A_696 = arith.constant 1 : i32
      %parallel_loop3A_697 = vector.broadcast %parallel_loop3A_696 : i32 to vector<16xi32>
      %parallel_loop3A_698 = arith.subi %parallel_loop3A_695, %parallel_loop3A_697 : vector<16xi32>
      %parallel_loop3A_699 = vector.shape_cast %parallel_loop3A_698 : vector<16xi32> to vector<16x1xi32>
      %parallel_loop3A_700 = vector.shape_cast %parallel_loop3A_699 : vector<16x1xi32> to vector<16xi32>
      %parallel_loop3A_701 = tpu.dynamic_gather %get3A_3[%parallel_loop3A_700] in [0] : vector<16xf32>, vector<16xi32> -> vector<16xf32>
      %parallel_loop3A_702 = vector.shape_cast %parallel_loop3A_698 : vector<16xi32> to vector<16x1xi32>
      %parallel_loop3A_703 = vector.shape_cast %parallel_loop3A_702 : vector<16x1xi32> to vector<16xi32>
      %parallel_loop3A_704 = tpu.dynamic_gather %div3A_7[%parallel_loop3A_703] in [0] : vector<16xf32>, vector<16xi32> -> vector<16xf32>
      %parallel_loop3A_705 = arith.index_cast %parallel_loop3A_693 : i32 to index
      %parallel_loop3A_706 = tpu.vector_load %arg10[%parallel_loop3A_705] {strides = array<i32>} : memref<8192xf32, #tpu.memory_space<vmem>>, vector<16xf32>,
      %parallel_loop3A_707 = arith.subf %parallel_loop3A_706, %parallel_loop3A_701 : vector<16xf32>
      %parallel_loop3A_708 = arith.mulf %parallel_loop3A_707, %parallel_loop3A_704 : vector<16xf32>
      %parallel_loop3A_709 = arith.index_cast %parallel_loop3A_693 : i32 to index
      %parallel_loop3A_710 = tpu.vector_load %arg18[%parallel_loop3A_709] {strides = array<i32>} : memref<8192xf32, #tpu.memory_space<vmem>>, vector<16xf32>,
      tpu.vector_store %arg18[%parallel_loop3A_709], %parallel_loop3A_708 {strides = array<i32>} : memref<8192xf32, #tpu.memory_space<vmem>>, vector<16xf32>,
    } {sc.loop_unroll_factor = 8 : i64, sc.parallel_access}
    %add3A_187 = arith.constant 24576 : i32
    %add3A_188 = arith.addi %mul3A_2, %add3A_187 : i32
    %dma_start3A_189 = arith.constant 0 : i32
    %dma_start3A_190 = tpu.memref_slice %arg18[%dma_start3A_189] : memref<8192xf32, #tpu.memory_space<vmem>> -> memref<8192xf32, #tpu.memory_space<vmem>>
    %dma_start3A_191 = tpu.memref_slice %arg6[%add3A_188] : memref<4194304xf32, #tpu.memory_space<hbm>> -> memref<8192xf32, #tpu.memory_space<hbm>>
    %dma_start3A_192 = tpu.memref_slice %arg6[%add3A_188] : memref<4194304xf32, #tpu.memory_space<hbm>> -> memref<8192xf32, #tpu.memory_space<hbm>>
    %dma_start3A_193 = arith.constant 0 : i32
    %dma_start3A_194 = tpu.memref_slice %arg18[%dma_start3A_193] : memref<8192xf32, #tpu.memory_space<vmem>> -> memref<8192xf32, #tpu.memory_space<vmem>>
    tpu.enqueue_dma source(%dma_start3A_194 : memref<8192xf32, #tpu.memory_space<vmem>>) target(%dma_start3A_192 : memref<8192xf32, #tpu.memory_space<hbm>>) target_semaphore(%arg28 : memref<!tpu.dma_semaphore, #tpu.memory_space<semaphore_mem>>)
    %add3A_195 = arith.constant 57344 : i32
    %add3A_196 = arith.addi %mul3A_2, %add3A_195 : i32
    %dma_start3A_197 = arith.constant 0 : i32
    %dma_start3A_198 = tpu.memref_slice %arg10[%dma_start3A_197] : memref<8192xf32, #tpu.memory_space<vmem>> -> memref<8192xf32, #tpu.memory_space<vmem>>
    %dma_start3A_199 = tpu.memref_slice %arg2[%add3A_196] : memref<4194304xf32, #tpu.memory_space<hbm>> -> memref<8192xf32, #tpu.memory_space<hbm>>
    %dma_start3A_200 = arith.constant 0 : i32
    %dma_start3A_201 = tpu.memref_slice %arg10[%dma_start3A_200] : memref<8192xf32, #tpu.memory_space<vmem>> -> memref<8192xf32, #tpu.memory_space<vmem>>
    %dma_start3A_202 = tpu.memref_slice %arg2[%add3A_196] : memref<4194304xf32, #tpu.memory_space<hbm>> -> memref<8192xf32, #tpu.memory_space<hbm>>
    tpu.enqueue_dma source(%dma_start3A_202 : memref<8192xf32, #tpu.memory_space<hbm>>) target(%dma_start3A_201 : memref<8192xf32, #tpu.memory_space<vmem>>) target_semaphore(%arg24 : memref<!tpu.dma_semaphore, #tpu.memory_space<semaphore_mem>>)
    %dma_start3A_203 = arith.constant 0 : i32
    %dma_start3A_204 = tpu.memref_slice %arg14[%dma_start3A_203] : memref<8192xi32, #tpu.memory_space<vmem>> -> memref<8192xi32, #tpu.memory_space<vmem>>
    %dma_start3A_205 = tpu.memref_slice %arg3[%add3A_196] : memref<4194304xi32, #tpu.memory_space<hbm>> -> memref<8192xi32, #tpu.memory_space<hbm>>
    %dma_start3A_206 = arith.constant 0 : i32
    %dma_start3A_207 = tpu.memref_slice %arg14[%dma_start3A_206] : memref<8192xi32, #tpu.memory_space<vmem>> -> memref<8192xi32, #tpu.memory_space<vmem>>
    %dma_start3A_208 = tpu.memref_slice %arg3[%add3A_196] : memref<4194304xi32, #tpu.memory_space<hbm>> -> memref<8192xi32, #tpu.memory_space<hbm>>
    tpu.enqueue_dma source(%dma_start3A_208 : memref<8192xi32, #tpu.memory_space<hbm>>) target(%dma_start3A_207 : memref<8192xi32, #tpu.memory_space<vmem>>) target_semaphore(%arg24 : memref<!tpu.dma_semaphore, #tpu.memory_space<semaphore_mem>>)
    %dma_wait3A_209 = arith.constant 0 : i32
    %dma_wait3A_210 = tpu.memref_slice %arg7[%dma_wait3A_209] : memref<8192xf32, #tpu.memory_space<vmem>> -> memref<8192xf32, #tpu.memory_space<vmem>>
    %dma_wait3A_211 = tpu.memref_slice %arg2[%add3A_85] : memref<4194304xf32, #tpu.memory_space<hbm>> -> memref<8192xf32, #tpu.memory_space<hbm>>
    %dma_wait3A_212 = arith.constant 0 : i32
    %dma_wait3A_213 = tpu.memref_slice %arg7[%dma_wait3A_212] : memref<8192xf32, #tpu.memory_space<vmem>> -> memref<8192xf32, #tpu.memory_space<vmem>>
    %dma_wait3A_214 = tpu.memref_slice %arg2[%add3A_85] : memref<4194304xf32, #tpu.memory_space<hbm>> -> memref<8192xf32, #tpu.memory_space<hbm>>
    tpu.wait_dma2 semaphore(%arg21 : memref<!tpu.dma_semaphore, #tpu.memory_space<semaphore_mem>>) src(%dma_wait3A_214 : memref<8192xf32, #tpu.memory_space<hbm>>) dst(%dma_wait3A_213 : memref<8192xf32, #tpu.memory_space<vmem>>)
    %dma_wait3A_215 = arith.constant 0 : i32
    %dma_wait3A_216 = tpu.memref_slice %arg11[%dma_wait3A_215] : memref<8192xi32, #tpu.memory_space<vmem>> -> memref<8192xi32, #tpu.memory_space<vmem>>
    %dma_wait3A_217 = tpu.memref_slice %arg3[%add3A_85] : memref<4194304xi32, #tpu.memory_space<hbm>> -> memref<8192xi32, #tpu.memory_space<hbm>>
    %dma_wait3A_218 = arith.constant 0 : i32
    %dma_wait3A_219 = tpu.memref_slice %arg11[%dma_wait3A_218] : memref<8192xi32, #tpu.memory_space<vmem>> -> memref<8192xi32, #tpu.memory_space<vmem>>
    %dma_wait3A_220 = tpu.memref_slice %arg3[%add3A_85] : memref<4194304xi32, #tpu.memory_space<hbm>> -> memref<8192xi32, #tpu.memory_space<hbm>>
    tpu.wait_dma2 semaphore(%arg21 : memref<!tpu.dma_semaphore, #tpu.memory_space<semaphore_mem>>) src(%dma_wait3A_220 : memref<8192xi32, #tpu.memory_space<hbm>>) dst(%dma_wait3A_219 : memref<8192xi32, #tpu.memory_space<vmem>>)
    %dma_wait3A_221 = arith.constant 0 : i32
    %dma_wait3A_222 = tpu.memref_slice %arg15[%dma_wait3A_221] : memref<8192xf32, #tpu.memory_space<vmem>> -> memref<8192xf32, #tpu.memory_space<vmem>>
    %dma_wait3A_223 = tpu.memref_slice %arg6[%add3A_77] : memref<4194304xf32, #tpu.memory_space<hbm>> -> memref<8192xf32, #tpu.memory_space<hbm>>
    %dma_wait3A_224 = tpu.memref_slice %arg6[%add3A_77] : memref<4194304xf32, #tpu.memory_space<hbm>> -> memref<8192xf32, #tpu.memory_space<hbm>>
    %dma_wait3A_225 = arith.constant 0 : i32
    %dma_wait3A_226 = tpu.memref_slice %arg15[%dma_wait3A_225] : memref<8192xf32, #tpu.memory_space<vmem>> -> memref<8192xf32, #tpu.memory_space<vmem>>
    tpu.wait_dma2 semaphore(%arg25 : memref<!tpu.dma_semaphore, #tpu.memory_space<semaphore_mem>>) src(%dma_wait3A_226 : memref<8192xf32, #tpu.memory_space<vmem>>) dst(%dma_wait3A_224 : memref<8192xf32, #tpu.memory_space<hbm>>)
    %parallel_loop3A_227 = arith.constant 0 : i32
    %parallel_loop3A_228 = arith.constant 8192 : i32
    %parallel_loop3A_229 = arith.constant 16 : i32
    scf.for %parallel_loop3A_693 = %parallel_loop3A_227 to %parallel_loop3A_228 step %parallel_loop3A_229  : i32 {
      %parallel_loop3A_694 = arith.index_cast %parallel_loop3A_693 : i32 to index
      %parallel_loop3A_695 = tpu.vector_load %arg11[%parallel_loop3A_694] {strides = array<i32>} : memref<8192xi32, #tpu.memory_space<vmem>>, vector<16xi32>,
      %parallel_loop3A_696 = arith.constant 1 : i32
      %parallel_loop3A_697 = vector.broadcast %parallel_loop3A_696 : i32 to vector<16xi32>
      %parallel_loop3A_698 = arith.subi %parallel_loop3A_695, %parallel_loop3A_697 : vector<16xi32>
      %parallel_loop3A_699 = vector.shape_cast %parallel_loop3A_698 : vector<16xi32> to vector<16x1xi32>
      %parallel_loop3A_700 = vector.shape_cast %parallel_loop3A_699 : vector<16x1xi32> to vector<16xi32>
      %parallel_loop3A_701 = tpu.dynamic_gather %get3A_3[%parallel_loop3A_700] in [0] : vector<16xf32>, vector<16xi32> -> vector<16xf32>
      %parallel_loop3A_702 = vector.shape_cast %parallel_loop3A_698 : vector<16xi32> to vector<16x1xi32>
      %parallel_loop3A_703 = vector.shape_cast %parallel_loop3A_702 : vector<16x1xi32> to vector<16xi32>
      %parallel_loop3A_704 = tpu.dynamic_gather %div3A_7[%parallel_loop3A_703] in [0] : vector<16xf32>, vector<16xi32> -> vector<16xf32>
      %parallel_loop3A_705 = arith.index_cast %parallel_loop3A_693 : i32 to index
      %parallel_loop3A_706 = tpu.vector_load %arg7[%parallel_loop3A_705] {strides = array<i32>} : memref<8192xf32, #tpu.memory_space<vmem>>, vector<16xf32>,
      %parallel_loop3A_707 = arith.subf %parallel_loop3A_706, %parallel_loop3A_701 : vector<16xf32>
      %parallel_loop3A_708 = arith.mulf %parallel_loop3A_707, %parallel_loop3A_704 : vector<16xf32>
      %parallel_loop3A_709 = arith.index_cast %parallel_loop3A_693 : i32 to index
      %parallel_loop3A_710 = tpu.vector_load %arg15[%parallel_loop3A_709] {strides = array<i32>} : memref<8192xf32, #tpu.memory_space<vmem>>, vector<16xf32>,
      tpu.vector_store %arg15[%parallel_loop3A_709], %parallel_loop3A_708 {strides = array<i32>} : memref<8192xf32, #tpu.memory_space<vmem>>, vector<16xf32>,
    } {sc.loop_unroll_factor = 8 : i64, sc.parallel_access}
    %add3A_230 = arith.constant 32768 : i32
    %add3A_231 = arith.addi %mul3A_2, %add3A_230 : i32
    %dma_start3A_232 = arith.constant 0 : i32
    %dma_start3A_233 = tpu.memref_slice %arg15[%dma_start3A_232] : memref<8192xf32, #tpu.memory_space<vmem>> -> memref<8192xf32, #tpu.memory_space<vmem>>
    %dma_start3A_234 = tpu.memref_slice %arg6[%add3A_231] : memref<4194304xf32, #tpu.memory_space<hbm>> -> memref<8192xf32, #tpu.memory_space<hbm>>
    %dma_start3A_235 = tpu.memref_slice %arg6[%add3A_231] : memref<4194304xf32, #tpu.memory_space<hbm>> -> memref<8192xf32, #tpu.memory_space<hbm>>
    %dma_start3A_236 = arith.constant 0 : i32
    %dma_start3A_237 = tpu.memref_slice %arg15[%dma_start3A_236] : memref<8192xf32, #tpu.memory_space<vmem>> -> memref<8192xf32, #tpu.memory_space<vmem>>
    tpu.enqueue_dma source(%dma_start3A_237 : memref<8192xf32, #tpu.memory_space<vmem>>) target(%dma_start3A_235 : memref<8192xf32, #tpu.memory_space<hbm>>) target_semaphore(%arg25 : memref<!tpu.dma_semaphore, #tpu.memory_space<semaphore_mem>>)
    %add3A_238 = arith.constant 65536 : i32
    %add3A_239 = arith.addi %mul3A_2, %add3A_238 : i32
    %dma_start3A_240 = arith.constant 0 : i32
    %dma_start3A_241 = tpu.memref_slice %arg7[%dma_start3A_240] : memref<8192xf32, #tpu.memory_space<vmem>> -> memref<8192xf32, #tpu.memory_space<vmem>>
    %dma_start3A_242 = tpu.memref_slice %arg2[%add3A_239] : memref<4194304xf32, #tpu.memory_space<hbm>> -> memref<8192xf32, #tpu.memory_space<hbm>>
    %dma_start3A_243 = arith.constant 0 : i32
    %dma_start3A_244 = tpu.memref_slice %arg7[%dma_start3A_243] : memref<8192xf32, #tpu.memory_space<vmem>> -> memref<8192xf32, #tpu.memory_space<vmem>>
    %dma_start3A_245 = tpu.memref_slice %arg2[%add3A_239] : memref<4194304xf32, #tpu.memory_space<hbm>> -> memref<8192xf32, #tpu.memory_space<hbm>>
    tpu.enqueue_dma source(%dma_start3A_245 : memref<8192xf32, #tpu.memory_space<hbm>>) target(%dma_start3A_244 : memref<8192xf32, #tpu.memory_space<vmem>>) target_semaphore(%arg21 : memref<!tpu.dma_semaphore, #tpu.memory_space<semaphore_mem>>)
    %dma_start3A_246 = arith.constant 0 : i32
    %dma_start3A_247 = tpu.memref_slice %arg11[%dma_start3A_246] : memref<8192xi32, #tpu.memory_space<vmem>> -> memref<8192xi32, #tpu.memory_space<vmem>>
    %dma_start3A_248 = tpu.memref_slice %arg3[%add3A_239] : memref<4194304xi32, #tpu.memory_space<hbm>> -> memref<8192xi32, #tpu.memory_space<hbm>>
    %dma_start3A_249 = arith.constant 0 : i32
    %dma_start3A_250 = tpu.memref_slice %arg11[%dma_start3A_249] : memref<8192xi32, #tpu.memory_space<vmem>> -> memref<8192xi32, #tpu.memory_space<vmem>>
    %dma_start3A_251 = tpu.memref_slice %arg3[%add3A_239] : memref<4194304xi32, #tpu.memory_space<hbm>> -> memref<8192xi32, #tpu.memory_space<hbm>>
    tpu.enqueue_dma source(%dma_start3A_251 : memref<8192xi32, #tpu.memory_space<hbm>>) target(%dma_start3A_250 : memref<8192xi32, #tpu.memory_space<vmem>>) target_semaphore(%arg21 : memref<!tpu.dma_semaphore, #tpu.memory_space<semaphore_mem>>)
    %dma_wait3A_252 = arith.constant 0 : i32
    %dma_wait3A_253 = tpu.memref_slice %arg8[%dma_wait3A_252] : memref<8192xf32, #tpu.memory_space<vmem>> -> memref<8192xf32, #tpu.memory_space<vmem>>
    %dma_wait3A_254 = tpu.memref_slice %arg2[%add3A_122] : memref<4194304xf32, #tpu.memory_space<hbm>> -> memref<8192xf32, #tpu.memory_space<hbm>>
    %dma_wait3A_255 = arith.constant 0 : i32
    %dma_wait3A_256 = tpu.memref_slice %arg8[%dma_wait3A_255] : memref<8192xf32, #tpu.memory_space<vmem>> -> memref<8192xf32, #tpu.memory_space<vmem>>
    %dma_wait3A_257 = tpu.memref_slice %arg2[%add3A_122] : memref<4194304xf32, #tpu.memory_space<hbm>> -> memref<8192xf32, #tpu.memory_space<hbm>>
    tpu.wait_dma2 semaphore(%arg22 : memref<!tpu.dma_semaphore, #tpu.memory_space<semaphore_mem>>) src(%dma_wait3A_257 : memref<8192xf32, #tpu.memory_space<hbm>>) dst(%dma_wait3A_256 : memref<8192xf32, #tpu.memory_space<vmem>>)
    %dma_wait3A_258 = arith.constant 0 : i32
    %dma_wait3A_259 = tpu.memref_slice %arg12[%dma_wait3A_258] : memref<8192xi32, #tpu.memory_space<vmem>> -> memref<8192xi32, #tpu.memory_space<vmem>>
    %dma_wait3A_260 = tpu.memref_slice %arg3[%add3A_122] : memref<4194304xi32, #tpu.memory_space<hbm>> -> memref<8192xi32, #tpu.memory_space<hbm>>
    %dma_wait3A_261 = arith.constant 0 : i32
    %dma_wait3A_262 = tpu.memref_slice %arg12[%dma_wait3A_261] : memref<8192xi32, #tpu.memory_space<vmem>> -> memref<8192xi32, #tpu.memory_space<vmem>>
    %dma_wait3A_263 = tpu.memref_slice %arg3[%add3A_122] : memref<4194304xi32, #tpu.memory_space<hbm>> -> memref<8192xi32, #tpu.memory_space<hbm>>
    tpu.wait_dma2 semaphore(%arg22 : memref<!tpu.dma_semaphore, #tpu.memory_space<semaphore_mem>>) src(%dma_wait3A_263 : memref<8192xi32, #tpu.memory_space<hbm>>) dst(%dma_wait3A_262 : memref<8192xi32, #tpu.memory_space<vmem>>)
    %dma_wait3A_264 = arith.constant 0 : i32
    %dma_wait3A_265 = tpu.memref_slice %arg16[%dma_wait3A_264] : memref<8192xf32, #tpu.memory_space<vmem>> -> memref<8192xf32, #tpu.memory_space<vmem>>
    %dma_wait3A_266 = tpu.memref_slice %arg6[%add3A_114] : memref<4194304xf32, #tpu.memory_space<hbm>> -> memref<8192xf32, #tpu.memory_space<hbm>>
    %dma_wait3A_267 = tpu.memref_slice %arg6[%add3A_114] : memref<4194304xf32, #tpu.memory_space<hbm>> -> memref<8192xf32, #tpu.memory_space<hbm>>
    %dma_wait3A_268 = arith.constant 0 : i32
    %dma_wait3A_269 = tpu.memref_slice %arg16[%dma_wait3A_268] : memref<8192xf32, #tpu.memory_space<vmem>> -> memref<8192xf32, #tpu.memory_space<vmem>>
    tpu.wait_dma2 semaphore(%arg26 : memref<!tpu.dma_semaphore, #tpu.memory_space<semaphore_mem>>) src(%dma_wait3A_269 : memref<8192xf32, #tpu.memory_space<vmem>>) dst(%dma_wait3A_267 : memref<8192xf32, #tpu.memory_space<hbm>>)
    %parallel_loop3A_270 = arith.constant 0 : i32
    %parallel_loop3A_271 = arith.constant 8192 : i32
    %parallel_loop3A_272 = arith.constant 16 : i32
    scf.for %parallel_loop3A_693 = %parallel_loop3A_270 to %parallel_loop3A_271 step %parallel_loop3A_272  : i32 {
      %parallel_loop3A_694 = arith.index_cast %parallel_loop3A_693 : i32 to index
      %parallel_loop3A_695 = tpu.vector_load %arg12[%parallel_loop3A_694] {strides = array<i32>} : memref<8192xi32, #tpu.memory_space<vmem>>, vector<16xi32>,
      %parallel_loop3A_696 = arith.constant 1 : i32
      %parallel_loop3A_697 = vector.broadcast %parallel_loop3A_696 : i32 to vector<16xi32>
      %parallel_loop3A_698 = arith.subi %parallel_loop3A_695, %parallel_loop3A_697 : vector<16xi32>
      %parallel_loop3A_699 = vector.shape_cast %parallel_loop3A_698 : vector<16xi32> to vector<16x1xi32>
      %parallel_loop3A_700 = vector.shape_cast %parallel_loop3A_699 : vector<16x1xi32> to vector<16xi32>
      %parallel_loop3A_701 = tpu.dynamic_gather %get3A_3[%parallel_loop3A_700] in [0] : vector<16xf32>, vector<16xi32> -> vector<16xf32>
      %parallel_loop3A_702 = vector.shape_cast %parallel_loop3A_698 : vector<16xi32> to vector<16x1xi32>
      %parallel_loop3A_703 = vector.shape_cast %parallel_loop3A_702 : vector<16x1xi32> to vector<16xi32>
      %parallel_loop3A_704 = tpu.dynamic_gather %div3A_7[%parallel_loop3A_703] in [0] : vector<16xf32>, vector<16xi32> -> vector<16xf32>
      %parallel_loop3A_705 = arith.index_cast %parallel_loop3A_693 : i32 to index
      %parallel_loop3A_706 = tpu.vector_load %arg8[%parallel_loop3A_705] {strides = array<i32>} : memref<8192xf32, #tpu.memory_space<vmem>>, vector<16xf32>,
      %parallel_loop3A_707 = arith.subf %parallel_loop3A_706, %parallel_loop3A_701 : vector<16xf32>
      %parallel_loop3A_708 = arith.mulf %parallel_loop3A_707, %parallel_loop3A_704 : vector<16xf32>
      %parallel_loop3A_709 = arith.index_cast %parallel_loop3A_693 : i32 to index
      %parallel_loop3A_710 = tpu.vector_load %arg16[%parallel_loop3A_709] {strides = array<i32>} : memref<8192xf32, #tpu.memory_space<vmem>>, vector<16xf32>,
      tpu.vector_store %arg16[%parallel_loop3A_709], %parallel_loop3A_708 {strides = array<i32>} : memref<8192xf32, #tpu.memory_space<vmem>>, vector<16xf32>,
    } {sc.loop_unroll_factor = 8 : i64, sc.parallel_access}
    %add3A_273 = arith.constant 40960 : i32
    %add3A_274 = arith.addi %mul3A_2, %add3A_273 : i32
    %dma_start3A_275 = arith.constant 0 : i32
    %dma_start3A_276 = tpu.memref_slice %arg16[%dma_start3A_275] : memref<8192xf32, #tpu.memory_space<vmem>> -> memref<8192xf32, #tpu.memory_space<vmem>>
    %dma_start3A_277 = tpu.memref_slice %arg6[%add3A_274] : memref<4194304xf32, #tpu.memory_space<hbm>> -> memref<8192xf32, #tpu.memory_space<hbm>>
    %dma_start3A_278 = tpu.memref_slice %arg6[%add3A_274] : memref<4194304xf32, #tpu.memory_space<hbm>> -> memref<8192xf32, #tpu.memory_space<hbm>>
    %dma_start3A_279 = arith.constant 0 : i32
    %dma_start3A_280 = tpu.memref_slice %arg16[%dma_start3A_279] : memref<8192xf32, #tpu.memory_space<vmem>> -> memref<8192xf32, #tpu.memory_space<vmem>>
    tpu.enqueue_dma source(%dma_start3A_280 : memref<8192xf32, #tpu.memory_space<vmem>>) target(%dma_start3A_278 : memref<8192xf32, #tpu.memory_space<hbm>>) target_semaphore(%arg26 : memref<!tpu.dma_semaphore, #tpu.memory_space<semaphore_mem>>)
    %add3A_281 = arith.constant 73728 : i32
    %add3A_282 = arith.addi %mul3A_2, %add3A_281 : i32
    %dma_start3A_283 = arith.constant 0 : i32
    %dma_start3A_284 = tpu.memref_slice %arg8[%dma_start3A_283] : memref<8192xf32, #tpu.memory_space<vmem>> -> memref<8192xf32, #tpu.memory_space<vmem>>
    %dma_start3A_285 = tpu.memref_slice %arg2[%add3A_282] : memref<4194304xf32, #tpu.memory_space<hbm>> -> memref<8192xf32, #tpu.memory_space<hbm>>
    %dma_start3A_286 = arith.constant 0 : i32
    %dma_start3A_287 = tpu.memref_slice %arg8[%dma_start3A_286] : memref<8192xf32, #tpu.memory_space<vmem>> -> memref<8192xf32, #tpu.memory_space<vmem>>
    %dma_start3A_288 = tpu.memref_slice %arg2[%add3A_282] : memref<4194304xf32, #tpu.memory_space<hbm>> -> memref<8192xf32, #tpu.memory_space<hbm>>
    tpu.enqueue_dma source(%dma_start3A_288 : memref<8192xf32, #tpu.memory_space<hbm>>) target(%dma_start3A_287 : memref<8192xf32, #tpu.memory_space<vmem>>) target_semaphore(%arg22 : memref<!tpu.dma_semaphore, #tpu.memory_space<semaphore_mem>>)
    %dma_start3A_289 = arith.constant 0 : i32
    %dma_start3A_290 = tpu.memref_slice %arg12[%dma_start3A_289] : memref<8192xi32, #tpu.memory_space<vmem>> -> memref<8192xi32, #tpu.memory_space<vmem>>
    %dma_start3A_291 = tpu.memref_slice %arg3[%add3A_282] : memref<4194304xi32, #tpu.memory_space<hbm>> -> memref<8192xi32, #tpu.memory_space<hbm>>
    %dma_start3A_292 = arith.constant 0 : i32
    %dma_start3A_293 = tpu.memref_slice %arg12[%dma_start3A_292] : memref<8192xi32, #tpu.memory_space<vmem>> -> memref<8192xi32, #tpu.memory_space<vmem>>
    %dma_start3A_294 = tpu.memref_slice %arg3[%add3A_282] : memref<4194304xi32, #tpu.memory_space<hbm>> -> memref<8192xi32, #tpu.memory_space<hbm>>
    tpu.enqueue_dma source(%dma_start3A_294 : memref<8192xi32, #tpu.memory_space<hbm>>) target(%dma_start3A_293 : memref<8192xi32, #tpu.memory_space<vmem>>) target_semaphore(%arg22 : memref<!tpu.dma_semaphore, #tpu.memory_space<semaphore_mem>>)
    %dma_wait3A_295 = arith.constant 0 : i32
    %dma_wait3A_296 = tpu.memref_slice %arg9[%dma_wait3A_295] : memref<8192xf32, #tpu.memory_space<vmem>> -> memref<8192xf32, #tpu.memory_space<vmem>>
    %dma_wait3A_297 = tpu.memref_slice %arg2[%add3A_159] : memref<4194304xf32, #tpu.memory_space<hbm>> -> memref<8192xf32, #tpu.memory_space<hbm>>
    %dma_wait3A_298 = arith.constant 0 : i32
    %dma_wait3A_299 = tpu.memref_slice %arg9[%dma_wait3A_298] : memref<8192xf32, #tpu.memory_space<vmem>> -> memref<8192xf32, #tpu.memory_space<vmem>>
    %dma_wait3A_300 = tpu.memref_slice %arg2[%add3A_159] : memref<4194304xf32, #tpu.memory_space<hbm>> -> memref<8192xf32, #tpu.memory_space<hbm>>
    tpu.wait_dma2 semaphore(%arg23 : memref<!tpu.dma_semaphore, #tpu.memory_space<semaphore_mem>>) src(%dma_wait3A_300 : memref<8192xf32, #tpu.memory_space<hbm>>) dst(%dma_wait3A_299 : memref<8192xf32, #tpu.memory_space<vmem>>)
    %dma_wait3A_301 = arith.constant 0 : i32
    %dma_wait3A_302 = tpu.memref_slice %arg13[%dma_wait3A_301] : memref<8192xi32, #tpu.memory_space<vmem>> -> memref<8192xi32, #tpu.memory_space<vmem>>
    %dma_wait3A_303 = tpu.memref_slice %arg3[%add3A_159] : memref<4194304xi32, #tpu.memory_space<hbm>> -> memref<8192xi32, #tpu.memory_space<hbm>>
    %dma_wait3A_304 = arith.constant 0 : i32
    %dma_wait3A_305 = tpu.memref_slice %arg13[%dma_wait3A_304] : memref<8192xi32, #tpu.memory_space<vmem>> -> memref<8192xi32, #tpu.memory_space<vmem>>
    %dma_wait3A_306 = tpu.memref_slice %arg3[%add3A_159] : memref<4194304xi32, #tpu.memory_space<hbm>> -> memref<8192xi32, #tpu.memory_space<hbm>>
    tpu.wait_dma2 semaphore(%arg23 : memref<!tpu.dma_semaphore, #tpu.memory_space<semaphore_mem>>) src(%dma_wait3A_306 : memref<8192xi32, #tpu.memory_space<hbm>>) dst(%dma_wait3A_305 : memref<8192xi32, #tpu.memory_space<vmem>>)
    %dma_wait3A_307 = arith.constant 0 : i32
    %dma_wait3A_308 = tpu.memref_slice %arg17[%dma_wait3A_307] : memref<8192xf32, #tpu.memory_space<vmem>> -> memref<8192xf32, #tpu.memory_space<vmem>>
    %dma_wait3A_309 = tpu.memref_slice %arg6[%add3A_151] : memref<4194304xf32, #tpu.memory_space<hbm>> -> memref<8192xf32, #tpu.memory_space<hbm>>
    %dma_wait3A_310 = tpu.memref_slice %arg6[%add3A_151] : memref<4194304xf32, #tpu.memory_space<hbm>> -> memref<8192xf32, #tpu.memory_space<hbm>>
    %dma_wait3A_311 = arith.constant 0 : i32
    %dma_wait3A_312 = tpu.memref_slice %arg17[%dma_wait3A_311] : memref<8192xf32, #tpu.memory_space<vmem>> -> memref<8192xf32, #tpu.memory_space<vmem>>
    tpu.wait_dma2 semaphore(%arg27 : memref<!tpu.dma_semaphore, #tpu.memory_space<semaphore_mem>>) src(%dma_wait3A_312 : memref<8192xf32, #tpu.memory_space<vmem>>) dst(%dma_wait3A_310 : memref<8192xf32, #tpu.memory_space<hbm>>)
    %parallel_loop3A_313 = arith.constant 0 : i32
    %parallel_loop3A_314 = arith.constant 8192 : i32
    %parallel_loop3A_315 = arith.constant 16 : i32
    scf.for %parallel_loop3A_693 = %parallel_loop3A_313 to %parallel_loop3A_314 step %parallel_loop3A_315  : i32 {
      %parallel_loop3A_694 = arith.index_cast %parallel_loop3A_693 : i32 to index
      %parallel_loop3A_695 = tpu.vector_load %arg13[%parallel_loop3A_694] {strides = array<i32>} : memref<8192xi32, #tpu.memory_space<vmem>>, vector<16xi32>,
      %parallel_loop3A_696 = arith.constant 1 : i32
      %parallel_loop3A_697 = vector.broadcast %parallel_loop3A_696 : i32 to vector<16xi32>
      %parallel_loop3A_698 = arith.subi %parallel_loop3A_695, %parallel_loop3A_697 : vector<16xi32>
      %parallel_loop3A_699 = vector.shape_cast %parallel_loop3A_698 : vector<16xi32> to vector<16x1xi32>
      %parallel_loop3A_700 = vector.shape_cast %parallel_loop3A_699 : vector<16x1xi32> to vector<16xi32>
      %parallel_loop3A_701 = tpu.dynamic_gather %get3A_3[%parallel_loop3A_700] in [0] : vector<16xf32>, vector<16xi32> -> vector<16xf32>
      %parallel_loop3A_702 = vector.shape_cast %parallel_loop3A_698 : vector<16xi32> to vector<16x1xi32>
      %parallel_loop3A_703 = vector.shape_cast %parallel_loop3A_702 : vector<16x1xi32> to vector<16xi32>
      %parallel_loop3A_704 = tpu.dynamic_gather %div3A_7[%parallel_loop3A_703] in [0] : vector<16xf32>, vector<16xi32> -> vector<16xf32>
      %parallel_loop3A_705 = arith.index_cast %parallel_loop3A_693 : i32 to index
      %parallel_loop3A_706 = tpu.vector_load %arg9[%parallel_loop3A_705] {strides = array<i32>} : memref<8192xf32, #tpu.memory_space<vmem>>, vector<16xf32>,
      %parallel_loop3A_707 = arith.subf %parallel_loop3A_706, %parallel_loop3A_701 : vector<16xf32>
      %parallel_loop3A_708 = arith.mulf %parallel_loop3A_707, %parallel_loop3A_704 : vector<16xf32>
      %parallel_loop3A_709 = arith.index_cast %parallel_loop3A_693 : i32 to index
      %parallel_loop3A_710 = tpu.vector_load %arg17[%parallel_loop3A_709] {strides = array<i32>} : memref<8192xf32, #tpu.memory_space<vmem>>, vector<16xf32>,
      tpu.vector_store %arg17[%parallel_loop3A_709], %parallel_loop3A_708 {strides = array<i32>} : memref<8192xf32, #tpu.memory_space<vmem>>, vector<16xf32>,
    } {sc.loop_unroll_factor = 8 : i64, sc.parallel_access}
    %add3A_316 = arith.constant 49152 : i32
    %add3A_317 = arith.addi %mul3A_2, %add3A_316 : i32
    %dma_start3A_318 = arith.constant 0 : i32
    %dma_start3A_319 = tpu.memref_slice %arg17[%dma_start3A_318] : memref<8192xf32, #tpu.memory_space<vmem>> -> memref<8192xf32, #tpu.memory_space<vmem>>
    %dma_start3A_320 = tpu.memref_slice %arg6[%add3A_317] : memref<4194304xf32, #tpu.memory_space<hbm>> -> memref<8192xf32, #tpu.memory_space<hbm>>
    %dma_start3A_321 = tpu.memref_slice %arg6[%add3A_317] : memref<4194304xf32, #tpu.memory_space<hbm>> -> memref<8192xf32, #tpu.memory_space<hbm>>
    %dma_start3A_322 = arith.constant 0 : i32
    %dma_start3A_323 = tpu.memref_slice %arg17[%dma_start3A_322] : memref<8192xf32, #tpu.memory_space<vmem>> -> memref<8192xf32, #tpu.memory_space<vmem>>
    tpu.enqueue_dma source(%dma_start3A_323 : memref<8192xf32, #tpu.memory_space<vmem>>) target(%dma_start3A_321 : memref<8192xf32, #tpu.memory_space<hbm>>) target_semaphore(%arg27 : memref<!tpu.dma_semaphore, #tpu.memory_space<semaphore_mem>>)
    %add3A_324 = arith.constant 81920 : i32
    %add3A_325 = arith.addi %mul3A_2, %add3A_324 : i32
    %dma_start3A_326 = arith.constant 0 : i32
    %dma_start3A_327 = tpu.memref_slice %arg9[%dma_start3A_326] : memref<8192xf32, #tpu.memory_space<vmem>> -> memref<8192xf32, #tpu.memory_space<vmem>>
    %dma_start3A_328 = tpu.memref_slice %arg2[%add3A_325] : memref<4194304xf32, #tpu.memory_space<hbm>> -> memref<8192xf32, #tpu.memory_space<hbm>>
    %dma_start3A_329 = arith.constant 0 : i32
    %dma_start3A_330 = tpu.memref_slice %arg9[%dma_start3A_329] : memref<8192xf32, #tpu.memory_space<vmem>> -> memref<8192xf32, #tpu.memory_space<vmem>>
    %dma_start3A_331 = tpu.memref_slice %arg2[%add3A_325] : memref<4194304xf32, #tpu.memory_space<hbm>> -> memref<8192xf32, #tpu.memory_space<hbm>>
    tpu.enqueue_dma source(%dma_start3A_331 : memref<8192xf32, #tpu.memory_space<hbm>>) target(%dma_start3A_330 : memref<8192xf32, #tpu.memory_space<vmem>>) target_semaphore(%arg23 : memref<!tpu.dma_semaphore, #tpu.memory_space<semaphore_mem>>)
    %dma_start3A_332 = arith.constant 0 : i32
    %dma_start3A_333 = tpu.memref_slice %arg13[%dma_start3A_332] : memref<8192xi32, #tpu.memory_space<vmem>> -> memref<8192xi32, #tpu.memory_space<vmem>>
    %dma_start3A_334 = tpu.memref_slice %arg3[%add3A_325] : memref<4194304xi32, #tpu.memory_space<hbm>> -> memref<8192xi32, #tpu.memory_space<hbm>>
    %dma_start3A_335 = arith.constant 0 : i32
    %dma_start3A_336 = tpu.memref_slice %arg13[%dma_start3A_335] : memref<8192xi32, #tpu.memory_space<vmem>> -> memref<8192xi32, #tpu.memory_space<vmem>>
    %dma_start3A_337 = tpu.memref_slice %arg3[%add3A_325] : memref<4194304xi32, #tpu.memory_space<hbm>> -> memref<8192xi32, #tpu.memory_space<hbm>>
    tpu.enqueue_dma source(%dma_start3A_337 : memref<8192xi32, #tpu.memory_space<hbm>>) target(%dma_start3A_336 : memref<8192xi32, #tpu.memory_space<vmem>>) target_semaphore(%arg23 : memref<!tpu.dma_semaphore, #tpu.memory_space<semaphore_mem>>)
    %dma_wait3A_338 = arith.constant 0 : i32
    %dma_wait3A_339 = tpu.memref_slice %arg10[%dma_wait3A_338] : memref<8192xf32, #tpu.memory_space<vmem>> -> memref<8192xf32, #tpu.memory_space<vmem>>
    %dma_wait3A_340 = tpu.memref_slice %arg2[%add3A_196] : memref<4194304xf32, #tpu.memory_space<hbm>> -> memref<8192xf32, #tpu.memory_space<hbm>>
    %dma_wait3A_341 = arith.constant 0 : i32
    %dma_wait3A_342 = tpu.memref_slice %arg10[%dma_wait3A_341] : memref<8192xf32, #tpu.memory_space<vmem>> -> memref<8192xf32, #tpu.memory_space<vmem>>
    %dma_wait3A_343 = tpu.memref_slice %arg2[%add3A_196] : memref<4194304xf32, #tpu.memory_space<hbm>> -> memref<8192xf32, #tpu.memory_space<hbm>>
    tpu.wait_dma2 semaphore(%arg24 : memref<!tpu.dma_semaphore, #tpu.memory_space<semaphore_mem>>) src(%dma_wait3A_343 : memref<8192xf32, #tpu.memory_space<hbm>>) dst(%dma_wait3A_342 : memref<8192xf32, #tpu.memory_space<vmem>>)
    %dma_wait3A_344 = arith.constant 0 : i32
    %dma_wait3A_345 = tpu.memref_slice %arg14[%dma_wait3A_344] : memref<8192xi32, #tpu.memory_space<vmem>> -> memref<8192xi32, #tpu.memory_space<vmem>>
    %dma_wait3A_346 = tpu.memref_slice %arg3[%add3A_196] : memref<4194304xi32, #tpu.memory_space<hbm>> -> memref<8192xi32, #tpu.memory_space<hbm>>
    %dma_wait3A_347 = arith.constant 0 : i32
    %dma_wait3A_348 = tpu.memref_slice %arg14[%dma_wait3A_347] : memref<8192xi32, #tpu.memory_space<vmem>> -> memref<8192xi32, #tpu.memory_space<vmem>>
    %dma_wait3A_349 = tpu.memref_slice %arg3[%add3A_196] : memref<4194304xi32, #tpu.memory_space<hbm>> -> memref<8192xi32, #tpu.memory_space<hbm>>
    tpu.wait_dma2 semaphore(%arg24 : memref<!tpu.dma_semaphore, #tpu.memory_space<semaphore_mem>>) src(%dma_wait3A_349 : memref<8192xi32, #tpu.memory_space<hbm>>) dst(%dma_wait3A_348 : memref<8192xi32, #tpu.memory_space<vmem>>)
    %dma_wait3A_350 = arith.constant 0 : i32
    %dma_wait3A_351 = tpu.memref_slice %arg18[%dma_wait3A_350] : memref<8192xf32, #tpu.memory_space<vmem>> -> memref<8192xf32, #tpu.memory_space<vmem>>
    %dma_wait3A_352 = tpu.memref_slice %arg6[%add3A_188] : memref<4194304xf32, #tpu.memory_space<hbm>> -> memref<8192xf32, #tpu.memory_space<hbm>>
    %dma_wait3A_353 = tpu.memref_slice %arg6[%add3A_188] : memref<4194304xf32, #tpu.memory_space<hbm>> -> memref<8192xf32, #tpu.memory_space<hbm>>
    %dma_wait3A_354 = arith.constant 0 : i32
    %dma_wait3A_355 = tpu.memref_slice %arg18[%dma_wait3A_354] : memref<8192xf32, #tpu.memory_space<vmem>> -> memref<8192xf32, #tpu.memory_space<vmem>>
    tpu.wait_dma2 semaphore(%arg28 : memref<!tpu.dma_semaphore, #tpu.memory_space<semaphore_mem>>) src(%dma_wait3A_355 : memref<8192xf32, #tpu.memory_space<vmem>>) dst(%dma_wait3A_353 : memref<8192xf32, #tpu.memory_space<hbm>>)
    %parallel_loop3A_356 = arith.constant 0 : i32
    %parallel_loop3A_357 = arith.constant 8192 : i32
    %parallel_loop3A_358 = arith.constant 16 : i32
    scf.for %parallel_loop3A_693 = %parallel_loop3A_356 to %parallel_loop3A_357 step %parallel_loop3A_358  : i32 {
      %parallel_loop3A_694 = arith.index_cast %parallel_loop3A_693 : i32 to index
      %parallel_loop3A_695 = tpu.vector_load %arg14[%parallel_loop3A_694] {strides = array<i32>} : memref<8192xi32, #tpu.memory_space<vmem>>, vector<16xi32>,
      %parallel_loop3A_696 = arith.constant 1 : i32
      %parallel_loop3A_697 = vector.broadcast %parallel_loop3A_696 : i32 to vector<16xi32>
      %parallel_loop3A_698 = arith.subi %parallel_loop3A_695, %parallel_loop3A_697 : vector<16xi32>
      %parallel_loop3A_699 = vector.shape_cast %parallel_loop3A_698 : vector<16xi32> to vector<16x1xi32>
      %parallel_loop3A_700 = vector.shape_cast %parallel_loop3A_699 : vector<16x1xi32> to vector<16xi32>
      %parallel_loop3A_701 = tpu.dynamic_gather %get3A_3[%parallel_loop3A_700] in [0] : vector<16xf32>, vector<16xi32> -> vector<16xf32>
      %parallel_loop3A_702 = vector.shape_cast %parallel_loop3A_698 : vector<16xi32> to vector<16x1xi32>
      %parallel_loop3A_703 = vector.shape_cast %parallel_loop3A_702 : vector<16x1xi32> to vector<16xi32>
      %parallel_loop3A_704 = tpu.dynamic_gather %div3A_7[%parallel_loop3A_703] in [0] : vector<16xf32>, vector<16xi32> -> vector<16xf32>
      %parallel_loop3A_705 = arith.index_cast %parallel_loop3A_693 : i32 to index
      %parallel_loop3A_706 = tpu.vector_load %arg10[%parallel_loop3A_705] {strides = array<i32>} : memref<8192xf32, #tpu.memory_space<vmem>>, vector<16xf32>,
      %parallel_loop3A_707 = arith.subf %parallel_loop3A_706, %parallel_loop3A_701 : vector<16xf32>
      %parallel_loop3A_708 = arith.mulf %parallel_loop3A_707, %parallel_loop3A_704 : vector<16xf32>
      %parallel_loop3A_709 = arith.index_cast %parallel_loop3A_693 : i32 to index
      %parallel_loop3A_710 = tpu.vector_load %arg18[%parallel_loop3A_709] {strides = array<i32>} : memref<8192xf32, #tpu.memory_space<vmem>>, vector<16xf32>,
      tpu.vector_store %arg18[%parallel_loop3A_709], %parallel_loop3A_708 {strides = array<i32>} : memref<8192xf32, #tpu.memory_space<vmem>>, vector<16xf32>,
    } {sc.loop_unroll_factor = 8 : i64, sc.parallel_access}
    %add3A_359 = arith.constant 57344 : i32
    %add3A_360 = arith.addi %mul3A_2, %add3A_359 : i32
    %dma_start3A_361 = arith.constant 0 : i32
    %dma_start3A_362 = tpu.memref_slice %arg18[%dma_start3A_361] : memref<8192xf32, #tpu.memory_space<vmem>> -> memref<8192xf32, #tpu.memory_space<vmem>>
    %dma_start3A_363 = tpu.memref_slice %arg6[%add3A_360] : memref<4194304xf32, #tpu.memory_space<hbm>> -> memref<8192xf32, #tpu.memory_space<hbm>>
    %dma_start3A_364 = tpu.memref_slice %arg6[%add3A_360] : memref<4194304xf32, #tpu.memory_space<hbm>> -> memref<8192xf32, #tpu.memory_space<hbm>>
    %dma_start3A_365 = arith.constant 0 : i32
    %dma_start3A_366 = tpu.memref_slice %arg18[%dma_start3A_365] : memref<8192xf32, #tpu.memory_space<vmem>> -> memref<8192xf32, #tpu.memory_space<vmem>>
    tpu.enqueue_dma source(%dma_start3A_366 : memref<8192xf32, #tpu.memory_space<vmem>>) target(%dma_start3A_364 : memref<8192xf32, #tpu.memory_space<hbm>>) target_semaphore(%arg28 : memref<!tpu.dma_semaphore, #tpu.memory_space<semaphore_mem>>)
    %add3A_367 = arith.constant 90112 : i32
    %add3A_368 = arith.addi %mul3A_2, %add3A_367 : i32
    %dma_start3A_369 = arith.constant 0 : i32
    %dma_start3A_370 = tpu.memref_slice %arg10[%dma_start3A_369] : memref<8192xf32, #tpu.memory_space<vmem>> -> memref<8192xf32, #tpu.memory_space<vmem>>
    %dma_start3A_371 = tpu.memref_slice %arg2[%add3A_368] : memref<4194304xf32, #tpu.memory_space<hbm>> -> memref<8192xf32, #tpu.memory_space<hbm>>
    %dma_start3A_372 = arith.constant 0 : i32
    %dma_start3A_373 = tpu.memref_slice %arg10[%dma_start3A_372] : memref<8192xf32, #tpu.memory_space<vmem>> -> memref<8192xf32, #tpu.memory_space<vmem>>
    %dma_start3A_374 = tpu.memref_slice %arg2[%add3A_368] : memref<4194304xf32, #tpu.memory_space<hbm>> -> memref<8192xf32, #tpu.memory_space<hbm>>
    tpu.enqueue_dma source(%dma_start3A_374 : memref<8192xf32, #tpu.memory_space<hbm>>) target(%dma_start3A_373 : memref<8192xf32, #tpu.memory_space<vmem>>) target_semaphore(%arg24 : memref<!tpu.dma_semaphore, #tpu.memory_space<semaphore_mem>>)
    %dma_start3A_375 = arith.constant 0 : i32
    %dma_start3A_376 = tpu.memref_slice %arg14[%dma_start3A_375] : memref<8192xi32, #tpu.memory_space<vmem>> -> memref<8192xi32, #tpu.memory_space<vmem>>
    %dma_start3A_377 = tpu.memref_slice %arg3[%add3A_368] : memref<4194304xi32, #tpu.memory_space<hbm>> -> memref<8192xi32, #tpu.memory_space<hbm>>
    %dma_start3A_378 = arith.constant 0 : i32
    %dma_start3A_379 = tpu.memref_slice %arg14[%dma_start3A_378] : memref<8192xi32, #tpu.memory_space<vmem>> -> memref<8192xi32, #tpu.memory_space<vmem>>
    %dma_start3A_380 = tpu.memref_slice %arg3[%add3A_368] : memref<4194304xi32, #tpu.memory_space<hbm>> -> memref<8192xi32, #tpu.memory_space<hbm>>
    tpu.enqueue_dma source(%dma_start3A_380 : memref<8192xi32, #tpu.memory_space<hbm>>) target(%dma_start3A_379 : memref<8192xi32, #tpu.memory_space<vmem>>) target_semaphore(%arg24 : memref<!tpu.dma_semaphore, #tpu.memory_space<semaphore_mem>>)
    %dma_wait3A_381 = arith.constant 0 : i32
    %dma_wait3A_382 = tpu.memref_slice %arg7[%dma_wait3A_381] : memref<8192xf32, #tpu.memory_space<vmem>> -> memref<8192xf32, #tpu.memory_space<vmem>>
    %dma_wait3A_383 = tpu.memref_slice %arg2[%add3A_239] : memref<4194304xf32, #tpu.memory_space<hbm>> -> memref<8192xf32, #tpu.memory_space<hbm>>
    %dma_wait3A_384 = arith.constant 0 : i32
    %dma_wait3A_385 = tpu.memref_slice %arg7[%dma_wait3A_384] : memref<8192xf32, #tpu.memory_space<vmem>> -> memref<8192xf32, #tpu.memory_space<vmem>>
    %dma_wait3A_386 = tpu.memref_slice %arg2[%add3A_239] : memref<4194304xf32, #tpu.memory_space<hbm>> -> memref<8192xf32, #tpu.memory_space<hbm>>
    tpu.wait_dma2 semaphore(%arg21 : memref<!tpu.dma_semaphore, #tpu.memory_space<semaphore_mem>>) src(%dma_wait3A_386 : memref<8192xf32, #tpu.memory_space<hbm>>) dst(%dma_wait3A_385 : memref<8192xf32, #tpu.memory_space<vmem>>)
    %dma_wait3A_387 = arith.constant 0 : i32
    %dma_wait3A_388 = tpu.memref_slice %arg11[%dma_wait3A_387] : memref<8192xi32, #tpu.memory_space<vmem>> -> memref<8192xi32, #tpu.memory_space<vmem>>
    %dma_wait3A_389 = tpu.memref_slice %arg3[%add3A_239] : memref<4194304xi32, #tpu.memory_space<hbm>> -> memref<8192xi32, #tpu.memory_space<hbm>>
    %dma_wait3A_390 = arith.constant 0 : i32
    %dma_wait3A_391 = tpu.memref_slice %arg11[%dma_wait3A_390] : memref<8192xi32, #tpu.memory_space<vmem>> -> memref<8192xi32, #tpu.memory_space<vmem>>
    %dma_wait3A_392 = tpu.memref_slice %arg3[%add3A_239] : memref<4194304xi32, #tpu.memory_space<hbm>> -> memref<8192xi32, #tpu.memory_space<hbm>>
    tpu.wait_dma2 semaphore(%arg21 : memref<!tpu.dma_semaphore, #tpu.memory_space<semaphore_mem>>) src(%dma_wait3A_392 : memref<8192xi32, #tpu.memory_space<hbm>>) dst(%dma_wait3A_391 : memref<8192xi32, #tpu.memory_space<vmem>>)
    %dma_wait3A_393 = arith.constant 0 : i32
    %dma_wait3A_394 = tpu.memref_slice %arg15[%dma_wait3A_393] : memref<8192xf32, #tpu.memory_space<vmem>> -> memref<8192xf32, #tpu.memory_space<vmem>>
    %dma_wait3A_395 = tpu.memref_slice %arg6[%add3A_231] : memref<4194304xf32, #tpu.memory_space<hbm>> -> memref<8192xf32, #tpu.memory_space<hbm>>
    %dma_wait3A_396 = tpu.memref_slice %arg6[%add3A_231] : memref<4194304xf32, #tpu.memory_space<hbm>> -> memref<8192xf32, #tpu.memory_space<hbm>>
    %dma_wait3A_397 = arith.constant 0 : i32
    %dma_wait3A_398 = tpu.memref_slice %arg15[%dma_wait3A_397] : memref<8192xf32, #tpu.memory_space<vmem>> -> memref<8192xf32, #tpu.memory_space<vmem>>
    tpu.wait_dma2 semaphore(%arg25 : memref<!tpu.dma_semaphore, #tpu.memory_space<semaphore_mem>>) src(%dma_wait3A_398 : memref<8192xf32, #tpu.memory_space<vmem>>) dst(%dma_wait3A_396 : memref<8192xf32, #tpu.memory_space<hbm>>)
    %parallel_loop3A_399 = arith.constant 0 : i32
    %parallel_loop3A_400 = arith.constant 8192 : i32
    %parallel_loop3A_401 = arith.constant 16 : i32
    scf.for %parallel_loop3A_693 = %parallel_loop3A_399 to %parallel_loop3A_400 step %parallel_loop3A_401  : i32 {
      %parallel_loop3A_694 = arith.index_cast %parallel_loop3A_693 : i32 to index
      %parallel_loop3A_695 = tpu.vector_load %arg11[%parallel_loop3A_694] {strides = array<i32>} : memref<8192xi32, #tpu.memory_space<vmem>>, vector<16xi32>,
      %parallel_loop3A_696 = arith.constant 1 : i32
      %parallel_loop3A_697 = vector.broadcast %parallel_loop3A_696 : i32 to vector<16xi32>
      %parallel_loop3A_698 = arith.subi %parallel_loop3A_695, %parallel_loop3A_697 : vector<16xi32>
      %parallel_loop3A_699 = vector.shape_cast %parallel_loop3A_698 : vector<16xi32> to vector<16x1xi32>
      %parallel_loop3A_700 = vector.shape_cast %parallel_loop3A_699 : vector<16x1xi32> to vector<16xi32>
      %parallel_loop3A_701 = tpu.dynamic_gather %get3A_3[%parallel_loop3A_700] in [0] : vector<16xf32>, vector<16xi32> -> vector<16xf32>
      %parallel_loop3A_702 = vector.shape_cast %parallel_loop3A_698 : vector<16xi32> to vector<16x1xi32>
      %parallel_loop3A_703 = vector.shape_cast %parallel_loop3A_702 : vector<16x1xi32> to vector<16xi32>
      %parallel_loop3A_704 = tpu.dynamic_gather %div3A_7[%parallel_loop3A_703] in [0] : vector<16xf32>, vector<16xi32> -> vector<16xf32>
      %parallel_loop3A_705 = arith.index_cast %parallel_loop3A_693 : i32 to index
      %parallel_loop3A_706 = tpu.vector_load %arg7[%parallel_loop3A_705] {strides = array<i32>} : memref<8192xf32, #tpu.memory_space<vmem>>, vector<16xf32>,
      %parallel_loop3A_707 = arith.subf %parallel_loop3A_706, %parallel_loop3A_701 : vector<16xf32>
      %parallel_loop3A_708 = arith.mulf %parallel_loop3A_707, %parallel_loop3A_704 : vector<16xf32>
      %parallel_loop3A_709 = arith.index_cast %parallel_loop3A_693 : i32 to index
      %parallel_loop3A_710 = tpu.vector_load %arg15[%parallel_loop3A_709] {strides = array<i32>} : memref<8192xf32, #tpu.memory_space<vmem>>, vector<16xf32>,
      tpu.vector_store %arg15[%parallel_loop3A_709], %parallel_loop3A_708 {strides = array<i32>} : memref<8192xf32, #tpu.memory_space<vmem>>, vector<16xf32>,
    } {sc.loop_unroll_factor = 8 : i64, sc.parallel_access}
    %add3A_402 = arith.constant 65536 : i32
    %add3A_403 = arith.addi %mul3A_2, %add3A_402 : i32
    %dma_start3A_404 = arith.constant 0 : i32
    %dma_start3A_405 = tpu.memref_slice %arg15[%dma_start3A_404] : memref<8192xf32, #tpu.memory_space<vmem>> -> memref<8192xf32, #tpu.memory_space<vmem>>
    %dma_start3A_406 = tpu.memref_slice %arg6[%add3A_403] : memref<4194304xf32, #tpu.memory_space<hbm>> -> memref<8192xf32, #tpu.memory_space<hbm>>
    %dma_start3A_407 = tpu.memref_slice %arg6[%add3A_403] : memref<4194304xf32, #tpu.memory_space<hbm>> -> memref<8192xf32, #tpu.memory_space<hbm>>
    %dma_start3A_408 = arith.constant 0 : i32
    %dma_start3A_409 = tpu.memref_slice %arg15[%dma_start3A_408] : memref<8192xf32, #tpu.memory_space<vmem>> -> memref<8192xf32, #tpu.memory_space<vmem>>
    tpu.enqueue_dma source(%dma_start3A_409 : memref<8192xf32, #tpu.memory_space<vmem>>) target(%dma_start3A_407 : memref<8192xf32, #tpu.memory_space<hbm>>) target_semaphore(%arg25 : memref<!tpu.dma_semaphore, #tpu.memory_space<semaphore_mem>>)
    %add3A_410 = arith.constant 98304 : i32
    %add3A_411 = arith.addi %mul3A_2, %add3A_410 : i32
    %dma_start3A_412 = arith.constant 0 : i32
    %dma_start3A_413 = tpu.memref_slice %arg7[%dma_start3A_412] : memref<8192xf32, #tpu.memory_space<vmem>> -> memref<8192xf32, #tpu.memory_space<vmem>>
    %dma_start3A_414 = tpu.memref_slice %arg2[%add3A_411] : memref<4194304xf32, #tpu.memory_space<hbm>> -> memref<8192xf32, #tpu.memory_space<hbm>>
    %dma_start3A_415 = arith.constant 0 : i32
    %dma_start3A_416 = tpu.memref_slice %arg7[%dma_start3A_415] : memref<8192xf32, #tpu.memory_space<vmem>> -> memref<8192xf32, #tpu.memory_space<vmem>>
    %dma_start3A_417 = tpu.memref_slice %arg2[%add3A_411] : memref<4194304xf32, #tpu.memory_space<hbm>> -> memref<8192xf32, #tpu.memory_space<hbm>>
    tpu.enqueue_dma source(%dma_start3A_417 : memref<8192xf32, #tpu.memory_space<hbm>>) target(%dma_start3A_416 : memref<8192xf32, #tpu.memory_space<vmem>>) target_semaphore(%arg21 : memref<!tpu.dma_semaphore, #tpu.memory_space<semaphore_mem>>)
    %dma_start3A_418 = arith.constant 0 : i32
    %dma_start3A_419 = tpu.memref_slice %arg11[%dma_start3A_418] : memref<8192xi32, #tpu.memory_space<vmem>> -> memref<8192xi32, #tpu.memory_space<vmem>>
    %dma_start3A_420 = tpu.memref_slice %arg3[%add3A_411] : memref<4194304xi32, #tpu.memory_space<hbm>> -> memref<8192xi32, #tpu.memory_space<hbm>>
    %dma_start3A_421 = arith.constant 0 : i32
    %dma_start3A_422 = tpu.memref_slice %arg11[%dma_start3A_421] : memref<8192xi32, #tpu.memory_space<vmem>> -> memref<8192xi32, #tpu.memory_space<vmem>>
    %dma_start3A_423 = tpu.memref_slice %arg3[%add3A_411] : memref<4194304xi32, #tpu.memory_space<hbm>> -> memref<8192xi32, #tpu.memory_space<hbm>>
    tpu.enqueue_dma source(%dma_start3A_423 : memref<8192xi32, #tpu.memory_space<hbm>>) target(%dma_start3A_422 : memref<8192xi32, #tpu.memory_space<vmem>>) target_semaphore(%arg21 : memref<!tpu.dma_semaphore, #tpu.memory_space<semaphore_mem>>)
    %dma_wait3A_424 = arith.constant 0 : i32
    %dma_wait3A_425 = tpu.memref_slice %arg8[%dma_wait3A_424] : memref<8192xf32, #tpu.memory_space<vmem>> -> memref<8192xf32, #tpu.memory_space<vmem>>
    %dma_wait3A_426 = tpu.memref_slice %arg2[%add3A_282] : memref<4194304xf32, #tpu.memory_space<hbm>> -> memref<8192xf32, #tpu.memory_space<hbm>>
    %dma_wait3A_427 = arith.constant 0 : i32
    %dma_wait3A_428 = tpu.memref_slice %arg8[%dma_wait3A_427] : memref<8192xf32, #tpu.memory_space<vmem>> -> memref<8192xf32, #tpu.memory_space<vmem>>
    %dma_wait3A_429 = tpu.memref_slice %arg2[%add3A_282] : memref<4194304xf32, #tpu.memory_space<hbm>> -> memref<8192xf32, #tpu.memory_space<hbm>>
    tpu.wait_dma2 semaphore(%arg22 : memref<!tpu.dma_semaphore, #tpu.memory_space<semaphore_mem>>) src(%dma_wait3A_429 : memref<8192xf32, #tpu.memory_space<hbm>>) dst(%dma_wait3A_428 : memref<8192xf32, #tpu.memory_space<vmem>>)
    %dma_wait3A_430 = arith.constant 0 : i32
    %dma_wait3A_431 = tpu.memref_slice %arg12[%dma_wait3A_430] : memref<8192xi32, #tpu.memory_space<vmem>> -> memref<8192xi32, #tpu.memory_space<vmem>>
    %dma_wait3A_432 = tpu.memref_slice %arg3[%add3A_282] : memref<4194304xi32, #tpu.memory_space<hbm>> -> memref<8192xi32, #tpu.memory_space<hbm>>
    %dma_wait3A_433 = arith.constant 0 : i32
    %dma_wait3A_434 = tpu.memref_slice %arg12[%dma_wait3A_433] : memref<8192xi32, #tpu.memory_space<vmem>> -> memref<8192xi32, #tpu.memory_space<vmem>>
    %dma_wait3A_435 = tpu.memref_slice %arg3[%add3A_282] : memref<4194304xi32, #tpu.memory_space<hbm>> -> memref<8192xi32, #tpu.memory_space<hbm>>
    tpu.wait_dma2 semaphore(%arg22 : memref<!tpu.dma_semaphore, #tpu.memory_space<semaphore_mem>>) src(%dma_wait3A_435 : memref<8192xi32, #tpu.memory_space<hbm>>) dst(%dma_wait3A_434 : memref<8192xi32, #tpu.memory_space<vmem>>)
    %dma_wait3A_436 = arith.constant 0 : i32
    %dma_wait3A_437 = tpu.memref_slice %arg16[%dma_wait3A_436] : memref<8192xf32, #tpu.memory_space<vmem>> -> memref<8192xf32, #tpu.memory_space<vmem>>
    %dma_wait3A_438 = tpu.memref_slice %arg6[%add3A_274] : memref<4194304xf32, #tpu.memory_space<hbm>> -> memref<8192xf32, #tpu.memory_space<hbm>>
    %dma_wait3A_439 = tpu.memref_slice %arg6[%add3A_274] : memref<4194304xf32, #tpu.memory_space<hbm>> -> memref<8192xf32, #tpu.memory_space<hbm>>
    %dma_wait3A_440 = arith.constant 0 : i32
    %dma_wait3A_441 = tpu.memref_slice %arg16[%dma_wait3A_440] : memref<8192xf32, #tpu.memory_space<vmem>> -> memref<8192xf32, #tpu.memory_space<vmem>>
    tpu.wait_dma2 semaphore(%arg26 : memref<!tpu.dma_semaphore, #tpu.memory_space<semaphore_mem>>) src(%dma_wait3A_441 : memref<8192xf32, #tpu.memory_space<vmem>>) dst(%dma_wait3A_439 : memref<8192xf32, #tpu.memory_space<hbm>>)
    %parallel_loop3A_442 = arith.constant 0 : i32
    %parallel_loop3A_443 = arith.constant 8192 : i32
    %parallel_loop3A_444 = arith.constant 16 : i32
    scf.for %parallel_loop3A_693 = %parallel_loop3A_442 to %parallel_loop3A_443 step %parallel_loop3A_444  : i32 {
      %parallel_loop3A_694 = arith.index_cast %parallel_loop3A_693 : i32 to index
      %parallel_loop3A_695 = tpu.vector_load %arg12[%parallel_loop3A_694] {strides = array<i32>} : memref<8192xi32, #tpu.memory_space<vmem>>, vector<16xi32>,
      %parallel_loop3A_696 = arith.constant 1 : i32
      %parallel_loop3A_697 = vector.broadcast %parallel_loop3A_696 : i32 to vector<16xi32>
      %parallel_loop3A_698 = arith.subi %parallel_loop3A_695, %parallel_loop3A_697 : vector<16xi32>
      %parallel_loop3A_699 = vector.shape_cast %parallel_loop3A_698 : vector<16xi32> to vector<16x1xi32>
      %parallel_loop3A_700 = vector.shape_cast %parallel_loop3A_699 : vector<16x1xi32> to vector<16xi32>
      %parallel_loop3A_701 = tpu.dynamic_gather %get3A_3[%parallel_loop3A_700] in [0] : vector<16xf32>, vector<16xi32> -> vector<16xf32>
      %parallel_loop3A_702 = vector.shape_cast %parallel_loop3A_698 : vector<16xi32> to vector<16x1xi32>
      %parallel_loop3A_703 = vector.shape_cast %parallel_loop3A_702 : vector<16x1xi32> to vector<16xi32>
      %parallel_loop3A_704 = tpu.dynamic_gather %div3A_7[%parallel_loop3A_703] in [0] : vector<16xf32>, vector<16xi32> -> vector<16xf32>
      %parallel_loop3A_705 = arith.index_cast %parallel_loop3A_693 : i32 to index
      %parallel_loop3A_706 = tpu.vector_load %arg8[%parallel_loop3A_705] {strides = array<i32>} : memref<8192xf32, #tpu.memory_space<vmem>>, vector<16xf32>,
      %parallel_loop3A_707 = arith.subf %parallel_loop3A_706, %parallel_loop3A_701 : vector<16xf32>
      %parallel_loop3A_708 = arith.mulf %parallel_loop3A_707, %parallel_loop3A_704 : vector<16xf32>
      %parallel_loop3A_709 = arith.index_cast %parallel_loop3A_693 : i32 to index
      %parallel_loop3A_710 = tpu.vector_load %arg16[%parallel_loop3A_709] {strides = array<i32>} : memref<8192xf32, #tpu.memory_space<vmem>>, vector<16xf32>,
      tpu.vector_store %arg16[%parallel_loop3A_709], %parallel_loop3A_708 {strides = array<i32>} : memref<8192xf32, #tpu.memory_space<vmem>>, vector<16xf32>,
    } {sc.loop_unroll_factor = 8 : i64, sc.parallel_access}
    %add3A_445 = arith.constant 73728 : i32
    %add3A_446 = arith.addi %mul3A_2, %add3A_445 : i32
    %dma_start3A_447 = arith.constant 0 : i32
    %dma_start3A_448 = tpu.memref_slice %arg16[%dma_start3A_447] : memref<8192xf32, #tpu.memory_space<vmem>> -> memref<8192xf32, #tpu.memory_space<vmem>>
    %dma_start3A_449 = tpu.memref_slice %arg6[%add3A_446] : memref<4194304xf32, #tpu.memory_space<hbm>> -> memref<8192xf32, #tpu.memory_space<hbm>>
    %dma_start3A_450 = tpu.memref_slice %arg6[%add3A_446] : memref<4194304xf32, #tpu.memory_space<hbm>> -> memref<8192xf32, #tpu.memory_space<hbm>>
    %dma_start3A_451 = arith.constant 0 : i32
    %dma_start3A_452 = tpu.memref_slice %arg16[%dma_start3A_451] : memref<8192xf32, #tpu.memory_space<vmem>> -> memref<8192xf32, #tpu.memory_space<vmem>>
    tpu.enqueue_dma source(%dma_start3A_452 : memref<8192xf32, #tpu.memory_space<vmem>>) target(%dma_start3A_450 : memref<8192xf32, #tpu.memory_space<hbm>>) target_semaphore(%arg26 : memref<!tpu.dma_semaphore, #tpu.memory_space<semaphore_mem>>)
    %add3A_453 = arith.constant 106496 : i32
    %add3A_454 = arith.addi %mul3A_2, %add3A_453 : i32
    %dma_start3A_455 = arith.constant 0 : i32
    %dma_start3A_456 = tpu.memref_slice %arg8[%dma_start3A_455] : memref<8192xf32, #tpu.memory_space<vmem>> -> memref<8192xf32, #tpu.memory_space<vmem>>
    %dma_start3A_457 = tpu.memref_slice %arg2[%add3A_454] : memref<4194304xf32, #tpu.memory_space<hbm>> -> memref<8192xf32, #tpu.memory_space<hbm>>
    %dma_start3A_458 = arith.constant 0 : i32
    %dma_start3A_459 = tpu.memref_slice %arg8[%dma_start3A_458] : memref<8192xf32, #tpu.memory_space<vmem>> -> memref<8192xf32, #tpu.memory_space<vmem>>
    %dma_start3A_460 = tpu.memref_slice %arg2[%add3A_454] : memref<4194304xf32, #tpu.memory_space<hbm>> -> memref<8192xf32, #tpu.memory_space<hbm>>
    tpu.enqueue_dma source(%dma_start3A_460 : memref<8192xf32, #tpu.memory_space<hbm>>) target(%dma_start3A_459 : memref<8192xf32, #tpu.memory_space<vmem>>) target_semaphore(%arg22 : memref<!tpu.dma_semaphore, #tpu.memory_space<semaphore_mem>>)
    %dma_start3A_461 = arith.constant 0 : i32
    %dma_start3A_462 = tpu.memref_slice %arg12[%dma_start3A_461] : memref<8192xi32, #tpu.memory_space<vmem>> -> memref<8192xi32, #tpu.memory_space<vmem>>
    %dma_start3A_463 = tpu.memref_slice %arg3[%add3A_454] : memref<4194304xi32, #tpu.memory_space<hbm>> -> memref<8192xi32, #tpu.memory_space<hbm>>
    %dma_start3A_464 = arith.constant 0 : i32
    %dma_start3A_465 = tpu.memref_slice %arg12[%dma_start3A_464] : memref<8192xi32, #tpu.memory_space<vmem>> -> memref<8192xi32, #tpu.memory_space<vmem>>
    %dma_start3A_466 = tpu.memref_slice %arg3[%add3A_454] : memref<4194304xi32, #tpu.memory_space<hbm>> -> memref<8192xi32, #tpu.memory_space<hbm>>
    tpu.enqueue_dma source(%dma_start3A_466 : memref<8192xi32, #tpu.memory_space<hbm>>) target(%dma_start3A_465 : memref<8192xi32, #tpu.memory_space<vmem>>) target_semaphore(%arg22 : memref<!tpu.dma_semaphore, #tpu.memory_space<semaphore_mem>>)
    %dma_wait3A_467 = arith.constant 0 : i32
    %dma_wait3A_468 = tpu.memref_slice %arg9[%dma_wait3A_467] : memref<8192xf32, #tpu.memory_space<vmem>> -> memref<8192xf32, #tpu.memory_space<vmem>>
    %dma_wait3A_469 = tpu.memref_slice %arg2[%add3A_325] : memref<4194304xf32, #tpu.memory_space<hbm>> -> memref<8192xf32, #tpu.memory_space<hbm>>
    %dma_wait3A_470 = arith.constant 0 : i32
    %dma_wait3A_471 = tpu.memref_slice %arg9[%dma_wait3A_470] : memref<8192xf32, #tpu.memory_space<vmem>> -> memref<8192xf32, #tpu.memory_space<vmem>>
    %dma_wait3A_472 = tpu.memref_slice %arg2[%add3A_325] : memref<4194304xf32, #tpu.memory_space<hbm>> -> memref<8192xf32, #tpu.memory_space<hbm>>
    tpu.wait_dma2 semaphore(%arg23 : memref<!tpu.dma_semaphore, #tpu.memory_space<semaphore_mem>>) src(%dma_wait3A_472 : memref<8192xf32, #tpu.memory_space<hbm>>) dst(%dma_wait3A_471 : memref<8192xf32, #tpu.memory_space<vmem>>)
    %dma_wait3A_473 = arith.constant 0 : i32
    %dma_wait3A_474 = tpu.memref_slice %arg13[%dma_wait3A_473] : memref<8192xi32, #tpu.memory_space<vmem>> -> memref<8192xi32, #tpu.memory_space<vmem>>
    %dma_wait3A_475 = tpu.memref_slice %arg3[%add3A_325] : memref<4194304xi32, #tpu.memory_space<hbm>> -> memref<8192xi32, #tpu.memory_space<hbm>>
    %dma_wait3A_476 = arith.constant 0 : i32
    %dma_wait3A_477 = tpu.memref_slice %arg13[%dma_wait3A_476] : memref<8192xi32, #tpu.memory_space<vmem>> -> memref<8192xi32, #tpu.memory_space<vmem>>
    %dma_wait3A_478 = tpu.memref_slice %arg3[%add3A_325] : memref<4194304xi32, #tpu.memory_space<hbm>> -> memref<8192xi32, #tpu.memory_space<hbm>>
    tpu.wait_dma2 semaphore(%arg23 : memref<!tpu.dma_semaphore, #tpu.memory_space<semaphore_mem>>) src(%dma_wait3A_478 : memref<8192xi32, #tpu.memory_space<hbm>>) dst(%dma_wait3A_477 : memref<8192xi32, #tpu.memory_space<vmem>>)
    %dma_wait3A_479 = arith.constant 0 : i32
    %dma_wait3A_480 = tpu.memref_slice %arg17[%dma_wait3A_479] : memref<8192xf32, #tpu.memory_space<vmem>> -> memref<8192xf32, #tpu.memory_space<vmem>>
    %dma_wait3A_481 = tpu.memref_slice %arg6[%add3A_317] : memref<4194304xf32, #tpu.memory_space<hbm>> -> memref<8192xf32, #tpu.memory_space<hbm>>
    %dma_wait3A_482 = tpu.memref_slice %arg6[%add3A_317] : memref<4194304xf32, #tpu.memory_space<hbm>> -> memref<8192xf32, #tpu.memory_space<hbm>>
    %dma_wait3A_483 = arith.constant 0 : i32
    %dma_wait3A_484 = tpu.memref_slice %arg17[%dma_wait3A_483] : memref<8192xf32, #tpu.memory_space<vmem>> -> memref<8192xf32, #tpu.memory_space<vmem>>
    tpu.wait_dma2 semaphore(%arg27 : memref<!tpu.dma_semaphore, #tpu.memory_space<semaphore_mem>>) src(%dma_wait3A_484 : memref<8192xf32, #tpu.memory_space<vmem>>) dst(%dma_wait3A_482 : memref<8192xf32, #tpu.memory_space<hbm>>)
    %parallel_loop3A_485 = arith.constant 0 : i32
    %parallel_loop3A_486 = arith.constant 8192 : i32
    %parallel_loop3A_487 = arith.constant 16 : i32
    scf.for %parallel_loop3A_693 = %parallel_loop3A_485 to %parallel_loop3A_486 step %parallel_loop3A_487  : i32 {
      %parallel_loop3A_694 = arith.index_cast %parallel_loop3A_693 : i32 to index
      %parallel_loop3A_695 = tpu.vector_load %arg13[%parallel_loop3A_694] {strides = array<i32>} : memref<8192xi32, #tpu.memory_space<vmem>>, vector<16xi32>,
      %parallel_loop3A_696 = arith.constant 1 : i32
      %parallel_loop3A_697 = vector.broadcast %parallel_loop3A_696 : i32 to vector<16xi32>
      %parallel_loop3A_698 = arith.subi %parallel_loop3A_695, %parallel_loop3A_697 : vector<16xi32>
      %parallel_loop3A_699 = vector.shape_cast %parallel_loop3A_698 : vector<16xi32> to vector<16x1xi32>
      %parallel_loop3A_700 = vector.shape_cast %parallel_loop3A_699 : vector<16x1xi32> to vector<16xi32>
      %parallel_loop3A_701 = tpu.dynamic_gather %get3A_3[%parallel_loop3A_700] in [0] : vector<16xf32>, vector<16xi32> -> vector<16xf32>
      %parallel_loop3A_702 = vector.shape_cast %parallel_loop3A_698 : vector<16xi32> to vector<16x1xi32>
      %parallel_loop3A_703 = vector.shape_cast %parallel_loop3A_702 : vector<16x1xi32> to vector<16xi32>
      %parallel_loop3A_704 = tpu.dynamic_gather %div3A_7[%parallel_loop3A_703] in [0] : vector<16xf32>, vector<16xi32> -> vector<16xf32>
      %parallel_loop3A_705 = arith.index_cast %parallel_loop3A_693 : i32 to index
      %parallel_loop3A_706 = tpu.vector_load %arg9[%parallel_loop3A_705] {strides = array<i32>} : memref<8192xf32, #tpu.memory_space<vmem>>, vector<16xf32>,
      %parallel_loop3A_707 = arith.subf %parallel_loop3A_706, %parallel_loop3A_701 : vector<16xf32>
      %parallel_loop3A_708 = arith.mulf %parallel_loop3A_707, %parallel_loop3A_704 : vector<16xf32>
      %parallel_loop3A_709 = arith.index_cast %parallel_loop3A_693 : i32 to index
      %parallel_loop3A_710 = tpu.vector_load %arg17[%parallel_loop3A_709] {strides = array<i32>} : memref<8192xf32, #tpu.memory_space<vmem>>, vector<16xf32>,
      tpu.vector_store %arg17[%parallel_loop3A_709], %parallel_loop3A_708 {strides = array<i32>} : memref<8192xf32, #tpu.memory_space<vmem>>, vector<16xf32>,
    } {sc.loop_unroll_factor = 8 : i64, sc.parallel_access}
    %add3A_488 = arith.constant 81920 : i32
    %add3A_489 = arith.addi %mul3A_2, %add3A_488 : i32
    %dma_start3A_490 = arith.constant 0 : i32
    %dma_start3A_491 = tpu.memref_slice %arg17[%dma_start3A_490] : memref<8192xf32, #tpu.memory_space<vmem>> -> memref<8192xf32, #tpu.memory_space<vmem>>
    %dma_start3A_492 = tpu.memref_slice %arg6[%add3A_489] : memref<4194304xf32, #tpu.memory_space<hbm>> -> memref<8192xf32, #tpu.memory_space<hbm>>
    %dma_start3A_493 = tpu.memref_slice %arg6[%add3A_489] : memref<4194304xf32, #tpu.memory_space<hbm>> -> memref<8192xf32, #tpu.memory_space<hbm>>
    %dma_start3A_494 = arith.constant 0 : i32
    %dma_start3A_495 = tpu.memref_slice %arg17[%dma_start3A_494] : memref<8192xf32, #tpu.memory_space<vmem>> -> memref<8192xf32, #tpu.memory_space<vmem>>
    tpu.enqueue_dma source(%dma_start3A_495 : memref<8192xf32, #tpu.memory_space<vmem>>) target(%dma_start3A_493 : memref<8192xf32, #tpu.memory_space<hbm>>) target_semaphore(%arg27 : memref<!tpu.dma_semaphore, #tpu.memory_space<semaphore_mem>>)
    %add3A_496 = arith.constant 114688 : i32
    %add3A_497 = arith.addi %mul3A_2, %add3A_496 : i32
    %dma_start3A_498 = arith.constant 0 : i32
    %dma_start3A_499 = tpu.memref_slice %arg9[%dma_start3A_498] : memref<8192xf32, #tpu.memory_space<vmem>> -> memref<8192xf32, #tpu.memory_space<vmem>>
    %dma_start3A_500 = tpu.memref_slice %arg2[%add3A_497] : memref<4194304xf32, #tpu.memory_space<hbm>> -> memref<8192xf32, #tpu.memory_space<hbm>>
    %dma_start3A_501 = arith.constant 0 : i32
    %dma_start3A_502 = tpu.memref_slice %arg9[%dma_start3A_501] : memref<8192xf32, #tpu.memory_space<vmem>> -> memref<8192xf32, #tpu.memory_space<vmem>>
    %dma_start3A_503 = tpu.memref_slice %arg2[%add3A_497] : memref<4194304xf32, #tpu.memory_space<hbm>> -> memref<8192xf32, #tpu.memory_space<hbm>>
    tpu.enqueue_dma source(%dma_start3A_503 : memref<8192xf32, #tpu.memory_space<hbm>>) target(%dma_start3A_502 : memref<8192xf32, #tpu.memory_space<vmem>>) target_semaphore(%arg23 : memref<!tpu.dma_semaphore, #tpu.memory_space<semaphore_mem>>)
    %dma_start3A_504 = arith.constant 0 : i32
    %dma_start3A_505 = tpu.memref_slice %arg13[%dma_start3A_504] : memref<8192xi32, #tpu.memory_space<vmem>> -> memref<8192xi32, #tpu.memory_space<vmem>>
    %dma_start3A_506 = tpu.memref_slice %arg3[%add3A_497] : memref<4194304xi32, #tpu.memory_space<hbm>> -> memref<8192xi32, #tpu.memory_space<hbm>>
    %dma_start3A_507 = arith.constant 0 : i32
    %dma_start3A_508 = tpu.memref_slice %arg13[%dma_start3A_507] : memref<8192xi32, #tpu.memory_space<vmem>> -> memref<8192xi32, #tpu.memory_space<vmem>>
    %dma_start3A_509 = tpu.memref_slice %arg3[%add3A_497] : memref<4194304xi32, #tpu.memory_space<hbm>> -> memref<8192xi32, #tpu.memory_space<hbm>>
    tpu.enqueue_dma source(%dma_start3A_509 : memref<8192xi32, #tpu.memory_space<hbm>>) target(%dma_start3A_508 : memref<8192xi32, #tpu.memory_space<vmem>>) target_semaphore(%arg23 : memref<!tpu.dma_semaphore, #tpu.memory_space<semaphore_mem>>)
    %dma_wait3A_510 = arith.constant 0 : i32
    %dma_wait3A_511 = tpu.memref_slice %arg10[%dma_wait3A_510] : memref<8192xf32, #tpu.memory_space<vmem>> -> memref<8192xf32, #tpu.memory_space<vmem>>
    %dma_wait3A_512 = tpu.memref_slice %arg2[%add3A_368] : memref<4194304xf32, #tpu.memory_space<hbm>> -> memref<8192xf32, #tpu.memory_space<hbm>>
    %dma_wait3A_513 = arith.constant 0 : i32
    %dma_wait3A_514 = tpu.memref_slice %arg10[%dma_wait3A_513] : memref<8192xf32, #tpu.memory_space<vmem>> -> memref<8192xf32, #tpu.memory_space<vmem>>
    %dma_wait3A_515 = tpu.memref_slice %arg2[%add3A_368] : memref<4194304xf32, #tpu.memory_space<hbm>> -> memref<8192xf32, #tpu.memory_space<hbm>>
    tpu.wait_dma2 semaphore(%arg24 : memref<!tpu.dma_semaphore, #tpu.memory_space<semaphore_mem>>) src(%dma_wait3A_515 : memref<8192xf32, #tpu.memory_space<hbm>>) dst(%dma_wait3A_514 : memref<8192xf32, #tpu.memory_space<vmem>>)
    %dma_wait3A_516 = arith.constant 0 : i32
    %dma_wait3A_517 = tpu.memref_slice %arg14[%dma_wait3A_516] : memref<8192xi32, #tpu.memory_space<vmem>> -> memref<8192xi32, #tpu.memory_space<vmem>>
    %dma_wait3A_518 = tpu.memref_slice %arg3[%add3A_368] : memref<4194304xi32, #tpu.memory_space<hbm>> -> memref<8192xi32, #tpu.memory_space<hbm>>
    %dma_wait3A_519 = arith.constant 0 : i32
    %dma_wait3A_520 = tpu.memref_slice %arg14[%dma_wait3A_519] : memref<8192xi32, #tpu.memory_space<vmem>> -> memref<8192xi32, #tpu.memory_space<vmem>>
    %dma_wait3A_521 = tpu.memref_slice %arg3[%add3A_368] : memref<4194304xi32, #tpu.memory_space<hbm>> -> memref<8192xi32, #tpu.memory_space<hbm>>
    tpu.wait_dma2 semaphore(%arg24 : memref<!tpu.dma_semaphore, #tpu.memory_space<semaphore_mem>>) src(%dma_wait3A_521 : memref<8192xi32, #tpu.memory_space<hbm>>) dst(%dma_wait3A_520 : memref<8192xi32, #tpu.memory_space<vmem>>)
    %dma_wait3A_522 = arith.constant 0 : i32
    %dma_wait3A_523 = tpu.memref_slice %arg18[%dma_wait3A_522] : memref<8192xf32, #tpu.memory_space<vmem>> -> memref<8192xf32, #tpu.memory_space<vmem>>
    %dma_wait3A_524 = tpu.memref_slice %arg6[%add3A_360] : memref<4194304xf32, #tpu.memory_space<hbm>> -> memref<8192xf32, #tpu.memory_space<hbm>>
    %dma_wait3A_525 = tpu.memref_slice %arg6[%add3A_360] : memref<4194304xf32, #tpu.memory_space<hbm>> -> memref<8192xf32, #tpu.memory_space<hbm>>
    %dma_wait3A_526 = arith.constant 0 : i32
    %dma_wait3A_527 = tpu.memref_slice %arg18[%dma_wait3A_526] : memref<8192xf32, #tpu.memory_space<vmem>> -> memref<8192xf32, #tpu.memory_space<vmem>>
    tpu.wait_dma2 semaphore(%arg28 : memref<!tpu.dma_semaphore, #tpu.memory_space<semaphore_mem>>) src(%dma_wait3A_527 : memref<8192xf32, #tpu.memory_space<vmem>>) dst(%dma_wait3A_525 : memref<8192xf32, #tpu.memory_space<hbm>>)
    %parallel_loop3A_528 = arith.constant 0 : i32
    %parallel_loop3A_529 = arith.constant 8192 : i32
    %parallel_loop3A_530 = arith.constant 16 : i32
    scf.for %parallel_loop3A_693 = %parallel_loop3A_528 to %parallel_loop3A_529 step %parallel_loop3A_530  : i32 {
      %parallel_loop3A_694 = arith.index_cast %parallel_loop3A_693 : i32 to index
      %parallel_loop3A_695 = tpu.vector_load %arg14[%parallel_loop3A_694] {strides = array<i32>} : memref<8192xi32, #tpu.memory_space<vmem>>, vector<16xi32>,
      %parallel_loop3A_696 = arith.constant 1 : i32
      %parallel_loop3A_697 = vector.broadcast %parallel_loop3A_696 : i32 to vector<16xi32>
      %parallel_loop3A_698 = arith.subi %parallel_loop3A_695, %parallel_loop3A_697 : vector<16xi32>
      %parallel_loop3A_699 = vector.shape_cast %parallel_loop3A_698 : vector<16xi32> to vector<16x1xi32>
      %parallel_loop3A_700 = vector.shape_cast %parallel_loop3A_699 : vector<16x1xi32> to vector<16xi32>
      %parallel_loop3A_701 = tpu.dynamic_gather %get3A_3[%parallel_loop3A_700] in [0] : vector<16xf32>, vector<16xi32> -> vector<16xf32>
      %parallel_loop3A_702 = vector.shape_cast %parallel_loop3A_698 : vector<16xi32> to vector<16x1xi32>
      %parallel_loop3A_703 = vector.shape_cast %parallel_loop3A_702 : vector<16x1xi32> to vector<16xi32>
      %parallel_loop3A_704 = tpu.dynamic_gather %div3A_7[%parallel_loop3A_703] in [0] : vector<16xf32>, vector<16xi32> -> vector<16xf32>
      %parallel_loop3A_705 = arith.index_cast %parallel_loop3A_693 : i32 to index
      %parallel_loop3A_706 = tpu.vector_load %arg10[%parallel_loop3A_705] {strides = array<i32>} : memref<8192xf32, #tpu.memory_space<vmem>>, vector<16xf32>,
      %parallel_loop3A_707 = arith.subf %parallel_loop3A_706, %parallel_loop3A_701 : vector<16xf32>
      %parallel_loop3A_708 = arith.mulf %parallel_loop3A_707, %parallel_loop3A_704 : vector<16xf32>
      %parallel_loop3A_709 = arith.index_cast %parallel_loop3A_693 : i32 to index
      %parallel_loop3A_710 = tpu.vector_load %arg18[%parallel_loop3A_709] {strides = array<i32>} : memref<8192xf32, #tpu.memory_space<vmem>>, vector<16xf32>,
      tpu.vector_store %arg18[%parallel_loop3A_709], %parallel_loop3A_708 {strides = array<i32>} : memref<8192xf32, #tpu.memory_space<vmem>>, vector<16xf32>,
    } {sc.loop_unroll_factor = 8 : i64, sc.parallel_access}
    %add3A_531 = arith.constant 90112 : i32
    %add3A_532 = arith.addi %mul3A_2, %add3A_531 : i32
    %dma_start3A_533 = arith.constant 0 : i32
    %dma_start3A_534 = tpu.memref_slice %arg18[%dma_start3A_533] : memref<8192xf32, #tpu.memory_space<vmem>> -> memref<8192xf32, #tpu.memory_space<vmem>>
    %dma_start3A_535 = tpu.memref_slice %arg6[%add3A_532] : memref<4194304xf32, #tpu.memory_space<hbm>> -> memref<8192xf32, #tpu.memory_space<hbm>>
    %dma_start3A_536 = tpu.memref_slice %arg6[%add3A_532] : memref<4194304xf32, #tpu.memory_space<hbm>> -> memref<8192xf32, #tpu.memory_space<hbm>>
    %dma_start3A_537 = arith.constant 0 : i32
    %dma_start3A_538 = tpu.memref_slice %arg18[%dma_start3A_537] : memref<8192xf32, #tpu.memory_space<vmem>> -> memref<8192xf32, #tpu.memory_space<vmem>>
    tpu.enqueue_dma source(%dma_start3A_538 : memref<8192xf32, #tpu.memory_space<vmem>>) target(%dma_start3A_536 : memref<8192xf32, #tpu.memory_space<hbm>>) target_semaphore(%arg28 : memref<!tpu.dma_semaphore, #tpu.memory_space<semaphore_mem>>)
    %add3A_539 = arith.constant 122880 : i32
    %add3A_540 = arith.addi %mul3A_2, %add3A_539 : i32
    %dma_start3A_541 = arith.constant 0 : i32
    %dma_start3A_542 = tpu.memref_slice %arg10[%dma_start3A_541] : memref<8192xf32, #tpu.memory_space<vmem>> -> memref<8192xf32, #tpu.memory_space<vmem>>
    %dma_start3A_543 = tpu.memref_slice %arg2[%add3A_540] : memref<4194304xf32, #tpu.memory_space<hbm>> -> memref<8192xf32, #tpu.memory_space<hbm>>
    %dma_start3A_544 = arith.constant 0 : i32
    %dma_start3A_545 = tpu.memref_slice %arg10[%dma_start3A_544] : memref<8192xf32, #tpu.memory_space<vmem>> -> memref<8192xf32, #tpu.memory_space<vmem>>
    %dma_start3A_546 = tpu.memref_slice %arg2[%add3A_540] : memref<4194304xf32, #tpu.memory_space<hbm>> -> memref<8192xf32, #tpu.memory_space<hbm>>
    tpu.enqueue_dma source(%dma_start3A_546 : memref<8192xf32, #tpu.memory_space<hbm>>) target(%dma_start3A_545 : memref<8192xf32, #tpu.memory_space<vmem>>) target_semaphore(%arg24 : memref<!tpu.dma_semaphore, #tpu.memory_space<semaphore_mem>>)
    %dma_start3A_547 = arith.constant 0 : i32
    %dma_start3A_548 = tpu.memref_slice %arg14[%dma_start3A_547] : memref<8192xi32, #tpu.memory_space<vmem>> -> memref<8192xi32, #tpu.memory_space<vmem>>
    %dma_start3A_549 = tpu.memref_slice %arg3[%add3A_540] : memref<4194304xi32, #tpu.memory_space<hbm>> -> memref<8192xi32, #tpu.memory_space<hbm>>
    %dma_start3A_550 = arith.constant 0 : i32
    %dma_start3A_551 = tpu.memref_slice %arg14[%dma_start3A_550] : memref<8192xi32, #tpu.memory_space<vmem>> -> memref<8192xi32, #tpu.memory_space<vmem>>
    %dma_start3A_552 = tpu.memref_slice %arg3[%add3A_540] : memref<4194304xi32, #tpu.memory_space<hbm>> -> memref<8192xi32, #tpu.memory_space<hbm>>
    tpu.enqueue_dma source(%dma_start3A_552 : memref<8192xi32, #tpu.memory_space<hbm>>) target(%dma_start3A_551 : memref<8192xi32, #tpu.memory_space<vmem>>) target_semaphore(%arg24 : memref<!tpu.dma_semaphore, #tpu.memory_space<semaphore_mem>>)
    %dma_wait3A_553 = arith.constant 0 : i32
    %dma_wait3A_554 = tpu.memref_slice %arg7[%dma_wait3A_553] : memref<8192xf32, #tpu.memory_space<vmem>> -> memref<8192xf32, #tpu.memory_space<vmem>>
    %dma_wait3A_555 = tpu.memref_slice %arg2[%add3A_411] : memref<4194304xf32, #tpu.memory_space<hbm>> -> memref<8192xf32, #tpu.memory_space<hbm>>
    %dma_wait3A_556 = arith.constant 0 : i32
    %dma_wait3A_557 = tpu.memref_slice %arg7[%dma_wait3A_556] : memref<8192xf32, #tpu.memory_space<vmem>> -> memref<8192xf32, #tpu.memory_space<vmem>>
    %dma_wait3A_558 = tpu.memref_slice %arg2[%add3A_411] : memref<4194304xf32, #tpu.memory_space<hbm>> -> memref<8192xf32, #tpu.memory_space<hbm>>
    tpu.wait_dma2 semaphore(%arg21 : memref<!tpu.dma_semaphore, #tpu.memory_space<semaphore_mem>>) src(%dma_wait3A_558 : memref<8192xf32, #tpu.memory_space<hbm>>) dst(%dma_wait3A_557 : memref<8192xf32, #tpu.memory_space<vmem>>)
    %dma_wait3A_559 = arith.constant 0 : i32
    %dma_wait3A_560 = tpu.memref_slice %arg11[%dma_wait3A_559] : memref<8192xi32, #tpu.memory_space<vmem>> -> memref<8192xi32, #tpu.memory_space<vmem>>
    %dma_wait3A_561 = tpu.memref_slice %arg3[%add3A_411] : memref<4194304xi32, #tpu.memory_space<hbm>> -> memref<8192xi32, #tpu.memory_space<hbm>>
    %dma_wait3A_562 = arith.constant 0 : i32
    %dma_wait3A_563 = tpu.memref_slice %arg11[%dma_wait3A_562] : memref<8192xi32, #tpu.memory_space<vmem>> -> memref<8192xi32, #tpu.memory_space<vmem>>
    %dma_wait3A_564 = tpu.memref_slice %arg3[%add3A_411] : memref<4194304xi32, #tpu.memory_space<hbm>> -> memref<8192xi32, #tpu.memory_space<hbm>>
    tpu.wait_dma2 semaphore(%arg21 : memref<!tpu.dma_semaphore, #tpu.memory_space<semaphore_mem>>) src(%dma_wait3A_564 : memref<8192xi32, #tpu.memory_space<hbm>>) dst(%dma_wait3A_563 : memref<8192xi32, #tpu.memory_space<vmem>>)
    %dma_wait3A_565 = arith.constant 0 : i32
    %dma_wait3A_566 = tpu.memref_slice %arg15[%dma_wait3A_565] : memref<8192xf32, #tpu.memory_space<vmem>> -> memref<8192xf32, #tpu.memory_space<vmem>>
    %dma_wait3A_567 = tpu.memref_slice %arg6[%add3A_403] : memref<4194304xf32, #tpu.memory_space<hbm>> -> memref<8192xf32, #tpu.memory_space<hbm>>
    %dma_wait3A_568 = tpu.memref_slice %arg6[%add3A_403] : memref<4194304xf32, #tpu.memory_space<hbm>> -> memref<8192xf32, #tpu.memory_space<hbm>>
    %dma_wait3A_569 = arith.constant 0 : i32
    %dma_wait3A_570 = tpu.memref_slice %arg15[%dma_wait3A_569] : memref<8192xf32, #tpu.memory_space<vmem>> -> memref<8192xf32, #tpu.memory_space<vmem>>
    tpu.wait_dma2 semaphore(%arg25 : memref<!tpu.dma_semaphore, #tpu.memory_space<semaphore_mem>>) src(%dma_wait3A_570 : memref<8192xf32, #tpu.memory_space<vmem>>) dst(%dma_wait3A_568 : memref<8192xf32, #tpu.memory_space<hbm>>)
    %parallel_loop3A_571 = arith.constant 0 : i32
    %parallel_loop3A_572 = arith.constant 8192 : i32
    %parallel_loop3A_573 = arith.constant 16 : i32
    scf.for %parallel_loop3A_693 = %parallel_loop3A_571 to %parallel_loop3A_572 step %parallel_loop3A_573  : i32 {
      %parallel_loop3A_694 = arith.index_cast %parallel_loop3A_693 : i32 to index
      %parallel_loop3A_695 = tpu.vector_load %arg11[%parallel_loop3A_694] {strides = array<i32>} : memref<8192xi32, #tpu.memory_space<vmem>>, vector<16xi32>,
      %parallel_loop3A_696 = arith.constant 1 : i32
      %parallel_loop3A_697 = vector.broadcast %parallel_loop3A_696 : i32 to vector<16xi32>
      %parallel_loop3A_698 = arith.subi %parallel_loop3A_695, %parallel_loop3A_697 : vector<16xi32>
      %parallel_loop3A_699 = vector.shape_cast %parallel_loop3A_698 : vector<16xi32> to vector<16x1xi32>
      %parallel_loop3A_700 = vector.shape_cast %parallel_loop3A_699 : vector<16x1xi32> to vector<16xi32>
      %parallel_loop3A_701 = tpu.dynamic_gather %get3A_3[%parallel_loop3A_700] in [0] : vector<16xf32>, vector<16xi32> -> vector<16xf32>
      %parallel_loop3A_702 = vector.shape_cast %parallel_loop3A_698 : vector<16xi32> to vector<16x1xi32>
      %parallel_loop3A_703 = vector.shape_cast %parallel_loop3A_702 : vector<16x1xi32> to vector<16xi32>
      %parallel_loop3A_704 = tpu.dynamic_gather %div3A_7[%parallel_loop3A_703] in [0] : vector<16xf32>, vector<16xi32> -> vector<16xf32>
      %parallel_loop3A_705 = arith.index_cast %parallel_loop3A_693 : i32 to index
      %parallel_loop3A_706 = tpu.vector_load %arg7[%parallel_loop3A_705] {strides = array<i32>} : memref<8192xf32, #tpu.memory_space<vmem>>, vector<16xf32>,
      %parallel_loop3A_707 = arith.subf %parallel_loop3A_706, %parallel_loop3A_701 : vector<16xf32>
      %parallel_loop3A_708 = arith.mulf %parallel_loop3A_707, %parallel_loop3A_704 : vector<16xf32>
      %parallel_loop3A_709 = arith.index_cast %parallel_loop3A_693 : i32 to index
      %parallel_loop3A_710 = tpu.vector_load %arg15[%parallel_loop3A_709] {strides = array<i32>} : memref<8192xf32, #tpu.memory_space<vmem>>, vector<16xf32>,
      tpu.vector_store %arg15[%parallel_loop3A_709], %parallel_loop3A_708 {strides = array<i32>} : memref<8192xf32, #tpu.memory_space<vmem>>, vector<16xf32>,
    } {sc.loop_unroll_factor = 8 : i64, sc.parallel_access}
    %add3A_574 = arith.constant 98304 : i32
    %add3A_575 = arith.addi %mul3A_2, %add3A_574 : i32
    %dma_start3A_576 = arith.constant 0 : i32
    %dma_start3A_577 = tpu.memref_slice %arg15[%dma_start3A_576] : memref<8192xf32, #tpu.memory_space<vmem>> -> memref<8192xf32, #tpu.memory_space<vmem>>
    %dma_start3A_578 = tpu.memref_slice %arg6[%add3A_575] : memref<4194304xf32, #tpu.memory_space<hbm>> -> memref<8192xf32, #tpu.memory_space<hbm>>
    %dma_start3A_579 = tpu.memref_slice %arg6[%add3A_575] : memref<4194304xf32, #tpu.memory_space<hbm>> -> memref<8192xf32, #tpu.memory_space<hbm>>
    %dma_start3A_580 = arith.constant 0 : i32
    %dma_start3A_581 = tpu.memref_slice %arg15[%dma_start3A_580] : memref<8192xf32, #tpu.memory_space<vmem>> -> memref<8192xf32, #tpu.memory_space<vmem>>
    tpu.enqueue_dma source(%dma_start3A_581 : memref<8192xf32, #tpu.memory_space<vmem>>) target(%dma_start3A_579 : memref<8192xf32, #tpu.memory_space<hbm>>) target_semaphore(%arg25 : memref<!tpu.dma_semaphore, #tpu.memory_space<semaphore_mem>>)
    %dma_wait3A_582 = arith.constant 0 : i32
    %dma_wait3A_583 = tpu.memref_slice %arg8[%dma_wait3A_582] : memref<8192xf32, #tpu.memory_space<vmem>> -> memref<8192xf32, #tpu.memory_space<vmem>>
    %dma_wait3A_584 = tpu.memref_slice %arg2[%add3A_454] : memref<4194304xf32, #tpu.memory_space<hbm>> -> memref<8192xf32, #tpu.memory_space<hbm>>
    %dma_wait3A_585 = arith.constant 0 : i32
    %dma_wait3A_586 = tpu.memref_slice %arg8[%dma_wait3A_585] : memref<8192xf32, #tpu.memory_space<vmem>> -> memref<8192xf32, #tpu.memory_space<vmem>>
    %dma_wait3A_587 = tpu.memref_slice %arg2[%add3A_454] : memref<4194304xf32, #tpu.memory_space<hbm>> -> memref<8192xf32, #tpu.memory_space<hbm>>
    tpu.wait_dma2 semaphore(%arg22 : memref<!tpu.dma_semaphore, #tpu.memory_space<semaphore_mem>>) src(%dma_wait3A_587 : memref<8192xf32, #tpu.memory_space<hbm>>) dst(%dma_wait3A_586 : memref<8192xf32, #tpu.memory_space<vmem>>)
    %dma_wait3A_588 = arith.constant 0 : i32
    %dma_wait3A_589 = tpu.memref_slice %arg12[%dma_wait3A_588] : memref<8192xi32, #tpu.memory_space<vmem>> -> memref<8192xi32, #tpu.memory_space<vmem>>
    %dma_wait3A_590 = tpu.memref_slice %arg3[%add3A_454] : memref<4194304xi32, #tpu.memory_space<hbm>> -> memref<8192xi32, #tpu.memory_space<hbm>>
    %dma_wait3A_591 = arith.constant 0 : i32
    %dma_wait3A_592 = tpu.memref_slice %arg12[%dma_wait3A_591] : memref<8192xi32, #tpu.memory_space<vmem>> -> memref<8192xi32, #tpu.memory_space<vmem>>
    %dma_wait3A_593 = tpu.memref_slice %arg3[%add3A_454] : memref<4194304xi32, #tpu.memory_space<hbm>> -> memref<8192xi32, #tpu.memory_space<hbm>>
    tpu.wait_dma2 semaphore(%arg22 : memref<!tpu.dma_semaphore, #tpu.memory_space<semaphore_mem>>) src(%dma_wait3A_593 : memref<8192xi32, #tpu.memory_space<hbm>>) dst(%dma_wait3A_592 : memref<8192xi32, #tpu.memory_space<vmem>>)
    %dma_wait3A_594 = arith.constant 0 : i32
    %dma_wait3A_595 = tpu.memref_slice %arg16[%dma_wait3A_594] : memref<8192xf32, #tpu.memory_space<vmem>> -> memref<8192xf32, #tpu.memory_space<vmem>>
    %dma_wait3A_596 = tpu.memref_slice %arg6[%add3A_446] : memref<4194304xf32, #tpu.memory_space<hbm>> -> memref<8192xf32, #tpu.memory_space<hbm>>
    %dma_wait3A_597 = tpu.memref_slice %arg6[%add3A_446] : memref<4194304xf32, #tpu.memory_space<hbm>> -> memref<8192xf32, #tpu.memory_space<hbm>>
    %dma_wait3A_598 = arith.constant 0 : i32
    %dma_wait3A_599 = tpu.memref_slice %arg16[%dma_wait3A_598] : memref<8192xf32, #tpu.memory_space<vmem>> -> memref<8192xf32, #tpu.memory_space<vmem>>
    tpu.wait_dma2 semaphore(%arg26 : memref<!tpu.dma_semaphore, #tpu.memory_space<semaphore_mem>>) src(%dma_wait3A_599 : memref<8192xf32, #tpu.memory_space<vmem>>) dst(%dma_wait3A_597 : memref<8192xf32, #tpu.memory_space<hbm>>)
    %parallel_loop3A_600 = arith.constant 0 : i32
    %parallel_loop3A_601 = arith.constant 8192 : i32
    %parallel_loop3A_602 = arith.constant 16 : i32
    scf.for %parallel_loop3A_693 = %parallel_loop3A_600 to %parallel_loop3A_601 step %parallel_loop3A_602  : i32 {
      %parallel_loop3A_694 = arith.index_cast %parallel_loop3A_693 : i32 to index
      %parallel_loop3A_695 = tpu.vector_load %arg12[%parallel_loop3A_694] {strides = array<i32>} : memref<8192xi32, #tpu.memory_space<vmem>>, vector<16xi32>,
      %parallel_loop3A_696 = arith.constant 1 : i32
      %parallel_loop3A_697 = vector.broadcast %parallel_loop3A_696 : i32 to vector<16xi32>
      %parallel_loop3A_698 = arith.subi %parallel_loop3A_695, %parallel_loop3A_697 : vector<16xi32>
      %parallel_loop3A_699 = vector.shape_cast %parallel_loop3A_698 : vector<16xi32> to vector<16x1xi32>
      %parallel_loop3A_700 = vector.shape_cast %parallel_loop3A_699 : vector<16x1xi32> to vector<16xi32>
      %parallel_loop3A_701 = tpu.dynamic_gather %get3A_3[%parallel_loop3A_700] in [0] : vector<16xf32>, vector<16xi32> -> vector<16xf32>
      %parallel_loop3A_702 = vector.shape_cast %parallel_loop3A_698 : vector<16xi32> to vector<16x1xi32>
      %parallel_loop3A_703 = vector.shape_cast %parallel_loop3A_702 : vector<16x1xi32> to vector<16xi32>
      %parallel_loop3A_704 = tpu.dynamic_gather %div3A_7[%parallel_loop3A_703] in [0] : vector<16xf32>, vector<16xi32> -> vector<16xf32>
      %parallel_loop3A_705 = arith.index_cast %parallel_loop3A_693 : i32 to index
      %parallel_loop3A_706 = tpu.vector_load %arg8[%parallel_loop3A_705] {strides = array<i32>} : memref<8192xf32, #tpu.memory_space<vmem>>, vector<16xf32>,
      %parallel_loop3A_707 = arith.subf %parallel_loop3A_706, %parallel_loop3A_701 : vector<16xf32>
      %parallel_loop3A_708 = arith.mulf %parallel_loop3A_707, %parallel_loop3A_704 : vector<16xf32>
      %parallel_loop3A_709 = arith.index_cast %parallel_loop3A_693 : i32 to index
      %parallel_loop3A_710 = tpu.vector_load %arg16[%parallel_loop3A_709] {strides = array<i32>} : memref<8192xf32, #tpu.memory_space<vmem>>, vector<16xf32>,
      tpu.vector_store %arg16[%parallel_loop3A_709], %parallel_loop3A_708 {strides = array<i32>} : memref<8192xf32, #tpu.memory_space<vmem>>, vector<16xf32>,
    } {sc.loop_unroll_factor = 8 : i64, sc.parallel_access}
    %add3A_603 = arith.constant 106496 : i32
    %add3A_604 = arith.addi %mul3A_2, %add3A_603 : i32
    %dma_start3A_605 = arith.constant 0 : i32
    %dma_start3A_606 = tpu.memref_slice %arg16[%dma_start3A_605] : memref<8192xf32, #tpu.memory_space<vmem>> -> memref<8192xf32, #tpu.memory_space<vmem>>
    %dma_start3A_607 = tpu.memref_slice %arg6[%add3A_604] : memref<4194304xf32, #tpu.memory_space<hbm>> -> memref<8192xf32, #tpu.memory_space<hbm>>
    %dma_start3A_608 = tpu.memref_slice %arg6[%add3A_604] : memref<4194304xf32, #tpu.memory_space<hbm>> -> memref<8192xf32, #tpu.memory_space<hbm>>
    %dma_start3A_609 = arith.constant 0 : i32
    %dma_start3A_610 = tpu.memref_slice %arg16[%dma_start3A_609] : memref<8192xf32, #tpu.memory_space<vmem>> -> memref<8192xf32, #tpu.memory_space<vmem>>
    tpu.enqueue_dma source(%dma_start3A_610 : memref<8192xf32, #tpu.memory_space<vmem>>) target(%dma_start3A_608 : memref<8192xf32, #tpu.memory_space<hbm>>) target_semaphore(%arg26 : memref<!tpu.dma_semaphore, #tpu.memory_space<semaphore_mem>>)
    %dma_wait3A_611 = arith.constant 0 : i32
    %dma_wait3A_612 = tpu.memref_slice %arg9[%dma_wait3A_611] : memref<8192xf32, #tpu.memory_space<vmem>> -> memref<8192xf32, #tpu.memory_space<vmem>>
    %dma_wait3A_613 = tpu.memref_slice %arg2[%add3A_497] : memref<4194304xf32, #tpu.memory_space<hbm>> -> memref<8192xf32, #tpu.memory_space<hbm>>
    %dma_wait3A_614 = arith.constant 0 : i32
    %dma_wait3A_615 = tpu.memref_slice %arg9[%dma_wait3A_614] : memref<8192xf32, #tpu.memory_space<vmem>> -> memref<8192xf32, #tpu.memory_space<vmem>>
    %dma_wait3A_616 = tpu.memref_slice %arg2[%add3A_497] : memref<4194304xf32, #tpu.memory_space<hbm>> -> memref<8192xf32, #tpu.memory_space<hbm>>
    tpu.wait_dma2 semaphore(%arg23 : memref<!tpu.dma_semaphore, #tpu.memory_space<semaphore_mem>>) src(%dma_wait3A_616 : memref<8192xf32, #tpu.memory_space<hbm>>) dst(%dma_wait3A_615 : memref<8192xf32, #tpu.memory_space<vmem>>)
    %dma_wait3A_617 = arith.constant 0 : i32
    %dma_wait3A_618 = tpu.memref_slice %arg13[%dma_wait3A_617] : memref<8192xi32, #tpu.memory_space<vmem>> -> memref<8192xi32, #tpu.memory_space<vmem>>
    %dma_wait3A_619 = tpu.memref_slice %arg3[%add3A_497] : memref<4194304xi32, #tpu.memory_space<hbm>> -> memref<8192xi32, #tpu.memory_space<hbm>>
    %dma_wait3A_620 = arith.constant 0 : i32
    %dma_wait3A_621 = tpu.memref_slice %arg13[%dma_wait3A_620] : memref<8192xi32, #tpu.memory_space<vmem>> -> memref<8192xi32, #tpu.memory_space<vmem>>
    %dma_wait3A_622 = tpu.memref_slice %arg3[%add3A_497] : memref<4194304xi32, #tpu.memory_space<hbm>> -> memref<8192xi32, #tpu.memory_space<hbm>>
    tpu.wait_dma2 semaphore(%arg23 : memref<!tpu.dma_semaphore, #tpu.memory_space<semaphore_mem>>) src(%dma_wait3A_622 : memref<8192xi32, #tpu.memory_space<hbm>>) dst(%dma_wait3A_621 : memref<8192xi32, #tpu.memory_space<vmem>>)
    %dma_wait3A_623 = arith.constant 0 : i32
    %dma_wait3A_624 = tpu.memref_slice %arg17[%dma_wait3A_623] : memref<8192xf32, #tpu.memory_space<vmem>> -> memref<8192xf32, #tpu.memory_space<vmem>>
    %dma_wait3A_625 = tpu.memref_slice %arg6[%add3A_489] : memref<4194304xf32, #tpu.memory_space<hbm>> -> memref<8192xf32, #tpu.memory_space<hbm>>
    %dma_wait3A_626 = tpu.memref_slice %arg6[%add3A_489] : memref<4194304xf32, #tpu.memory_space<hbm>> -> memref<8192xf32, #tpu.memory_space<hbm>>
    %dma_wait3A_627 = arith.constant 0 : i32
    %dma_wait3A_628 = tpu.memref_slice %arg17[%dma_wait3A_627] : memref<8192xf32, #tpu.memory_space<vmem>> -> memref<8192xf32, #tpu.memory_space<vmem>>
    tpu.wait_dma2 semaphore(%arg27 : memref<!tpu.dma_semaphore, #tpu.memory_space<semaphore_mem>>) src(%dma_wait3A_628 : memref<8192xf32, #tpu.memory_space<vmem>>) dst(%dma_wait3A_626 : memref<8192xf32, #tpu.memory_space<hbm>>)
    %parallel_loop3A_629 = arith.constant 0 : i32
    %parallel_loop3A_630 = arith.constant 8192 : i32
    %parallel_loop3A_631 = arith.constant 16 : i32
    scf.for %parallel_loop3A_693 = %parallel_loop3A_629 to %parallel_loop3A_630 step %parallel_loop3A_631  : i32 {
      %parallel_loop3A_694 = arith.index_cast %parallel_loop3A_693 : i32 to index
      %parallel_loop3A_695 = tpu.vector_load %arg13[%parallel_loop3A_694] {strides = array<i32>} : memref<8192xi32, #tpu.memory_space<vmem>>, vector<16xi32>,
      %parallel_loop3A_696 = arith.constant 1 : i32
      %parallel_loop3A_697 = vector.broadcast %parallel_loop3A_696 : i32 to vector<16xi32>
      %parallel_loop3A_698 = arith.subi %parallel_loop3A_695, %parallel_loop3A_697 : vector<16xi32>
      %parallel_loop3A_699 = vector.shape_cast %parallel_loop3A_698 : vector<16xi32> to vector<16x1xi32>
      %parallel_loop3A_700 = vector.shape_cast %parallel_loop3A_699 : vector<16x1xi32> to vector<16xi32>
      %parallel_loop3A_701 = tpu.dynamic_gather %get3A_3[%parallel_loop3A_700] in [0] : vector<16xf32>, vector<16xi32> -> vector<16xf32>
      %parallel_loop3A_702 = vector.shape_cast %parallel_loop3A_698 : vector<16xi32> to vector<16x1xi32>
      %parallel_loop3A_703 = vector.shape_cast %parallel_loop3A_702 : vector<16x1xi32> to vector<16xi32>
      %parallel_loop3A_704 = tpu.dynamic_gather %div3A_7[%parallel_loop3A_703] in [0] : vector<16xf32>, vector<16xi32> -> vector<16xf32>
      %parallel_loop3A_705 = arith.index_cast %parallel_loop3A_693 : i32 to index
      %parallel_loop3A_706 = tpu.vector_load %arg9[%parallel_loop3A_705] {strides = array<i32>} : memref<8192xf32, #tpu.memory_space<vmem>>, vector<16xf32>,
      %parallel_loop3A_707 = arith.subf %parallel_loop3A_706, %parallel_loop3A_701 : vector<16xf32>
      %parallel_loop3A_708 = arith.mulf %parallel_loop3A_707, %parallel_loop3A_704 : vector<16xf32>
      %parallel_loop3A_709 = arith.index_cast %parallel_loop3A_693 : i32 to index
      %parallel_loop3A_710 = tpu.vector_load %arg17[%parallel_loop3A_709] {strides = array<i32>} : memref<8192xf32, #tpu.memory_space<vmem>>, vector<16xf32>,
      tpu.vector_store %arg17[%parallel_loop3A_709], %parallel_loop3A_708 {strides = array<i32>} : memref<8192xf32, #tpu.memory_space<vmem>>, vector<16xf32>,
    } {sc.loop_unroll_factor = 8 : i64, sc.parallel_access}
    %add3A_632 = arith.constant 114688 : i32
    %add3A_633 = arith.addi %mul3A_2, %add3A_632 : i32
    %dma_start3A_634 = arith.constant 0 : i32
    %dma_start3A_635 = tpu.memref_slice %arg17[%dma_start3A_634] : memref<8192xf32, #tpu.memory_space<vmem>> -> memref<8192xf32, #tpu.memory_space<vmem>>
    %dma_start3A_636 = tpu.memref_slice %arg6[%add3A_633] : memref<4194304xf32, #tpu.memory_space<hbm>> -> memref<8192xf32, #tpu.memory_space<hbm>>
    %dma_start3A_637 = tpu.memref_slice %arg6[%add3A_633] : memref<4194304xf32, #tpu.memory_space<hbm>> -> memref<8192xf32, #tpu.memory_space<hbm>>
    %dma_start3A_638 = arith.constant 0 : i32
    %dma_start3A_639 = tpu.memref_slice %arg17[%dma_start3A_638] : memref<8192xf32, #tpu.memory_space<vmem>> -> memref<8192xf32, #tpu.memory_space<vmem>>
    tpu.enqueue_dma source(%dma_start3A_639 : memref<8192xf32, #tpu.memory_space<vmem>>) target(%dma_start3A_637 : memref<8192xf32, #tpu.memory_space<hbm>>) target_semaphore(%arg27 : memref<!tpu.dma_semaphore, #tpu.memory_space<semaphore_mem>>)
    %dma_wait3A_640 = arith.constant 0 : i32
    %dma_wait3A_641 = tpu.memref_slice %arg10[%dma_wait3A_640] : memref<8192xf32, #tpu.memory_space<vmem>> -> memref<8192xf32, #tpu.memory_space<vmem>>
    %dma_wait3A_642 = tpu.memref_slice %arg2[%add3A_540] : memref<4194304xf32, #tpu.memory_space<hbm>> -> memref<8192xf32, #tpu.memory_space<hbm>>
    %dma_wait3A_643 = arith.constant 0 : i32
    %dma_wait3A_644 = tpu.memref_slice %arg10[%dma_wait3A_643] : memref<8192xf32, #tpu.memory_space<vmem>> -> memref<8192xf32, #tpu.memory_space<vmem>>
    %dma_wait3A_645 = tpu.memref_slice %arg2[%add3A_540] : memref<4194304xf32, #tpu.memory_space<hbm>> -> memref<8192xf32, #tpu.memory_space<hbm>>
    tpu.wait_dma2 semaphore(%arg24 : memref<!tpu.dma_semaphore, #tpu.memory_space<semaphore_mem>>) src(%dma_wait3A_645 : memref<8192xf32, #tpu.memory_space<hbm>>) dst(%dma_wait3A_644 : memref<8192xf32, #tpu.memory_space<vmem>>)
    %dma_wait3A_646 = arith.constant 0 : i32
    %dma_wait3A_647 = tpu.memref_slice %arg14[%dma_wait3A_646] : memref<8192xi32, #tpu.memory_space<vmem>> -> memref<8192xi32, #tpu.memory_space<vmem>>
    %dma_wait3A_648 = tpu.memref_slice %arg3[%add3A_540] : memref<4194304xi32, #tpu.memory_space<hbm>> -> memref<8192xi32, #tpu.memory_space<hbm>>
    %dma_wait3A_649 = arith.constant 0 : i32
    %dma_wait3A_650 = tpu.memref_slice %arg14[%dma_wait3A_649] : memref<8192xi32, #tpu.memory_space<vmem>> -> memref<8192xi32, #tpu.memory_space<vmem>>
    %dma_wait3A_651 = tpu.memref_slice %arg3[%add3A_540] : memref<4194304xi32, #tpu.memory_space<hbm>> -> memref<8192xi32, #tpu.memory_space<hbm>>
    tpu.wait_dma2 semaphore(%arg24 : memref<!tpu.dma_semaphore, #tpu.memory_space<semaphore_mem>>) src(%dma_wait3A_651 : memref<8192xi32, #tpu.memory_space<hbm>>) dst(%dma_wait3A_650 : memref<8192xi32, #tpu.memory_space<vmem>>)
    %dma_wait3A_652 = arith.constant 0 : i32
    %dma_wait3A_653 = tpu.memref_slice %arg18[%dma_wait3A_652] : memref<8192xf32, #tpu.memory_space<vmem>> -> memref<8192xf32, #tpu.memory_space<vmem>>
    %dma_wait3A_654 = tpu.memref_slice %arg6[%add3A_532] : memref<4194304xf32, #tpu.memory_space<hbm>> -> memref<8192xf32, #tpu.memory_space<hbm>>
    %dma_wait3A_655 = tpu.memref_slice %arg6[%add3A_532] : memref<4194304xf32, #tpu.memory_space<hbm>> -> memref<8192xf32, #tpu.memory_space<hbm>>
    %dma_wait3A_656 = arith.constant 0 : i32
    %dma_wait3A_657 = tpu.memref_slice %arg18[%dma_wait3A_656] : memref<8192xf32, #tpu.memory_space<vmem>> -> memref<8192xf32, #tpu.memory_space<vmem>>
    tpu.wait_dma2 semaphore(%arg28 : memref<!tpu.dma_semaphore, #tpu.memory_space<semaphore_mem>>) src(%dma_wait3A_657 : memref<8192xf32, #tpu.memory_space<vmem>>) dst(%dma_wait3A_655 : memref<8192xf32, #tpu.memory_space<hbm>>)
    %parallel_loop3A_658 = arith.constant 0 : i32
    %parallel_loop3A_659 = arith.constant 8192 : i32
    %parallel_loop3A_660 = arith.constant 16 : i32
    scf.for %parallel_loop3A_693 = %parallel_loop3A_658 to %parallel_loop3A_659 step %parallel_loop3A_660  : i32 {
      %parallel_loop3A_694 = arith.index_cast %parallel_loop3A_693 : i32 to index
      %parallel_loop3A_695 = tpu.vector_load %arg14[%parallel_loop3A_694] {strides = array<i32>} : memref<8192xi32, #tpu.memory_space<vmem>>, vector<16xi32>,
      %parallel_loop3A_696 = arith.constant 1 : i32
      %parallel_loop3A_697 = vector.broadcast %parallel_loop3A_696 : i32 to vector<16xi32>
      %parallel_loop3A_698 = arith.subi %parallel_loop3A_695, %parallel_loop3A_697 : vector<16xi32>
      %parallel_loop3A_699 = vector.shape_cast %parallel_loop3A_698 : vector<16xi32> to vector<16x1xi32>
      %parallel_loop3A_700 = vector.shape_cast %parallel_loop3A_699 : vector<16x1xi32> to vector<16xi32>
      %parallel_loop3A_701 = tpu.dynamic_gather %get3A_3[%parallel_loop3A_700] in [0] : vector<16xf32>, vector<16xi32> -> vector<16xf32>
      %parallel_loop3A_702 = vector.shape_cast %parallel_loop3A_698 : vector<16xi32> to vector<16x1xi32>
      %parallel_loop3A_703 = vector.shape_cast %parallel_loop3A_702 : vector<16x1xi32> to vector<16xi32>
      %parallel_loop3A_704 = tpu.dynamic_gather %div3A_7[%parallel_loop3A_703] in [0] : vector<16xf32>, vector<16xi32> -> vector<16xf32>
      %parallel_loop3A_705 = arith.index_cast %parallel_loop3A_693 : i32 to index
      %parallel_loop3A_706 = tpu.vector_load %arg10[%parallel_loop3A_705] {strides = array<i32>} : memref<8192xf32, #tpu.memory_space<vmem>>, vector<16xf32>,
      %parallel_loop3A_707 = arith.subf %parallel_loop3A_706, %parallel_loop3A_701 : vector<16xf32>
      %parallel_loop3A_708 = arith.mulf %parallel_loop3A_707, %parallel_loop3A_704 : vector<16xf32>
      %parallel_loop3A_709 = arith.index_cast %parallel_loop3A_693 : i32 to index
      %parallel_loop3A_710 = tpu.vector_load %arg18[%parallel_loop3A_709] {strides = array<i32>} : memref<8192xf32, #tpu.memory_space<vmem>>, vector<16xf32>,
      tpu.vector_store %arg18[%parallel_loop3A_709], %parallel_loop3A_708 {strides = array<i32>} : memref<8192xf32, #tpu.memory_space<vmem>>, vector<16xf32>,
    } {sc.loop_unroll_factor = 8 : i64, sc.parallel_access}
    %add3A_661 = arith.constant 122880 : i32
    %add3A_662 = arith.addi %mul3A_2, %add3A_661 : i32
    %dma_start3A_663 = arith.constant 0 : i32
    %dma_start3A_664 = tpu.memref_slice %arg18[%dma_start3A_663] : memref<8192xf32, #tpu.memory_space<vmem>> -> memref<8192xf32, #tpu.memory_space<vmem>>
    %dma_start3A_665 = tpu.memref_slice %arg6[%add3A_662] : memref<4194304xf32, #tpu.memory_space<hbm>> -> memref<8192xf32, #tpu.memory_space<hbm>>
    %dma_start3A_666 = tpu.memref_slice %arg6[%add3A_662] : memref<4194304xf32, #tpu.memory_space<hbm>> -> memref<8192xf32, #tpu.memory_space<hbm>>
    %dma_start3A_667 = arith.constant 0 : i32
    %dma_start3A_668 = tpu.memref_slice %arg18[%dma_start3A_667] : memref<8192xf32, #tpu.memory_space<vmem>> -> memref<8192xf32, #tpu.memory_space<vmem>>
    tpu.enqueue_dma source(%dma_start3A_668 : memref<8192xf32, #tpu.memory_space<vmem>>) target(%dma_start3A_666 : memref<8192xf32, #tpu.memory_space<hbm>>) target_semaphore(%arg28 : memref<!tpu.dma_semaphore, #tpu.memory_space<semaphore_mem>>)
    %dma_wait3A_669 = arith.constant 0 : i32
    %dma_wait3A_670 = tpu.memref_slice %arg15[%dma_wait3A_669] : memref<8192xf32, #tpu.memory_space<vmem>> -> memref<8192xf32, #tpu.memory_space<vmem>>
    %dma_wait3A_671 = tpu.memref_slice %arg6[%add3A_575] : memref<4194304xf32, #tpu.memory_space<hbm>> -> memref<8192xf32, #tpu.memory_space<hbm>>
    %dma_wait3A_672 = tpu.memref_slice %arg6[%add3A_575] : memref<4194304xf32, #tpu.memory_space<hbm>> -> memref<8192xf32, #tpu.memory_space<hbm>>
    %dma_wait3A_673 = arith.constant 0 : i32
    %dma_wait3A_674 = tpu.memref_slice %arg15[%dma_wait3A_673] : memref<8192xf32, #tpu.memory_space<vmem>> -> memref<8192xf32, #tpu.memory_space<vmem>>
    tpu.wait_dma2 semaphore(%arg25 : memref<!tpu.dma_semaphore, #tpu.memory_space<semaphore_mem>>) src(%dma_wait3A_674 : memref<8192xf32, #tpu.memory_space<vmem>>) dst(%dma_wait3A_672 : memref<8192xf32, #tpu.memory_space<hbm>>)
    %dma_wait3A_675 = arith.constant 0 : i32
    %dma_wait3A_676 = tpu.memref_slice %arg16[%dma_wait3A_675] : memref<8192xf32, #tpu.memory_space<vmem>> -> memref<8192xf32, #tpu.memory_space<vmem>>
    %dma_wait3A_677 = tpu.memref_slice %arg6[%add3A_604] : memref<4194304xf32, #tpu.memory_space<hbm>> -> memref<8192xf32, #tpu.memory_space<hbm>>
    %dma_wait3A_678 = tpu.memref_slice %arg6[%add3A_604] : memref<4194304xf32, #tpu.memory_space<hbm>> -> memref<8192xf32, #tpu.memory_space<hbm>>
    %dma_wait3A_679 = arith.constant 0 : i32
    %dma_wait3A_680 = tpu.memref_slice %arg16[%dma_wait3A_679] : memref<8192xf32, #tpu.memory_space<vmem>> -> memref<8192xf32, #tpu.memory_space<vmem>>
    tpu.wait_dma2 semaphore(%arg26 : memref<!tpu.dma_semaphore, #tpu.memory_space<semaphore_mem>>) src(%dma_wait3A_680 : memref<8192xf32, #tpu.memory_space<vmem>>) dst(%dma_wait3A_678 : memref<8192xf32, #tpu.memory_space<hbm>>)
    %dma_wait3A_681 = arith.constant 0 : i32
    %dma_wait3A_682 = tpu.memref_slice %arg17[%dma_wait3A_681] : memref<8192xf32, #tpu.memory_space<vmem>> -> memref<8192xf32, #tpu.memory_space<vmem>>
    %dma_wait3A_683 = tpu.memref_slice %arg6[%add3A_633] : memref<4194304xf32, #tpu.memory_space<hbm>> -> memref<8192xf32, #tpu.memory_space<hbm>>
    %dma_wait3A_684 = tpu.memref_slice %arg6[%add3A_633] : memref<4194304xf32, #tpu.memory_space<hbm>> -> memref<8192xf32, #tpu.memory_space<hbm>>
    %dma_wait3A_685 = arith.constant 0 : i32
    %dma_wait3A_686 = tpu.memref_slice %arg17[%dma_wait3A_685] : memref<8192xf32, #tpu.memory_space<vmem>> -> memref<8192xf32, #tpu.memory_space<vmem>>
    tpu.wait_dma2 semaphore(%arg27 : memref<!tpu.dma_semaphore, #tpu.memory_space<semaphore_mem>>) src(%dma_wait3A_686 : memref<8192xf32, #tpu.memory_space<vmem>>) dst(%dma_wait3A_684 : memref<8192xf32, #tpu.memory_space<hbm>>)
    %dma_wait3A_687 = arith.constant 0 : i32
    %dma_wait3A_688 = tpu.memref_slice %arg18[%dma_wait3A_687] : memref<8192xf32, #tpu.memory_space<vmem>> -> memref<8192xf32, #tpu.memory_space<vmem>>
    %dma_wait3A_689 = tpu.memref_slice %arg6[%add3A_662] : memref<4194304xf32, #tpu.memory_space<hbm>> -> memref<8192xf32, #tpu.memory_space<hbm>>
    %dma_wait3A_690 = tpu.memref_slice %arg6[%add3A_662] : memref<4194304xf32, #tpu.memory_space<hbm>> -> memref<8192xf32, #tpu.memory_space<hbm>>
    %dma_wait3A_691 = arith.constant 0 : i32
    %dma_wait3A_692 = tpu.memref_slice %arg18[%dma_wait3A_691] : memref<8192xf32, #tpu.memory_space<vmem>> -> memref<8192xf32, #tpu.memory_space<vmem>>
    tpu.wait_dma2 semaphore(%arg28 : memref<!tpu.dma_semaphore, #tpu.memory_space<semaphore_mem>>) src(%dma_wait3A_692 : memref<8192xf32, #tpu.memory_space<vmem>>) dst(%dma_wait3A_690 : memref<8192xf32, #tpu.memory_space<hbm>>)
    return
  }
}

</mosaic_0001>

<sc_bundles>
// kernel: _standardize.3.cloned.1.call-start
scs
__scs_entry_jumppad:
0x0: {  	(pc) =	sbr.rel $0x88, $3  }
0x1: {  	(tag) =	ssettag $0x0;
	lr =	simm.s32 $0x1  }
0x2: {  	[smem:$0x3F9D] =	sst lr;
	_ =	strace $0xD0000000  }
0x3: {  	_ = 	snop  }
0x4: {  	_ = 	snop  }
0x5: {  	_ = 	snop  }
0x6: {  	_ = 	snop  }
0x7: {  	_ = 	snop  }
__scs_overlays_trampoline_lowered:
0x8: {  	[smem:$0x3FAC] =	sst s0  }
0x9: {  	[smem:$0x3FAD] =	sst s1  }
0xa: {  	[smem:$0x3FAE] =	sst s2  }
0xb: {  	[smem:$0x3FAF] =	sst s3  }
0xc: {  	[smem:$0x3FB0] =	sst s4  }
0xd: {  	[smem:$0x3FB1] =	sst s5  }
0xe: {  	[smem:$0x3FB2] =	sst s6  }
0xf: {  	[smem:$0x3FB3] =	sst s7  }
0x10: {  	[smem:$0x3FB4] =	sst s8  }
0x11: {  	[smem:$0x3FB5] =	sst s9;
	s0 =	simm.s32 @!p0 $0x0  }
0x12: {  	s1 =	sld [smem:$0x3F9B];
	s0 =	simm.s32 @p0 $0x1  }
0x13: {  	[smem:$0x3FB6] =	sst s0;
	s0 =	simm.s32 @!p1 $0x0  }
0x14: {  	s2 =	sld [smem:$0x3F9A];
	s0 =	simm.s32 @p1 $0x1  }
0x15: {  	[smem:$0x3FB7] =	sst s0;
	s0 =	simm.s32 @!p2 $0x0  }
0x16: {  	s3 =	sld [smem:$0x3FDB];
	s0 =	simm.s32 @p2 $0x1  }
0x17: {  	s4 =	simm.s32 $0x1BF5;
	[smem:$0x3FB9] =	sst s0  }
0x18: {  	s0 =	sld [smem:$0x3F9C];
	_ =	swait.ge [sflag:s4], $0x0  }
0x19: {  	s7 =	sld [smem:$0x3F9D]  }
0x1a: {  	s8 =	sadd.s32 $0xFFFFE003, lr  }
0x1b: {  	s9 =	sadd.s32 $0xFFFFFEF7, lr;
	s5 =	simm.s32 $0xFFFFFFFF;
	p2 =	slt.u32 s8, $0xFFFFF086  }
0x1c: {  	p1 =	slt.u32 s9, $0xF7A;
	s5 =	simm.s32 @!p2 $0x0  }
0x1d: {  	s5 =	simm.s32 @p1 $0x1;
	p0 =	seq.s32 s7, s2  }
0x1e: {  	s7 =	smul.u32 @!p0 $0xF7A, s2;
	p2 =	seq.s32 @!p0 s5, $0x0  }
0x1f: {  	s9 =	smul.u32 $0xF7A, s1;
	s8 =	simm.s32 @!p0 $0x1BF5;
	p2 =	por !p2, p0  }
0x20: {  	[sflag:s8] =	ssyncset.s32 @!p0 $0xFFFFF086;
	s6 =	sadd.s32 @!p0 s3, s7;
	s7 =	simm.s32 @!p0 $0x108  }
0x21: {  	s3 =	sadd.s32 s3, s9;
	s6 =	sadd.s32 @!p0 $0x88, s6;
	s7 =	simm.s32 @p2 $0x1082  }
0x22: {  	[simem:s7], [sflag:s8] =	dma.local @!p0 [hbm:s6], $0xF7A  }
0x23: {  	s9 =	sor.u32 $0xD0000000, s2;
	s6 =	simm.s32 $0x108;
	_ =	swait.ge @!p0 [sflag:s8], $0x0  }
0x24: {  	s3 =	sadd.s32 $0x88, s3;
	s6 =	simm.s32 @!p1 $0x1082;
	[sflag:s4] =	ssyncset.s32 $0xFFFFF086  }
0x25: {  	[simem:s6], [sflag:s4] =	dma.local [hbm:s3], $0xF7A  }
0x26: {  	[smem:$0x3F9D] =	sst s1;
	(tag) =	ssettag s2;
	_ =	strace s9  }
0x27: {  	s1 =	sld [smem:$0x3FAD]  }
0x28: {  	s2 =	sld [smem:$0x3FAE]  }
0x29: {  	s4 =	sld [smem:$0x3FB0]  }
0x2a: {  	p0 =	seq.s32 s5, $0x0;
	s5 =	sld [smem:$0x3FB1]  }
0x2b: {  	s6 =	sld [smem:$0x3FB2]  }
0x2c: {  	s7 =	sld [smem:$0x3FB3]  }
0x2d: {  	s3 =	simm.s32 $0x108;
	s8 =	sld [smem:$0x3FB4]  }
0x2e: {  	s3 =	simm.s32 @!p0 $0x1082;
	s9 =	sld [smem:$0x3FB5]  }
0x2f: {  	lr =	sadd.s32 s0, s3;
	s0 =	sld [smem:$0x3FAC]  }
0x30: {  	s3 =	sld [smem:$0x3FAF]  }
0x31: {  	[smem:$0x3FB8] =	sst s10  }
0x32: {  	s10 =	sld [smem:$0x3FB6];
	_ =	sdelay $0x3  }
0x33: {  	p0 =	seq.s32 s10, $0x1;
	s10 =	sld [smem:$0x3FB8];
	_ =	sdelay $0x3  }
0x34: {  	[smem:$0x3FB8] =	sst s10  }
0x35: {  	s10 =	sld [smem:$0x3FB7];
	_ =	sdelay $0x3  }
0x36: {  	p1 =	seq.s32 s10, $0x1;
	s10 =	sld [smem:$0x3FB8];
	_ =	sdelay $0x3  }
0x37: {  	[smem:$0x3FB8] =	sst s10  }
0x38: {  	s10 =	sld [smem:$0x3FB9]  }
0x39: {  	_ = 	snop;
	(pc) =	sbr.ind lr, $3  }
0x3a: {  	_ = 	snop  }
0x3b: {  	_ = 	snop  }
0x3c: {  	p2 =	seq.s32 s10, $0x1;
	s10 =	sld [smem:$0x3FB8]  }
0x3d: {  	_ =	shalt  }
0x3e: {  	_ =	shalt  }
0x3f: {  	_ =	shalt  }
0x40: {  	_ =	shalt  }
0x41: {  	_ =	shalt  }
0x42: {  	_ =	shalt  }
0x43: {  	_ =	shalt  }
0x44: {  	_ =	shalt  }
0x45: {  	_ =	shalt  }
0x46: {  	_ =	shalt  }
0x47: {  	_ =	shalt  }
0x48: {  	_ =	shalt  }
0x49: {  	_ =	shalt  }
0x4a: {  	_ =	shalt  }
0x4b: {  	_ =	shalt  }
0x4c: {  	_ =	shalt  }
0x4d: {  	_ =	shalt  }
0x4e: {  	_ =	shalt  }
0x4f: {  	_ =	shalt  }
0x50: {  	_ =	shalt  }
0x51: {  	_ =	shalt  }
0x52: {  	_ =	shalt  }
0x53: {  	_ =	shalt  }
0x54: {  	_ =	shalt  }
0x55: {  	_ =	shalt  }
0x56: {  	_ =	shalt  }
0x57: {  	_ =	shalt  }
0x58: {  	_ =	shalt  }
0x59: {  	_ =	shalt  }
0x5a: {  	_ =	shalt  }
0x5b: {  	_ =	shalt  }
0x5c: {  	_ =	shalt  }
0x5d: {  	_ =	shalt  }
0x5e: {  	_ =	shalt  }
0x5f: {  	_ =	shalt  }
0x60: {  	_ =	shalt  }
0x61: {  	_ =	shalt  }
0x62: {  	_ =	shalt  }
0x63: {  	_ =	shalt  }
0x64: {  	_ =	shalt  }
0x65: {  	_ =	shalt  }
0x66: {  	_ =	shalt  }
0x67: {  	_ =	shalt  }
0x68: {  	_ =	shalt  }
0x69: {  	_ =	shalt  }
0x6a: {  	_ =	shalt  }
0x6b: {  	_ =	shalt  }
0x6c: {  	_ =	shalt  }
0x6d: {  	_ =	shalt  }
0x6e: {  	_ =	shalt  }
0x6f: {  	_ =	shalt  }
0x70: {  	_ =	shalt  }
0x71: {  	_ =	shalt  }
0x72: {  	_ =	shalt  }
0x73: {  	_ =	shalt  }
0x74: {  	_ =	shalt  }
0x75: {  	_ =	shalt  }
0x76: {  	_ =	shalt  }
0x77: {  	_ =	shalt  }
0x78: {  	_ =	shalt  }
0x79: {  	_ =	shalt  }
0x7a: {  	_ =	shalt  }
0x7b: {  	_ =	shalt  }
0x7c: {  	_ =	shalt  }
0x7d: {  	_ =	shalt  }
0x7e: {  	_ =	shalt  }
0x7f: {  	_ =	shalt  }
0x80: {  	_ =	shalt  }
0x81: {  	_ =	shalt  }
0x82: {  	_ =	shalt  }
0x83: {  	_ =	shalt  }
0x84: {  	_ =	shalt  }
0x85: {  	_ =	shalt  }
0x86: {  	_ =	shalt  }
0x87: {  	_ =	shalt  }
.Lfunc_end0:
.L_simem_size_0:
called_computation_lowered:
.L_overlay_start_0:
0x88: {  	s2 =	sld [smem:$0x3FD9]  }
0x89: {  	s3 =	sld [smem:$0x3FFE];
	_ =	sdelay $0x1  }
0x8a: {  	s1 =	srdreg.scid  }
0x8b: {  	s0 =	sand.u32 $0x1, s1  }
0x8c: {  	s18 =	sshll.u32 s0, $0xA;
	s2 =	sadd.s32 s3, s2  }
0x8d: {  	s2 =	sadd.s32 s2, s18  }
0x8e: {  	[smem:$0x3FC4] =	sst s2  }
0x8f: {  	_ = 	snop  }
0x90: {  	s2 =	sld [smem:$0x3FC9]  }
0x91: {  	s19 =	sld [smem:$0x3FC8]  }
0x92: {  	s4 =	sld [smem:$0x3FC7]  }
0x93: {  	s5 =	sld [smem:$0x3FC6]  }
0x94: {  	s6 =	sld [smem:$0x3FD0];
	(tm) =	ssettm $0x1  }
0x95: {  	s7 =	sld [smem:$0x3FFB];
	_ =	sdelay $0x3  }
0x96: {  	_ =	strace s7  }
0x97: {  	s7 =	sld [smem:$0x3FFC];
	_ =	sdelay $0x3  }
0x98: {  	_ =	strace s7  }
0x99: {  	s7 =	sld [smem:$0x3FFD];
	_ =	sdelay $0x3  }
0x9a: {  	_ =	strace s7  }
0x9b: {  	_ =	strace $0x8FFFFFFF  }
0x9c: {  	s20 =	sld [smem:$0x3FDB];
	_ =	sdelay $0x1  }
0x9d: {  	s8 =	simm.s32 $_scs_section_size  }
0x9e: {  	s9 =	simm.s32 $_size__tile_overlayer_lowered;
	s10 =	simm.s32 $_tile_overlayer_lowered  }
0x9f: {  	s23 =	simm.s32 $0x1BFF;
	s22 =	sshll.u32 s10, $0x1;
	s7 =	sadd.s32 s8, s20  }
0xa0: {  	s11 =	simm.s32 $0x0;
	s21 =	sshll.u32 s9, $0x1;
	s9 =	sadd.s32 s22, s7  }
0xa1: {  	[timem:s11], [sflag:s23] =	dma.local [hbm:s9], s21  }
0xa2: {  	_ =	swait.ge [sflag:s23], s21  }
0xa3: {  	s8 =	ssub.s32 $0x0, s21;
	[sflag:s23] =	ssyncset.done $0x0  }
0xa4: {  	[sflag:s23] =	ssyncadd.s32 s8;
	_ =	sdelay $0x1  }
0xa5: {  	s24 =	simm.s32 $0x1B8B  }
0xa6: {  	_ =	swait.ge [sflag:s24], $0x1  }
0xa7: {  	[sflag:s24] =	ssyncset.done $0x0  }
0xa8: {  	s25 =	simm.s32 $0x1B8E;
	[sflag:s24] =	ssyncadd.s32 $0xFFFFFFFF  }
0xa9: {  	s26 =	simm.s32 $execute0_lowered;
	[smem:$0x3FD2] =	sst s25  }
0xaa: {  	s8 =	sshll.u32 s26, $0x1;
	_ =	strace $0x80000046;
	[dreg:$0x1] =	wrdreg $0xFFFFFFFF  }
0xab: {  	s28 =	simm.s32 $_size_execute0_lowered;
	s7 =	sadd.s32 s7, s8;
	[dreg:$0x0] =	wrdreg $0x0  }
0xac: {  	s8 =	sshll.u32 s28, $0x1;
	[dreg:$0x2] =	wrdreg s7  }
0xad: {  	[dreg:$0x3] =	wrdreg s8  }
0xae: {  	[dreg:$0x4] =	wrdreg $0xC0  }
0xaf: {  	_ =	task [dreg:s11], $0x5FFFF  }
0xb0: {  	[dreg:$0x1] =	wrdreg $0xFFFFFFFF  }
0xb1: {  	[dreg:$0x0] =	wrdreg $0x60  }
0xb2: {  	[dreg:$0x2] =	wrdreg s2  }
0xb3: {  	[dreg:$0x3] =	wrdreg s19  }
0xb4: {  	[dreg:$0x4] =	wrdreg s4  }
0xb5: {  	[dreg:$0x5] =	wrdreg s5  }
0xb6: {  	[dreg:$0x6] =	wrdreg s6  }
0xb7: {  	[dreg:$0x7] =	wrdreg $0x9  }
0xb8: {  	_ =	task.clear_ibuf [dreg:s11], $0x8FFFF;
	_ =	strace $0x90000046  }
0xb9: {  	s29 =	simm.s32 $0x9;
	_ =	strace $0x80000048  }
0xba: {  	_ =	swait.ge [sflag:s29], $0x1  }
0xbb: {  	[sflag:s29] =	ssyncadd.s32 $0xFFFFFFFF  }
0xbc: {  	_ =	strace $0x90000048  }
0xbd: {  	_ =	sfence  }
0xbe: {  	s30 =	sld [smem:$0x0];
	_ =	sdelay $0x2  }
0xbf: {  	s31 =	sshll.u32 s1, $0xD;
	s1 =	sshrl.u32 s1, $0x2  }
0xc0: {  	s3 =	sand.u32 $0x4000, s31;
	s1 =	sadd.s32 s1, s30  }
0xc1: {  	s0 =	sor.u32 s3, s0;
	s1 =	sshll.u32 s1, $0x11  }
0xc2: {  	s0 =	sor.u32 s1, s0  }
0xc3: {  	s0 =	sadd.s32 $0x8F2B, s0  }
0xc4: {  	[sflag:s0] =	ssyncadd.remote.s32 $0x1  }
0xc5: {  	_ =	sfence.sel $0xFFFF  }
0xc6: {  	[dreg:$0x0] =	wrdreg $0xFFFFFFFF;
	(pc) =	sbr.abs _section_cstart, $3  }
0xc7: {  	[dreg:$0x1] =	wrdreg $0xFFFFFFFF  }
0xc8: {  	_ =	task.clear_ibuf [dreg:s11], $0x2FFFF;
	_ =	strace $0x9FFFFFFF  }
0xc9: {  	(tm) =	ssettm $0x7FFFFFFF  }
tec
execute0_lowered:
.L_overlay_start_1:
0x0: {  	(tag) =	ssettag $0x1  }
0x1: {  	s1 =	srdreg.scid  }
0x2: {  	s3 =	rddreg [dreg:$0x0];
	s5 =	stileid.u32;
	s1 =	sand.u32 $0x1, s1  }
0x3: {  	s2 =	rddreg [dreg:$0x1];
	s5 =	sshll.u32 s5, $0xF;
	s6 =	sshll.u32 s1, $0xE  }
0x4: {  	s0 =	rddreg [dreg:$0x4];
	s5 =	sor.u32 s6, s5  }
0x5: {  	s4 =	ssub.s32 $0x2, s1;
	s1 =	simm.s32 $0x0;
	s6 =	sor.u32 $0x400, s5  }
0x6: {  	[smem:$0x7FF] =	sst s1;
	s18 =	sadd.s32 s3, s6  }
0x7: {  	s20 =	sor.u32 $0x800, s5;
	s19 =	sadd.s32 s2, s6;
	[dreg:$0x6] =	wrdreg s18  }
0x8: {  	s8 =	sadd.s32 s3, s20;
	[dreg:$0x7] =	wrdreg s19  }
0x9: {  	s22 =	sor.u32 $0xC00, s5;
	s21 =	sadd.s32 s2, s20;
	[dreg:$0x8] =	wrdreg s8  }
0xa: {  	s9 =	sadd.s32 s3, s22;
	[dreg:$0x9] =	wrdreg s21  }
0xb: {  	s24 =	sor.u32 $0x1000, s5;
	s23 =	sadd.s32 s2, s22;
	[dreg:$0xa] =	wrdreg s9  }
0xc: {  	s10 =	sadd.s32 s3, s24;
	[dreg:$0xb] =	wrdreg s23  }
0xd: {  	s7 =	sshrl.u32 s4, $0x1;
	s25 =	sadd.s32 s2, s24;
	[dreg:$0xc] =	wrdreg s10  }
0xe: {  	s26 =	sor.u32 $0x1400, s5;
	s6 =	sadd.s32 s0, s6;
	[dreg:$0xd] =	wrdreg s25  }
0xf: {  	s4 =	ssub.s32 s4, s7;
	s11 =	sadd.s32 s3, s26;
	[dreg:$0xe] =	wrdreg s6  }
0x10: {  	s12 =	sor.u32 $0x1800, s5;
	s7 =	sadd.s32 s0, s20;
	[dreg:$0xf] =	wrdreg s11  }
0x11: {  	s13 =	sadd.s32 s3, s12;
	[dreg:$0x11] =	wrdreg s7  }
0x12: {  	s14 =	sadd.s32 s2, s12;
	[dreg:$0x12] =	wrdreg s13  }
0x13: {  	s15 =	sadd.s32 s0, s22;
	[dreg:$0x13] =	wrdreg s14  }
0x14: {  	s16 =	sor.u32 $0x1C00, s5;
	s17 =	sadd.s32 s0, s24;
	[dreg:$0x14] =	wrdreg s15  }
0x15: {  	s20 =	sadd.s32 s2, s16;
	[dreg:$0x15] =	wrdreg s17  }
0x16: {  	s11 =	sadd.s32 s2, s26;
	[dreg:$0x19] =	wrdreg s20  }
0x17: {  	s18 =	sadd.s32 s0, s26;
	[dreg:$0x10] =	wrdreg s11  }
0x18: {  	s6 =	sadd.s32 s0, s12;
	[dreg:$0x16] =	wrdreg s18  }
0x19: {  	s19 =	sadd.s32 s3, s16;
	[dreg:$0x17] =	wrdreg s6  }
0x1a: {  	s28 =	simm.s32 $0x6000;
	s7 =	sadd.s32 s0, s16;
	[dreg:$0x18] =	wrdreg s19  }
0x1b: {  	s29 =	simm.s32 $0xE000;
	s15 =	sadd.s32 s3, s5;
	[dreg:$0x1a] =	wrdreg s7  }
0x1c: {  	s30 =	simm.s32 $0x1;
	s16 =	sadd.s32 s2, s5;
	[smem:$0x7F3] =	sst s15  }
0x1d: {  	s21 =	sor.u32 $0x2000, s5;
	s17 =	sadd.s32 s0, s5;
	[smem:$0x7F4] =	sst s16  }
0x1e: {  	s31 =	simm.s32 $0x10000;
	s22 =	sadd.s32 s3, s21;
	[smem:$0x7F5] =	sst s17  }
0x1f: {  	s23 =	sor.u32 $0x2400, s5;
	s24 =	sadd.s32 s2, s21;
	[dreg:$0x1b] =	wrdreg s22  }
0x20: {  	s8 =	sor.u32 $0x2800, s5;
	s6 =	sadd.s32 s0, s21;
	[dreg:$0x1c] =	wrdreg s24  }
0x21: {  	s20 =	sor.u32 $0x3800, s5;
	s25 =	sadd.s32 s3, s23;
	[dreg:$0x1d] =	wrdreg s6  }
0x22: {  	s26 =	sadd.s32 s2, s23;
	s7 =	sadd.s32 s0, s23;
	[dreg:$0x1e] =	wrdreg s25  }
0x23: {  	s9 =	sadd.s32 s3, s8;
	s10 =	sadd.s32 s2, s8;
	[dreg:$0x1f] =	wrdreg s26  }
0x24: {  	s11 =	sor.u32 $0x2C00, s5;
	s18 =	sor.u32 $0x3000, s5;
	[smem:$0x7EC] =	sst s7  }
0x25: {  	s19 =	sor.u32 $0x3400, s5;
	s5 =	sor.u32 $0x3C00, s5;
	[smem:$0x7ED] =	sst s9  }
0x26: {  	s23 =	sadd.s32 s3, s20;
	[smem:$0x7EE] =	sst s10;
	s6 =	sadd.s32 s0, s8  }
0x27: {  	s12 =	sadd.s32 s3, s11;
	s13 =	sadd.s32 s2, s11;
	[smem:$0x7F8] =	sst s23  }
0x28: {  	s14 =	sadd.s32 s0, s11;
	s21 =	sadd.s32 s3, s18;
	[smem:$0x7EF] =	sst s6  }
0x29: {  	s22 =	sadd.s32 s3, s19;
	s3 =	sadd.s32 s3, s5;
	[smem:$0x7F0] =	sst s12  }
0x2a: {  	s24 =	sadd.s32 s2, s18;
	s25 =	sadd.s32 s2, s19;
	[smem:$0x7F1] =	sst s13  }
0x2b: {  	s26 =	sadd.s32 s2, s20;
	s2 =	sadd.s32 s2, s5;
	[smem:$0x7F2] =	sst s14  }
0x2c: {  	s16 =	sadd.s32 s0, s18;
	s17 =	sadd.s32 s0, s19;
	[smem:$0x7F6] =	sst s21  }
0x2d: {  	s18 =	sadd.s32 s0, s20;
	s19 =	sadd.s32 s0, s5;
	[smem:$0x7F7] =	sst s22  }
0x2e: {  	s20 =	smax.u32 s4, $0x1;
	s23 =	simm.s32 $0x2000;
	[smem:$0x7F9] =	sst s3  }
0x2f: {  	s0 =	simm.s32 $0x2;
	s4 =	simm.s32 $0x14000;
	[smem:$0x7FA] =	sst s24  }
0x30: {  	s5 =	simm.s32 $0x4;
	s7 =	simm.s32 $0x5;
	[smem:$0x7FB] =	sst s25  }
0x31: {  	s8 =	simm.s32 $0x6;
	s9 =	simm.s32 $0x7;
	[smem:$0x7FC] =	sst s26  }
0x32: {  	s10 =	simm.s32 $0x8;
	s11 =	simm.s32 $0x0;
	[smem:$0x7FD] =	sst s2  }
0x33: {  	s21 =	simm.s32 $0x9;
	s22 =	simm.s32 $0x8000;
	s24 =	simm.s32 $0xA000  }
0x34: {  	s25 =	simm.s32 $0x4000;
	s26 =	simm.s32 $0xC000;
	s2 =	simm.s32 $0x12000  }
0x35: {  	s3 =	simm.s32 $0x3;
	s6 =	simm.s32 $0x16000;
	_ =	strace $0x80000047  }
.LBB2_1:
0x36: {  	s12 =	rddreg [dreg:$0x2];
	s13 =	simm.s32 $0x18000  }
0x37: {  	[tilespmem:s13], [sflag:$0x9] =	stream.linear.gather [hbm4b:s12+s1], $0x80, $0x38;
	[tilespmem:$0x18100] =	vst v63  }
0x38: {  	_ =	swait.ge [sflag:s21], $0x80  }
0x39: {  	[sflag:s21] =	ssyncset.done $0x0  }
0x3a: {  	[sflag:s21] =	ssyncadd.s32 $0xFFFFFF80  }
0x3b: {  	s15 =	simm.s32 $0x18080;
	s14 =	rddreg [dreg:$0x3]  }
0x3c: {  	[tilespmem:s15], [sflag:$0x9] =	stream.linear.gather [hbm4b:s14+s1], $0x80, $0x38;
	[tilespmem:$0x18100] =	vst v63  }
0x3d: {  	_ =	swait.ge [sflag:s21], $0x80  }
0x3e: {  	[sflag:s21] =	ssyncset.done $0x0;
	s13 =	sld [smem:$0x7F3]  }
0x3f: {  	[sflag:s21] =	ssyncadd.s32 $0xFFFFFF80  }
0x40: {  	s14 =	sld [smem:$0x7F4];
	v0 =	vld [tilespmem:$0x18000]  }
0x41: {  	v1 =	vld [tilespmem:$0x18080];
	[tilespmem:s1], [sflag:$0x1] =	stream.linear.gather [hbm4b:s13+s1], $0x2000, $0x38  }
0x42: {  	_ = 	snop  }
0x43: {  	[tilespmem:s22], [sflag:$0x1] =	stream.linear.gather [hbm4b:s14+s1], $0x2000, $0x38;
	[tilespmem:$0x18100] =	vst v63  }
0x44: {  	s15 =	rddreg [dreg:$0x6]  }
0x45: {  	[tilespmem:s23], [sflag:$0x2] =	stream.linear.gather [hbm4b:s15+s1], $0x2000, $0x38;
	[tilespmem:$0x18100] =	vst v63  }
0x46: {  	s13 =	rddreg [dreg:$0x7];
	(erf) = vrcp.f32 v1  }
0x47: {  	[tilespmem:s24], [sflag:$0x2] =	stream.linear.gather [hbm4b:s13+s1], $0x2000, $0x38;
	[tilespmem:$0x18100] =	vst v63  }
0x48: {  	s14 =	rddreg [dreg:$0x8]  }
0x49: {  	[tilespmem:s25], [sflag:$0x3] =	stream.linear.gather [hbm4b:s14+s1], $0x2000, $0x38;
	[tilespmem:$0x18100] =	vst v63  }
0x4a: {  	s15 =	rddreg [dreg:$0x9]  }
0x4b: {  	[tilespmem:s26], [sflag:$0x3] =	stream.linear.gather [hbm4b:s15+s1], $0x2000, $0x38;
	[tilespmem:$0x18100] =	vst v63  }
0x4c: {  	s13 =	rddreg [dreg:$0xa]  }
0x4d: {  	[tilespmem:s28], [sflag:$0x4] =	stream.linear.gather [hbm4b:s13+s1], $0x2000, $0x38;
	[tilespmem:$0x18100] =	vst v63  }
0x4e: {  	s14 =	rddreg [dreg:$0xb]  }
0x4f: {  	v1 =	vpop (erf);
	[tilespmem:s29], [sflag:$0x4] =	stream.linear.gather [hbm4b:s14+s1], $0x2000, $0x38;
	[tilespmem:$0x18100] =	vst v63  }
0x50: {  	_ =	swait.ge [sflag:s30], $0x2000  }
0x51: {  	[sflag:s30] =	ssyncset.done $0x0  }
0x52: {  	[sflag:s30] =	ssyncadd.s32 $0xFFFFE000  }
0x53: {  	_ =	swait.ge [sflag:s30], $0x2000  }
0x54: {  	[sflag:s30] =	ssyncset.done $0x0  }
0x55: {  	s15 =	simm.s32 $0x8040;
	[sflag:s30] =	ssyncadd.s32 $0xFFFFE000  }
0x56: {  	v2 =	vld [tilespmem:s15+$0x30]  }
0x57: {  	v3 =	vld [tilespmem:s15+$0xFFFFFFD0]  }
0x58: {  	v4 =	vld [tilespmem:s15+$0xFFFFFFE0]  }
0x59: {  	v11 =	vld [tilespmem:s15+$0x10]  }
0x5a: {  	v13 =	vld [tilespmem:s15+$0x20]  }
0x5b: {  	s12 =	simm.s32 $0x40;
	v16 =	vld [tilespmem:s15+$0xFFFFFFC0]  }
0x5c: {  	v5 =	vld [tilespmem:s12+$0x30]  }
0x5d: {  	v6 =	vld [tilespmem:s15+$0xFFFFFFF0];
	v7 =	vadd.s32 $0xFFFFFFFF, v2;
	v2 =	vadd.s32 $0xFFFFFFFF, v3  }
0x5e: {  	v8 =	vld [tilespmem:s15+$0x0];
	v9 =	vadd.s32 $0xFFFFFFFF, v4;
	v17 =	vadd.s32 $0xFFFFFFFF, v11;
	v3 =	vperm.xlane v0, v7  }
0x5f: {  	v22 =	vadd.s32 $0xFFFFFFFF, v13;
	v12 =	vperm.xlane v0, v2;
	v2 =	vperm.xlane v1, v2  }
0x60: {  	v18 =	vld [tilespmem:s12+$0xFFFFFFD0];
	v21 =	vadd.s32 $0xFFFFFFFF, v16;
	v10 =	vperm.xlane v1, v7;
	v4 =	vperm.xlane v0, v9  }
0x61: {  	v14 =	vld [tilespmem:s12+$0xFFFFFFE0];
	v11 =	vperm.xlane v0, v17;
	v13 =	vperm.xlane v0, v22;
	v5 =	vsub.f32 v5, v3  }
0x62: {  	v6 =	vadd.s32 $0xFFFFFFFF, v6;
	v7 =	vld [tilespmem:s12+$0xFFFFFFC0];
	v20 =	vperm.xlane v0, v21;
	v3 =	vperm.xlane v1, v9  }
0x63: {  	v15 =	vld [tilespmem:s12+$0xFFFFFFF0];
	v8 =	vadd.s32 $0xFFFFFFFF, v8;
	v9 =	vperm.xlane v0, v6;
	v19 =	vmul.f32 v5, v10  }
0x64: {  	v16 =	vld [tilespmem:s12+$0x0];
	v5 =	vperm.xlane v1, v6;
	v10 =	vperm.xlane v0, v8  }
0x65: {  	s13 =	simm.s32 $0x10040;
	v6 =	vperm.xlane v1, v8;
	v8 =	vperm.xlane v1, v17;
	v17 =	vld [tilespmem:s12+$0x10]  }
0x66: {  	s14 =	simm.s32 $0x0;
	s15 =	simm.s32 $0x80C0;
	[tilespmem:s13+$0x30] =	vst v19;
	v19 =	vperm.xlane v1, v21;
	v21 =	vsub.f32 v18, v12;
	v12 =	vperm.xlane v1, v22;
	v18 =	vld [tilespmem:s12+$0x20]  }
.LBB2_2:
0x67: {  	v22 =	vld [tilespmem:s15+$0x30];
	s14 =	sadd.s32 $0x80, s14;
	v7 =	vsub.f32 v7, v20;
	v4 =	vsub.f32 v14, v4  }
0x68: {  	v14 =	vld [tilespmem:s15+$0xFFFFFFD0];
	p0 =	slt.u32 s14, $0x1F80;
	v2 =	vmul.f32 v21, v2;
	v9 =	vsub.f32 v15, v9  }
0x69: {  	s12 =	sadd.s32 $0x80, s12;
	v15 =	vld [tilespmem:s15+$0xFFFFFFE0];
	v7 =	vmul.f32 v7, v19;
	v3 =	vmul.f32 v4, v3;
	v4 =	vsub.f32 v16, v10  }
0x6a: {  	v10 =	vld [tilespmem:s12+$0x30];
	[tilespmem:s13+$0xFFFFFFD0] =	vst v2;
	v2 =	vmul.f32 v9, v5;
	v5 =	vsub.f32 v17, v11  }
0x6b: {  	v9 =	vld [tilespmem:s15+$0xFFFFFFF0];
	[tilespmem:s13+$0xFFFFFFC0] =	vst v7;
	v4 =	vmul.f32 v4, v6;
	v6 =	vsub.f32 v18, v13  }
0x6c: {  	v11 =	vld [tilespmem:s15+$0x0];
	v7 =	vadd.s32 $0xFFFFFFFF, v22;
	[tilespmem:s13+$0xFFFFFFE0] =	vst v3;
	v3 =	vmul.f32 v5, v8  }
0x6d: {  	v5 =	vadd.s32 $0xFFFFFFFF, v14;
	v8 =	vld [tilespmem:s15+$0x10];
	v13 =	vperm.xlane v0, v7;
	[tilespmem:s13+$0xFFFFFFF0] =	vst v2;
	v6 =	vmul.f32 v6, v12  }
0x6e: {  	v12 =	vperm.xlane v0, v5;
	v2 =	vperm.xlane v1, v5;
	v5 =	vadd.s32 $0xFFFFFFFF, v15;
	v16 =	vld [tilespmem:s15+$0x20];
	[tilespmem:s13+$0x0] =	vst v4  }
0x6f: {  	v14 =	vperm.xlane v1, v7;
	v17 =	vld [tilespmem:s15+$0xFFFFFFC0];
	v4 =	vperm.xlane v0, v5;
	v10 =	vsub.f32 v10, v13;
	[tilespmem:s13+$0x10] =	vst v3  }
0x70: {  	v3 =	vperm.xlane v1, v5;
	v7 =	vld [tilespmem:s12+$0xFFFFFFC0];
	v5 =	vadd.s32 $0xFFFFFFFF, v9;
	[tilespmem:s13+$0x20] =	vst v6  }
0x71: {  	v18 =	vld [tilespmem:s12+$0xFFFFFFD0];
	v9 =	vperm.xlane v0, v5;
	v6 =	vadd.s32 $0xFFFFFFFF, v11;
	v13 =	vmul.f32 v10, v14  }
.Ltmp0:
0x72: {  	s13 =	sadd.s32 $0x80, s13;
	v5 =	vperm.xlane v1, v5;
	v14 =	vld [tilespmem:s12+$0xFFFFFFE0];
	v10 =	vperm.xlane v0, v6;
	v8 =	vadd.s32 $0xFFFFFFFF, v8;
	(pc) =	sbr.rel @p0 .LBB2_2-.Ltmp0, $4  }
0x73: {  	v6 =	vperm.xlane v1, v6;
	v15 =	vld [tilespmem:s12+$0xFFFFFFF0];
	v11 =	vperm.xlane v0, v8;
	v22 =	vadd.s32 $0xFFFFFFFF, v16;
	[tilespmem:s13+$0x30] =	vst v13  }
0x74: {  	v8 =	vperm.xlane v1, v8;
	v17 =	vadd.s32 $0xFFFFFFFF, v17;
	v16 =	vld [tilespmem:s12+$0x0];
	v13 =	vperm.xlane v0, v22  }
0x75: {  	v20 =	vperm.xlane v0, v17;
	v19 =	vperm.xlane v1, v17;
	v17 =	vld [tilespmem:s12+$0x10]  }
0x76: {  	s15 =	sadd.s32 $0x80, s15;
	v21 =	vsub.f32 v18, v12;
	v12 =	vperm.xlane v1, v22;
	v18 =	vld [tilespmem:s12+$0x20]  }
0x77: {  	v7 =	vsub.f32 v7, v20  }
0x78: {  	v4 =	vsub.f32 v14, v4;
	v2 =	vmul.f32 v21, v2  }
0x79: {  	v9 =	vsub.f32 v15, v9;
	v7 =	vmul.f32 v7, v19  }
0x7a: {  	v3 =	vmul.f32 v4, v3;
	v4 =	vsub.f32 v16, v10;
	[tilespmem:s13+$0xFFFFFFD0] =	vst v2  }
0x7b: {  	v2 =	vmul.f32 v9, v5;
	v5 =	vsub.f32 v17, v11;
	[tilespmem:s13+$0xFFFFFFC0] =	vst v7  }
0x7c: {  	v4 =	vmul.f32 v4, v6;
	v6 =	vsub.f32 v18, v13;
	[tilespmem:s13+$0xFFFFFFE0] =	vst v3  }
0x7d: {  	v3 =	vmul.f32 v5, v8;
	[tilespmem:s13+$0xFFFFFFF0] =	vst v2  }
0x7e: {  	v2 =	vmul.f32 v6, v12;
	[tilespmem:s13+$0x0] =	vst v4  }
0x7f: {  	[tilespmem:s13+$0x10] =	vst v3  }
0x80: {  	[tilespmem:s13+$0x20] =	vst v2  }
0x81: {  	s12 =	sld [smem:$0x7F5];
	_ =	sdelay $0x2  }
0x82: {  	[hbm4b:s12+s1] =	stream.linear.scatter [tilespmem:s31], [sflag:$0x5], $0x2000, $0x38;
	[tilespmem:$0x18100] =	vst v63  }
0x83: {  	s13 =	rddreg [dreg:$0xc]  }
0x84: {  	[tilespmem:s1], [sflag:$0x1] =	stream.linear.gather [hbm4b:s13+s1], $0x2000, $0x38;
	[tilespmem:$0x18100] =	vst v63  }
0x85: {  	s14 =	rddreg [dreg:$0xd]  }
0x86: {  	[tilespmem:s22], [sflag:$0x1] =	stream.linear.gather [hbm4b:s14+s1], $0x2000, $0x38;
	[tilespmem:$0x18100] =	vst v63  }
0x87: {  	_ =	swait.ge [sflag:s0], $0x2000  }
0x88: {  	[sflag:s0] =	ssyncset.done $0x0  }
0x89: {  	[sflag:s0] =	ssyncadd.s32 $0xFFFFE000  }
0x8a: {  	_ =	swait.ge [sflag:s0], $0x2000  }
0x8b: {  	[sflag:s0] =	ssyncset.done $0x0  }
0x8c: {  	s15 =	simm.s32 $0xA040;
	[sflag:s0] =	ssyncadd.s32 $0xFFFFE000  }
0x8d: {  	v2 =	vld [tilespmem:s15+$0x30]  }
0x8e: {  	v3 =	vld [tilespmem:s15+$0xFFFFFFD0]  }
0x8f: {  	v4 =	vld [tilespmem:s15+$0xFFFFFFE0]  }
0x90: {  	v11 =	vld [tilespmem:s15+$0x10]  }
0x91: {  	v13 =	vld [tilespmem:s15+$0x20]  }
0x92: {  	s12 =	simm.s32 $0x2040;
	v16 =	vld [tilespmem:s15+$0xFFFFFFC0]  }
0x93: {  	v5 =	vld [tilespmem:s12+$0x30]  }
0x94: {  	v6 =	vld [tilespmem:s15+$0xFFFFFFF0];
	v7 =	vadd.s32 $0xFFFFFFFF, v2;
	v2 =	vadd.s32 $0xFFFFFFFF, v3  }
0x95: {  	v8 =	vld [tilespmem:s15+$0x0];
	v9 =	vadd.s32 $0xFFFFFFFF, v4;
	v17 =	vadd.s32 $0xFFFFFFFF, v11;
	v3 =	vperm.xlane v0, v7  }
0x96: {  	v22 =	vadd.s32 $0xFFFFFFFF, v13;
	v12 =	vperm.xlane v0, v2;
	v2 =	vperm.xlane v1, v2  }
0x97: {  	v18 =	vld [tilespmem:s12+$0xFFFFFFD0];
	v21 =	vadd.s32 $0xFFFFFFFF, v16;
	v10 =	vperm.xlane v1, v7;
	v4 =	vperm.xlane v0, v9  }
0x98: {  	v14 =	vld [tilespmem:s12+$0xFFFFFFE0];
	v11 =	vperm.xlane v0, v17;
	v13 =	vperm.xlane v0, v22;
	v5 =	vsub.f32 v5, v3  }
0x99: {  	v6 =	vadd.s32 $0xFFFFFFFF, v6;
	v7 =	vld [tilespmem:s12+$0xFFFFFFC0];
	v20 =	vperm.xlane v0, v21;
	v3 =	vperm.xlane v1, v9  }
0x9a: {  	v15 =	vld [tilespmem:s12+$0xFFFFFFF0];
	v8 =	vadd.s32 $0xFFFFFFFF, v8;
	v9 =	vperm.xlane v0, v6;
	v19 =	vmul.f32 v5, v10  }
0x9b: {  	v16 =	vld [tilespmem:s12+$0x0];
	v5 =	vperm.xlane v1, v6;
	v10 =	vperm.xlane v0, v8  }
0x9c: {  	s13 =	simm.s32 $0x12040;
	v6 =	vperm.xlane v1, v8;
	v8 =	vperm.xlane v1, v17;
	v17 =	vld [tilespmem:s12+$0x10]  }
0x9d: {  	s14 =	simm.s32 $0x0;
	s15 =	simm.s32 $0xA0C0;
	[tilespmem:s13+$0x30] =	vst v19;
	v19 =	vperm.xlane v1, v21;
	v21 =	vsub.f32 v18, v12;
	v12 =	vperm.xlane v1, v22;
	v18 =	vld [tilespmem:s12+$0x20]  }
.LBB2_4:
0x9e: {  	v22 =	vld [tilespmem:s15+$0x30];
	s14 =	sadd.s32 $0x80, s14;
	v7 =	vsub.f32 v7, v20;
	v4 =	vsub.f32 v14, v4  }
0x9f: {  	v14 =	vld [tilespmem:s15+$0xFFFFFFD0];
	p0 =	slt.u32 s14, $0x1F80;
	v2 =	vmul.f32 v21, v2;
	v9 =	vsub.f32 v15, v9  }
0xa0: {  	s12 =	sadd.s32 $0x80, s12;
	v15 =	vld [tilespmem:s15+$0xFFFFFFE0];
	v7 =	vmul.f32 v7, v19;
	v3 =	vmul.f32 v4, v3;
	v4 =	vsub.f32 v16, v10  }
0xa1: {  	v10 =	vld [tilespmem:s12+$0x30];
	[tilespmem:s13+$0xFFFFFFD0] =	vst v2;
	v2 =	vmul.f32 v9, v5;
	v5 =	vsub.f32 v17, v11  }
0xa2: {  	v9 =	vld [tilespmem:s15+$0xFFFFFFF0];
	[tilespmem:s13+$0xFFFFFFC0] =	vst v7;
	v4 =	vmul.f32 v4, v6;
	v6 =	vsub.f32 v18, v13  }
0xa3: {  	v11 =	vld [tilespmem:s15+$0x0];
	v7 =	vadd.s32 $0xFFFFFFFF, v22;
	[tilespmem:s13+$0xFFFFFFE0] =	vst v3;
	v3 =	vmul.f32 v5, v8  }
0xa4: {  	v5 =	vadd.s32 $0xFFFFFFFF, v14;
	v8 =	vld [tilespmem:s15+$0x10];
	v13 =	vperm.xlane v0, v7;
	[tilespmem:s13+$0xFFFFFFF0] =	vst v2;
	v6 =	vmul.f32 v6, v12  }
0xa5: {  	v12 =	vperm.xlane v0, v5;
	v2 =	vperm.xlane v1, v5;
	v5 =	vadd.s32 $0xFFFFFFFF, v15;
	v16 =	vld [tilespmem:s15+$0x20];
	[tilespmem:s13+$0x0] =	vst v4  }
0xa6: {  	v14 =	vperm.xlane v1, v7;
	v17 =	vld [tilespmem:s15+$0xFFFFFFC0];
	v4 =	vperm.xlane v0, v5;
	v10 =	vsub.f32 v10, v13;
	[tilespmem:s13+$0x10] =	vst v3  }
0xa7: {  	v3 =	vperm.xlane v1, v5;
	v7 =	vld [tilespmem:s12+$0xFFFFFFC0];
	v5 =	vadd.s32 $0xFFFFFFFF, v9;
	[tilespmem:s13+$0x20] =	vst v6  }
0xa8: {  	v18 =	vld [tilespmem:s12+$0xFFFFFFD0];
	v9 =	vperm.xlane v0, v5;
	v6 =	vadd.s32 $0xFFFFFFFF, v11;
	v13 =	vmul.f32 v10, v14  }
.Ltmp1:
0xa9: {  	s13 =	sadd.s32 $0x80, s13;
	v5 =	vperm.xlane v1, v5;
	v14 =	vld [tilespmem:s12+$0xFFFFFFE0];
	v10 =	vperm.xlane v0, v6;
	v8 =	vadd.s32 $0xFFFFFFFF, v8;
	(pc) =	sbr.rel @p0 .LBB2_4-.Ltmp1, $4  }
0xaa: {  	v6 =	vperm.xlane v1, v6;
	v15 =	vld [tilespmem:s12+$0xFFFFFFF0];
	v11 =	vperm.xlane v0, v8;
	v22 =	vadd.s32 $0xFFFFFFFF, v16;
	[tilespmem:s13+$0x30] =	vst v13  }
0xab: {  	v8 =	vperm.xlane v1, v8;
	v17 =	vadd.s32 $0xFFFFFFFF, v17;
	v16 =	vld [tilespmem:s12+$0x0];
	v13 =	vperm.xlane v0, v22  }
0xac: {  	v20 =	vperm.xlane v0, v17;
	v19 =	vperm.xlane v1, v17;
	v17 =	vld [tilespmem:s12+$0x10]  }
0xad: {  	s15 =	sadd.s32 $0x80, s15;
	v21 =	vsub.f32 v18, v12;
	v12 =	vperm.xlane v1, v22;
	v18 =	vld [tilespmem:s12+$0x20]  }
0xae: {  	v7 =	vsub.f32 v7, v20  }
0xaf: {  	v4 =	vsub.f32 v14, v4;
	v2 =	vmul.f32 v21, v2  }
0xb0: {  	v9 =	vsub.f32 v15, v9;
	v7 =	vmul.f32 v7, v19  }
0xb1: {  	v3 =	vmul.f32 v4, v3;
	v4 =	vsub.f32 v16, v10;
	[tilespmem:s13+$0xFFFFFFD0] =	vst v2  }
0xb2: {  	v2 =	vmul.f32 v9, v5;
	v5 =	vsub.f32 v17, v11;
	[tilespmem:s13+$0xFFFFFFC0] =	vst v7  }
0xb3: {  	v4 =	vmul.f32 v4, v6;
	v6 =	vsub.f32 v18, v13;
	[tilespmem:s13+$0xFFFFFFE0] =	vst v3  }
0xb4: {  	v3 =	vmul.f32 v5, v8;
	[tilespmem:s13+$0xFFFFFFF0] =	vst v2  }
0xb5: {  	v2 =	vmul.f32 v6, v12;
	[tilespmem:s13+$0x0] =	vst v4  }
0xb6: {  	[tilespmem:s13+$0x10] =	vst v3  }
0xb7: {  	[tilespmem:s13+$0x20] =	vst v2  }
0xb8: {  	s12 =	rddreg [dreg:$0xe]  }
0xb9: {  	[hbm4b:s12+s1] =	stream.linear.scatter [tilespmem:s2], [sflag:$0x6], $0x2000, $0x38;
	[tilespmem:$0x18100] =	vst v63  }
0xba: {  	s13 =	rddreg [dreg:$0xf]  }
0xbb: {  	[tilespmem:s23], [sflag:$0x2] =	stream.linear.gather [hbm4b:s13+s1], $0x2000, $0x38;
	[tilespmem:$0x18100] =	vst v63  }
0xbc: {  	s14 =	rddreg [dreg:$0x10]  }
0xbd: {  	[tilespmem:s24], [sflag:$0x2] =	stream.linear.gather [hbm4b:s14+s1], $0x2000, $0x38;
	[tilespmem:$0x18100] =	vst v63  }
0xbe: {  	_ =	swait.ge [sflag:s3], $0x2000  }
0xbf: {  	[sflag:s3] =	ssyncset.done $0x0  }
0xc0: {  	[sflag:s3] =	ssyncadd.s32 $0xFFFFE000  }
0xc1: {  	_ =	swait.ge [sflag:s3], $0x2000  }
0xc2: {  	[sflag:s3] =	ssyncset.done $0x0  }
0xc3: {  	s15 =	simm.s32 $0xC040;
	[sflag:s3] =	ssyncadd.s32 $0xFFFFE000  }
0xc4: {  	v2 =	vld [tilespmem:s15+$0x30]  }
0xc5: {  	v3 =	vld [tilespmem:s15+$0xFFFFFFD0]  }
0xc6: {  	v4 =	vld [tilespmem:s15+$0xFFFFFFE0]  }
0xc7: {  	v11 =	vld [tilespmem:s15+$0x10]  }
0xc8: {  	v13 =	vld [tilespmem:s15+$0x20]  }
0xc9: {  	s12 =	simm.s32 $0x4040;
	v16 =	vld [tilespmem:s15+$0xFFFFFFC0]  }
0xca: {  	v5 =	vld [tilespmem:s12+$0x30]  }
0xcb: {  	v6 =	vld [tilespmem:s15+$0xFFFFFFF0];
	v7 =	vadd.s32 $0xFFFFFFFF, v2;
	v2 =	vadd.s32 $0xFFFFFFFF, v3  }
0xcc: {  	v8 =	vld [tilespmem:s15+$0x0];
	v9 =	vadd.s32 $0xFFFFFFFF, v4;
	v17 =	vadd.s32 $0xFFFFFFFF, v11;
	v3 =	vperm.xlane v0, v7  }
0xcd: {  	v22 =	vadd.s32 $0xFFFFFFFF, v13;
	v12 =	vperm.xlane v0, v2;
	v2 =	vperm.xlane v1, v2  }
0xce: {  	v18 =	vld [tilespmem:s12+$0xFFFFFFD0];
	v21 =	vadd.s32 $0xFFFFFFFF, v16;
	v10 =	vperm.xlane v1, v7;
	v4 =	vperm.xlane v0, v9  }
0xcf: {  	v14 =	vld [tilespmem:s12+$0xFFFFFFE0];
	v11 =	vperm.xlane v0, v17;
	v13 =	vperm.xlane v0, v22;
	v5 =	vsub.f32 v5, v3  }
0xd0: {  	v6 =	vadd.s32 $0xFFFFFFFF, v6;
	v7 =	vld [tilespmem:s12+$0xFFFFFFC0];
	v20 =	vperm.xlane v0, v21;
	v3 =	vperm.xlane v1, v9  }
0xd1: {  	v15 =	vld [tilespmem:s12+$0xFFFFFFF0];
	v8 =	vadd.s32 $0xFFFFFFFF, v8;
	v9 =	vperm.xlane v0, v6;
	v19 =	vmul.f32 v5, v10  }
0xd2: {  	v16 =	vld [tilespmem:s12+$0x0];
	v5 =	vperm.xlane v1, v6;
	v10 =	vperm.xlane v0, v8  }
0xd3: {  	s13 =	simm.s32 $0x14040;
	v6 =	vperm.xlane v1, v8;
	v8 =	vperm.xlane v1, v17;
	v17 =	vld [tilespmem:s12+$0x10]  }
0xd4: {  	s14 =	simm.s32 $0x0;
	s15 =	simm.s32 $0xC0C0;
	[tilespmem:s13+$0x30] =	vst v19;
	v19 =	vperm.xlane v1, v21;
	v21 =	vsub.f32 v18, v12;
	v12 =	vperm.xlane v1, v22;
	v18 =	vld [tilespmem:s12+$0x20]  }
.LBB2_6:
0xd5: {  	v22 =	vld [tilespmem:s15+$0x30];
	s14 =	sadd.s32 $0x80, s14;
	v7 =	vsub.f32 v7, v20;
	v4 =	vsub.f32 v14, v4  }
0xd6: {  	v14 =	vld [tilespmem:s15+$0xFFFFFFD0];
	p0 =	slt.u32 s14, $0x1F80;
	v2 =	vmul.f32 v21, v2;
	v9 =	vsub.f32 v15, v9  }
0xd7: {  	s12 =	sadd.s32 $0x80, s12;
	v15 =	vld [tilespmem:s15+$0xFFFFFFE0];
	v7 =	vmul.f32 v7, v19;
	v3 =	vmul.f32 v4, v3;
	v4 =	vsub.f32 v16, v10  }
0xd8: {  	v10 =	vld [tilespmem:s12+$0x30];
	[tilespmem:s13+$0xFFFFFFD0] =	vst v2;
	v2 =	vmul.f32 v9, v5;
	v5 =	vsub.f32 v17, v11  }
0xd9: {  	v9 =	vld [tilespmem:s15+$0xFFFFFFF0];
	[tilespmem:s13+$0xFFFFFFC0] =	vst v7;
	v4 =	vmul.f32 v4, v6;
	v6 =	vsub.f32 v18, v13  }
0xda: {  	v11 =	vld [tilespmem:s15+$0x0];
	v7 =	vadd.s32 $0xFFFFFFFF, v22;
	[tilespmem:s13+$0xFFFFFFE0] =	vst v3;
	v3 =	vmul.f32 v5, v8  }
0xdb: {  	v5 =	vadd.s32 $0xFFFFFFFF, v14;
	v8 =	vld [tilespmem:s15+$0x10];
	v13 =	vperm.xlane v0, v7;
	[tilespmem:s13+$0xFFFFFFF0] =	vst v2;
	v6 =	vmul.f32 v6, v12  }
0xdc: {  	v12 =	vperm.xlane v0, v5;
	v2 =	vperm.xlane v1, v5;
	v5 =	vadd.s32 $0xFFFFFFFF, v15;
	v16 =	vld [tilespmem:s15+$0x20];
	[tilespmem:s13+$0x0] =	vst v4  }
0xdd: {  	v14 =	vperm.xlane v1, v7;
	v17 =	vld [tilespmem:s15+$0xFFFFFFC0];
	v4 =	vperm.xlane v0, v5;
	v10 =	vsub.f32 v10, v13;
	[tilespmem:s13+$0x10] =	vst v3  }
0xde: {  	v3 =	vperm.xlane v1, v5;
	v7 =	vld [tilespmem:s12+$0xFFFFFFC0];
	v5 =	vadd.s32 $0xFFFFFFFF, v9;
	[tilespmem:s13+$0x20] =	vst v6  }
0xdf: {  	v18 =	vld [tilespmem:s12+$0xFFFFFFD0];
	v9 =	vperm.xlane v0, v5;
	v6 =	vadd.s32 $0xFFFFFFFF, v11;
	v13 =	vmul.f32 v10, v14  }
.Ltmp2:
0xe0: {  	s13 =	sadd.s32 $0x80, s13;
	v5 =	vperm.xlane v1, v5;
	v14 =	vld [tilespmem:s12+$0xFFFFFFE0];
	v10 =	vperm.xlane v0, v6;
	v8 =	vadd.s32 $0xFFFFFFFF, v8;
	(pc) =	sbr.rel @p0 .LBB2_6-.Ltmp2, $4  }
0xe1: {  	v6 =	vperm.xlane v1, v6;
	v15 =	vld [tilespmem:s12+$0xFFFFFFF0];
	v11 =	vperm.xlane v0, v8;
	v22 =	vadd.s32 $0xFFFFFFFF, v16;
	[tilespmem:s13+$0x30] =	vst v13  }
0xe2: {  	v8 =	vperm.xlane v1, v8;
	v17 =	vadd.s32 $0xFFFFFFFF, v17;
	v16 =	vld [tilespmem:s12+$0x0];
	v13 =	vperm.xlane v0, v22  }
0xe3: {  	v20 =	vperm.xlane v0, v17;
	v19 =	vperm.xlane v1, v17;
	v17 =	vld [tilespmem:s12+$0x10]  }
0xe4: {  	s15 =	sadd.s32 $0x80, s15;
	v21 =	vsub.f32 v18, v12;
	v12 =	vperm.xlane v1, v22;
	v18 =	vld [tilespmem:s12+$0x20]  }
0xe5: {  	v7 =	vsub.f32 v7, v20  }
0xe6: {  	v4 =	vsub.f32 v14, v4;
	v2 =	vmul.f32 v21, v2  }
0xe7: {  	v9 =	vsub.f32 v15, v9;
	v7 =	vmul.f32 v7, v19  }
0xe8: {  	v3 =	vmul.f32 v4, v3;
	v4 =	vsub.f32 v16, v10;
	[tilespmem:s13+$0xFFFFFFD0] =	vst v2  }
0xe9: {  	v2 =	vmul.f32 v9, v5;
	v5 =	vsub.f32 v17, v11;
	[tilespmem:s13+$0xFFFFFFC0] =	vst v7  }
0xea: {  	v4 =	vmul.f32 v4, v6;
	v6 =	vsub.f32 v18, v13;
	[tilespmem:s13+$0xFFFFFFE0] =	vst v3  }
0xeb: {  	v3 =	vmul.f32 v5, v8;
	[tilespmem:s13+$0xFFFFFFF0] =	vst v2  }
0xec: {  	v2 =	vmul.f32 v6, v12;
	[tilespmem:s13+$0x0] =	vst v4  }
0xed: {  	[tilespmem:s13+$0x10] =	vst v3  }
0xee: {  	[tilespmem:s13+$0x20] =	vst v2  }
0xef: {  	s12 =	rddreg [dreg:$0x11]  }
0xf0: {  	[hbm4b:s12+s1] =	stream.linear.scatter [tilespmem:s4], [sflag:$0x7], $0x2000, $0x38;
	[tilespmem:$0x18100] =	vst v63  }
0xf1: {  	s13 =	rddreg [dreg:$0x12]  }
0xf2: {  	[tilespmem:s25], [sflag:$0x3] =	stream.linear.gather [hbm4b:s13+s1], $0x2000, $0x38;
	[tilespmem:$0x18100] =	vst v63  }
0xf3: {  	s14 =	rddreg [dreg:$0x13]  }
0xf4: {  	[tilespmem:s26], [sflag:$0x3] =	stream.linear.gather [hbm4b:s14+s1], $0x2000, $0x38;
	[tilespmem:$0x18100] =	vst v63  }
0xf5: {  	_ =	swait.ge [sflag:s5], $0x2000  }
0xf6: {  	[sflag:s5] =	ssyncset.done $0x0  }
0xf7: {  	[sflag:s5] =	ssyncadd.s32 $0xFFFFE000  }
0xf8: {  	_ =	swait.ge [sflag:s5], $0x2000  }
0xf9: {  	[sflag:s5] =	ssyncset.done $0x0  }
0xfa: {  	s15 =	simm.s32 $0xE040;
	[sflag:s5] =	ssyncadd.s32 $0xFFFFE000  }
0xfb: {  	v2 =	vld [tilespmem:s15+$0x30]  }
0xfc: {  	v3 =	vld [tilespmem:s15+$0xFFFFFFD0]  }
0xfd: {  	v4 =	vld [tilespmem:s15+$0xFFFFFFE0]  }
0xfe: {  	v11 =	vld [tilespmem:s15+$0x10]  }
0xff: {  	v13 =	vld [tilespmem:s15+$0x20]  }
0x100: {  	s12 =	simm.s32 $0x6040;
	v16 =	vld [tilespmem:s15+$0xFFFFFFC0]  }
0x101: {  	v5 =	vld [tilespmem:s12+$0x30]  }
0x102: {  	v6 =	vld [tilespmem:s15+$0xFFFFFFF0];
	v7 =	vadd.s32 $0xFFFFFFFF, v2;
	v2 =	vadd.s32 $0xFFFFFFFF, v3  }
0x103: {  	v8 =	vld [tilespmem:s15+$0x0];
	v9 =	vadd.s32 $0xFFFFFFFF, v4;
	v17 =	vadd.s32 $0xFFFFFFFF, v11;
	v3 =	vperm.xlane v0, v7  }
0x104: {  	v22 =	vadd.s32 $0xFFFFFFFF, v13;
	v12 =	vperm.xlane v0, v2;
	v2 =	vperm.xlane v1, v2  }
0x105: {  	v18 =	vld [tilespmem:s12+$0xFFFFFFD0];
	v21 =	vadd.s32 $0xFFFFFFFF, v16;
	v10 =	vperm.xlane v1, v7;
	v4 =	vperm.xlane v0, v9  }
0x106: {  	v14 =	vld [tilespmem:s12+$0xFFFFFFE0];
	v11 =	vperm.xlane v0, v17;
	v13 =	vperm.xlane v0, v22;
	v5 =	vsub.f32 v5, v3  }
0x107: {  	v6 =	vadd.s32 $0xFFFFFFFF, v6;
	v7 =	vld [tilespmem:s12+$0xFFFFFFC0];
	v20 =	vperm.xlane v0, v21;
	v3 =	vperm.xlane v1, v9  }
0x108: {  	v15 =	vld [tilespmem:s12+$0xFFFFFFF0];
	v8 =	vadd.s32 $0xFFFFFFFF, v8;
	v9 =	vperm.xlane v0, v6;
	v19 =	vmul.f32 v5, v10  }
0x109: {  	v16 =	vld [tilespmem:s12+$0x0];
	v5 =	vperm.xlane v1, v6;
	v10 =	vperm.xlane v0, v8  }
0x10a: {  	s13 =	simm.s32 $0x16040;
	v6 =	vperm.xlane v1, v8;
	v8 =	vperm.xlane v1, v17;
	v17 =	vld [tilespmem:s12+$0x10]  }
0x10b: {  	s14 =	simm.s32 $0x0;
	s15 =	simm.s32 $0xE0C0;
	[tilespmem:s13+$0x30] =	vst v19;
	v19 =	vperm.xlane v1, v21;
	v21 =	vsub.f32 v18, v12;
	v12 =	vperm.xlane v1, v22;
	v18 =	vld [tilespmem:s12+$0x20]  }
.LBB2_8:
0x10c: {  	v22 =	vld [tilespmem:s15+$0x30];
	s14 =	sadd.s32 $0x80, s14;
	v7 =	vsub.f32 v7, v20;
	v4 =	vsub.f32 v14, v4  }
0x10d: {  	v14 =	vld [tilespmem:s15+$0xFFFFFFD0];
	p0 =	slt.u32 s14, $0x1F80;
	v2 =	vmul.f32 v21, v2;
	v9 =	vsub.f32 v15, v9  }
0x10e: {  	s12 =	sadd.s32 $0x80, s12;
	v15 =	vld [tilespmem:s15+$0xFFFFFFE0];
	v7 =	vmul.f32 v7, v19;
	v3 =	vmul.f32 v4, v3;
	v4 =	vsub.f32 v16, v10  }
0x10f: {  	v10 =	vld [tilespmem:s12+$0x30];
	[tilespmem:s13+$0xFFFFFFD0] =	vst v2;
	v2 =	vmul.f32 v9, v5;
	v5 =	vsub.f32 v17, v11  }
0x110: {  	v9 =	vld [tilespmem:s15+$0xFFFFFFF0];
	[tilespmem:s13+$0xFFFFFFC0] =	vst v7;
	v4 =	vmul.f32 v4, v6;
	v6 =	vsub.f32 v18, v13  }
0x111: {  	v11 =	vld [tilespmem:s15+$0x0];
	v7 =	vadd.s32 $0xFFFFFFFF, v22;
	[tilespmem:s13+$0xFFFFFFE0] =	vst v3;
	v3 =	vmul.f32 v5, v8  }
0x112: {  	v5 =	vadd.s32 $0xFFFFFFFF, v14;
	v8 =	vld [tilespmem:s15+$0x10];
	v13 =	vperm.xlane v0, v7;
	[tilespmem:s13+$0xFFFFFFF0] =	vst v2;
	v6 =	vmul.f32 v6, v12  }
0x113: {  	v12 =	vperm.xlane v0, v5;
	v2 =	vperm.xlane v1, v5;
	v5 =	vadd.s32 $0xFFFFFFFF, v15;
	v16 =	vld [tilespmem:s15+$0x20];
	[tilespmem:s13+$0x0] =	vst v4  }
0x114: {  	v14 =	vperm.xlane v1, v7;
	v17 =	vld [tilespmem:s15+$0xFFFFFFC0];
	v4 =	vperm.xlane v0, v5;
	v10 =	vsub.f32 v10, v13;
	[tilespmem:s13+$0x10] =	vst v3  }
0x115: {  	v3 =	vperm.xlane v1, v5;
	v7 =	vld [tilespmem:s12+$0xFFFFFFC0];
	v5 =	vadd.s32 $0xFFFFFFFF, v9;
	[tilespmem:s13+$0x20] =	vst v6  }
0x116: {  	v18 =	vld [tilespmem:s12+$0xFFFFFFD0];
	v9 =	vperm.xlane v0, v5;
	v6 =	vadd.s32 $0xFFFFFFFF, v11;
	v13 =	vmul.f32 v10, v14  }
.Ltmp3:
0x117: {  	s13 =	sadd.s32 $0x80, s13;
	v5 =	vperm.xlane v1, v5;
	v14 =	vld [tilespmem:s12+$0xFFFFFFE0];
	v10 =	vperm.xlane v0, v6;
	v8 =	vadd.s32 $0xFFFFFFFF, v8;
	(pc) =	sbr.rel @p0 .LBB2_8-.Ltmp3, $4  }
0x118: {  	v6 =	vperm.xlane v1, v6;
	v15 =	vld [tilespmem:s12+$0xFFFFFFF0];
	v11 =	vperm.xlane v0, v8;
	v22 =	vadd.s32 $0xFFFFFFFF, v16;
	[tilespmem:s13+$0x30] =	vst v13  }
0x119: {  	v8 =	vperm.xlane v1, v8;
	v17 =	vadd.s32 $0xFFFFFFFF, v17;
	v16 =	vld [tilespmem:s12+$0x0];
	v13 =	vperm.xlane v0, v22  }
0x11a: {  	v20 =	vperm.xlane v0, v17;
	v19 =	vperm.xlane v1, v17;
	v17 =	vld [tilespmem:s12+$0x10]  }
0x11b: {  	s15 =	sadd.s32 $0x80, s15;
	v21 =	vsub.f32 v18, v12;
	v12 =	vperm.xlane v1, v22;
	v18 =	vld [tilespmem:s12+$0x20]  }
0x11c: {  	v7 =	vsub.f32 v7, v20  }
0x11d: {  	v4 =	vsub.f32 v14, v4;
	v2 =	vmul.f32 v21, v2  }
0x11e: {  	v9 =	vsub.f32 v15, v9;
	v7 =	vmul.f32 v7, v19  }
0x11f: {  	v3 =	vmul.f32 v4, v3;
	v4 =	vsub.f32 v16, v10;
	[tilespmem:s13+$0xFFFFFFD0] =	vst v2  }
0x120: {  	v2 =	vmul.f32 v9, v5;
	v5 =	vsub.f32 v17, v11;
	[tilespmem:s13+$0xFFFFFFC0] =	vst v7  }
0x121: {  	v4 =	vmul.f32 v4, v6;
	v6 =	vsub.f32 v18, v13;
	[tilespmem:s13+$0xFFFFFFE0] =	vst v3  }
0x122: {  	v3 =	vmul.f32 v5, v8;
	[tilespmem:s13+$0xFFFFFFF0] =	vst v2  }
0x123: {  	v2 =	vmul.f32 v6, v12;
	[tilespmem:s13+$0x0] =	vst v4  }
0x124: {  	[tilespmem:s13+$0x10] =	vst v3  }
0x125: {  	[tilespmem:s13+$0x20] =	vst v2  }
0x126: {  	s12 =	rddreg [dreg:$0x14]  }
0x127: {  	[hbm4b:s12+s1] =	stream.linear.scatter [tilespmem:s6], [sflag:$0x8], $0x2000, $0x38;
	[tilespmem:$0x18100] =	vst v63  }
0x128: {  	s13 =	rddreg [dreg:$0x18]  }
0x129: {  	[tilespmem:s28], [sflag:$0x4] =	stream.linear.gather [hbm4b:s13+s1], $0x2000, $0x38;
	[tilespmem:$0x18100] =	vst v63  }
0x12a: {  	s14 =	rddreg [dreg:$0x19]  }
0x12b: {  	[tilespmem:s29], [sflag:$0x4] =	stream.linear.gather [hbm4b:s14+s1], $0x2000, $0x38;
	[tilespmem:$0x18100] =	vst v63  }
0x12c: {  	_ =	swait.ge [sflag:s30], $0x2000  }
0x12d: {  	[sflag:s30] =	ssyncset.done $0x0  }
0x12e: {  	[sflag:s30] =	ssyncadd.s32 $0xFFFFE000  }
0x12f: {  	_ =	swait.ge [sflag:s30], $0x2000  }
0x130: {  	[sflag:s30] =	ssyncset.done $0x0  }
0x131: {  	[sflag:s30] =	ssyncadd.s32 $0xFFFFE000  }
0x132: {  	_ =	swait.ge [sflag:s7], $0x2000  }
0x133: {  	[sflag:s7] =	ssyncset.done $0x0  }
0x134: {  	s15 =	simm.s32 $0x8040;
	[sflag:s7] =	ssyncadd.s32 $0xFFFFE000  }
0x135: {  	v2 =	vld [tilespmem:s15+$0x30]  }
0x136: {  	v3 =	vld [tilespmem:s15+$0xFFFFFFD0]  }
0x137: {  	v4 =	vld [tilespmem:s15+$0xFFFFFFE0]  }
0x138: {  	v11 =	vld [tilespmem:s15+$0x10]  }
0x139: {  	v13 =	vld [tilespmem:s15+$0x20]  }
0x13a: {  	s12 =	simm.s32 $0x40;
	v16 =	vld [tilespmem:s15+$0xFFFFFFC0]  }
0x13b: {  	v5 =	vld [tilespmem:s12+$0x30]  }
0x13c: {  	v6 =	vld [tilespmem:s15+$0xFFFFFFF0];
	v7 =	vadd.s32 $0xFFFFFFFF, v2;
	v2 =	vadd.s32 $0xFFFFFFFF, v3  }
0x13d: {  	v8 =	vld [tilespmem:s15+$0x0];
	v9 =	vadd.s32 $0xFFFFFFFF, v4;
	v17 =	vadd.s32 $0xFFFFFFFF, v11;
	v3 =	vperm.xlane v0, v7  }
0x13e: {  	v22 =	vadd.s32 $0xFFFFFFFF, v13;
	v12 =	vperm.xlane v0, v2;
	v2 =	vperm.xlane v1, v2  }
0x13f: {  	v18 =	vld [tilespmem:s12+$0xFFFFFFD0];
	v21 =	vadd.s32 $0xFFFFFFFF, v16;
	v10 =	vperm.xlane v1, v7;
	v4 =	vperm.xlane v0, v9  }
0x140: {  	v14 =	vld [tilespmem:s12+$0xFFFFFFE0];
	v11 =	vperm.xlane v0, v17;
	v13 =	vperm.xlane v0, v22;
	v5 =	vsub.f32 v5, v3  }
0x141: {  	v6 =	vadd.s32 $0xFFFFFFFF, v6;
	v7 =	vld [tilespmem:s12+$0xFFFFFFC0];
	v20 =	vperm.xlane v0, v21;
	v3 =	vperm.xlane v1, v9  }
0x142: {  	v15 =	vld [tilespmem:s12+$0xFFFFFFF0];
	v8 =	vadd.s32 $0xFFFFFFFF, v8;
	v9 =	vperm.xlane v0, v6;
	v19 =	vmul.f32 v5, v10  }
0x143: {  	v16 =	vld [tilespmem:s12+$0x0];
	v5 =	vperm.xlane v1, v6;
	v10 =	vperm.xlane v0, v8  }
0x144: {  	s13 =	simm.s32 $0x10040;
	v6 =	vperm.xlane v1, v8;
	v8 =	vperm.xlane v1, v17;
	v17 =	vld [tilespmem:s12+$0x10]  }
0x145: {  	s14 =	simm.s32 $0x0;
	s15 =	simm.s32 $0x80C0;
	[tilespmem:s13+$0x30] =	vst v19;
	v19 =	vperm.xlane v1, v21;
	v21 =	vsub.f32 v18, v12;
	v12 =	vperm.xlane v1, v22;
	v18 =	vld [tilespmem:s12+$0x20]  }
.LBB2_10:
0x146: {  	v22 =	vld [tilespmem:s15+$0x30];
	s14 =	sadd.s32 $0x80, s14;
	v7 =	vsub.f32 v7, v20;
	v4 =	vsub.f32 v14, v4  }
0x147: {  	v14 =	vld [tilespmem:s15+$0xFFFFFFD0];
	p0 =	slt.u32 s14, $0x1F80;
	v2 =	vmul.f32 v21, v2;
	v9 =	vsub.f32 v15, v9  }
0x148: {  	s12 =	sadd.s32 $0x80, s12;
	v15 =	vld [tilespmem:s15+$0xFFFFFFE0];
	v7 =	vmul.f32 v7, v19;
	v3 =	vmul.f32 v4, v3;
	v4 =	vsub.f32 v16, v10  }
0x149: {  	v10 =	vld [tilespmem:s12+$0x30];
	[tilespmem:s13+$0xFFFFFFD0] =	vst v2;
	v2 =	vmul.f32 v9, v5;
	v5 =	vsub.f32 v17, v11  }
0x14a: {  	v9 =	vld [tilespmem:s15+$0xFFFFFFF0];
	[tilespmem:s13+$0xFFFFFFC0] =	vst v7;
	v4 =	vmul.f32 v4, v6;
	v6 =	vsub.f32 v18, v13  }
0x14b: {  	v11 =	vld [tilespmem:s15+$0x0];
	v7 =	vadd.s32 $0xFFFFFFFF, v22;
	[tilespmem:s13+$0xFFFFFFE0] =	vst v3;
	v3 =	vmul.f32 v5, v8  }
0x14c: {  	v5 =	vadd.s32 $0xFFFFFFFF, v14;
	v8 =	vld [tilespmem:s15+$0x10];
	v13 =	vperm.xlane v0, v7;
	[tilespmem:s13+$0xFFFFFFF0] =	vst v2;
	v6 =	vmul.f32 v6, v12  }
0x14d: {  	v12 =	vperm.xlane v0, v5;
	v2 =	vperm.xlane v1, v5;
	v5 =	vadd.s32 $0xFFFFFFFF, v15;
	v16 =	vld [tilespmem:s15+$0x20];
	[tilespmem:s13+$0x0] =	vst v4  }
0x14e: {  	v14 =	vperm.xlane v1, v7;
	v17 =	vld [tilespmem:s15+$0xFFFFFFC0];
	v4 =	vperm.xlane v0, v5;
	v10 =	vsub.f32 v10, v13;
	[tilespmem:s13+$0x10] =	vst v3  }
0x14f: {  	v3 =	vperm.xlane v1, v5;
	v7 =	vld [tilespmem:s12+$0xFFFFFFC0];
	v5 =	vadd.s32 $0xFFFFFFFF, v9;
	[tilespmem:s13+$0x20] =	vst v6  }
0x150: {  	v18 =	vld [tilespmem:s12+$0xFFFFFFD0];
	v9 =	vperm.xlane v0, v5;
	v6 =	vadd.s32 $0xFFFFFFFF, v11;
	v13 =	vmul.f32 v10, v14  }
.Ltmp4:
0x151: {  	s13 =	sadd.s32 $0x80, s13;
	v5 =	vperm.xlane v1, v5;
	v14 =	vld [tilespmem:s12+$0xFFFFFFE0];
	v10 =	vperm.xlane v0, v6;
	v8 =	vadd.s32 $0xFFFFFFFF, v8;
	(pc) =	sbr.rel @p0 .LBB2_10-.Ltmp4, $4  }
0x152: {  	v6 =	vperm.xlane v1, v6;
	v15 =	vld [tilespmem:s12+$0xFFFFFFF0];
	v11 =	vperm.xlane v0, v8;
	v22 =	vadd.s32 $0xFFFFFFFF, v16;
	[tilespmem:s13+$0x30] =	vst v13  }
0x153: {  	v8 =	vperm.xlane v1, v8;
	v17 =	vadd.s32 $0xFFFFFFFF, v17;
	v16 =	vld [tilespmem:s12+$0x0];
	v13 =	vperm.xlane v0, v22  }
0x154: {  	v20 =	vperm.xlane v0, v17;
	v19 =	vperm.xlane v1, v17;
	v17 =	vld [tilespmem:s12+$0x10]  }
0x155: {  	s15 =	sadd.s32 $0x80, s15;
	v21 =	vsub.f32 v18, v12;
	v12 =	vperm.xlane v1, v22;
	v18 =	vld [tilespmem:s12+$0x20]  }
0x156: {  	v7 =	vsub.f32 v7, v20  }
0x157: {  	v4 =	vsub.f32 v14, v4;
	v2 =	vmul.f32 v21, v2  }
0x158: {  	v9 =	vsub.f32 v15, v9;
	v7 =	vmul.f32 v7, v19  }
0x159: {  	v3 =	vmul.f32 v4, v3;
	v4 =	vsub.f32 v16, v10;
	[tilespmem:s13+$0xFFFFFFD0] =	vst v2  }
0x15a: {  	v2 =	vmul.f32 v9, v5;
	v5 =	vsub.f32 v17, v11;
	[tilespmem:s13+$0xFFFFFFC0] =	vst v7  }
0x15b: {  	v4 =	vmul.f32 v4, v6;
	v6 =	vsub.f32 v18, v13;
	[tilespmem:s13+$0xFFFFFFE0] =	vst v3  }
0x15c: {  	v3 =	vmul.f32 v5, v8;
	[tilespmem:s13+$0xFFFFFFF0] =	vst v2  }
0x15d: {  	v2 =	vmul.f32 v6, v12;
	[tilespmem:s13+$0x0] =	vst v4  }
0x15e: {  	[tilespmem:s13+$0x10] =	vst v3  }
0x15f: {  	[tilespmem:s13+$0x20] =	vst v2  }
0x160: {  	s12 =	rddreg [dreg:$0x15]  }
0x161: {  	[hbm4b:s12+s1] =	stream.linear.scatter [tilespmem:s31], [sflag:$0x5], $0x2000, $0x38;
	[tilespmem:$0x18100] =	vst v63  }
0x162: {  	s13 =	rddreg [dreg:$0x1b]  }
0x163: {  	[tilespmem:s1], [sflag:$0x1] =	stream.linear.gather [hbm4b:s13+s1], $0x2000, $0x38;
	[tilespmem:$0x18100] =	vst v63  }
0x164: {  	s14 =	rddreg [dreg:$0x1c]  }
0x165: {  	[tilespmem:s22], [sflag:$0x1] =	stream.linear.gather [hbm4b:s14+s1], $0x2000, $0x38;
	[tilespmem:$0x18100] =	vst v63  }
0x166: {  	_ =	swait.ge [sflag:s0], $0x2000  }
0x167: {  	[sflag:s0] =	ssyncset.done $0x0  }
0x168: {  	[sflag:s0] =	ssyncadd.s32 $0xFFFFE000  }
0x169: {  	_ =	swait.ge [sflag:s0], $0x2000  }
0x16a: {  	[sflag:s0] =	ssyncset.done $0x0  }
0x16b: {  	[sflag:s0] =	ssyncadd.s32 $0xFFFFE000  }
0x16c: {  	_ =	swait.ge [sflag:s8], $0x2000  }
0x16d: {  	[sflag:s8] =	ssyncset.done $0x0  }
0x16e: {  	s15 =	simm.s32 $0xA040;
	[sflag:s8] =	ssyncadd.s32 $0xFFFFE000  }
0x16f: {  	v2 =	vld [tilespmem:s15+$0x30]  }
0x170: {  	v3 =	vld [tilespmem:s15+$0xFFFFFFD0]  }
0x171: {  	v4 =	vld [tilespmem:s15+$0xFFFFFFE0]  }
0x172: {  	v11 =	vld [tilespmem:s15+$0x10]  }
0x173: {  	v13 =	vld [tilespmem:s15+$0x20]  }
0x174: {  	s12 =	simm.s32 $0x2040;
	v16 =	vld [tilespmem:s15+$0xFFFFFFC0]  }
0x175: {  	v5 =	vld [tilespmem:s12+$0x30]  }
0x176: {  	v6 =	vld [tilespmem:s15+$0xFFFFFFF0];
	v7 =	vadd.s32 $0xFFFFFFFF, v2;
	v2 =	vadd.s32 $0xFFFFFFFF, v3  }
0x177: {  	v8 =	vld [tilespmem:s15+$0x0];
	v9 =	vadd.s32 $0xFFFFFFFF, v4;
	v17 =	vadd.s32 $0xFFFFFFFF, v11;
	v3 =	vperm.xlane v0, v7  }
0x178: {  	v22 =	vadd.s32 $0xFFFFFFFF, v13;
	v12 =	vperm.xlane v0, v2;
	v2 =	vperm.xlane v1, v2  }
0x179: {  	v18 =	vld [tilespmem:s12+$0xFFFFFFD0];
	v21 =	vadd.s32 $0xFFFFFFFF, v16;
	v10 =	vperm.xlane v1, v7;
	v4 =	vperm.xlane v0, v9  }
0x17a: {  	v14 =	vld [tilespmem:s12+$0xFFFFFFE0];
	v11 =	vperm.xlane v0, v17;
	v13 =	vperm.xlane v0, v22;
	v5 =	vsub.f32 v5, v3  }
0x17b: {  	v6 =	vadd.s32 $0xFFFFFFFF, v6;
	v7 =	vld [tilespmem:s12+$0xFFFFFFC0];
	v20 =	vperm.xlane v0, v21;
	v3 =	vperm.xlane v1, v9  }
0x17c: {  	v15 =	vld [tilespmem:s12+$0xFFFFFFF0];
	v8 =	vadd.s32 $0xFFFFFFFF, v8;
	v9 =	vperm.xlane v0, v6;
	v19 =	vmul.f32 v5, v10  }
0x17d: {  	v16 =	vld [tilespmem:s12+$0x0];
	v5 =	vperm.xlane v1, v6;
	v10 =	vperm.xlane v0, v8  }
0x17e: {  	s13 =	simm.s32 $0x12040;
	v6 =	vperm.xlane v1, v8;
	v8 =	vperm.xlane v1, v17;
	v17 =	vld [tilespmem:s12+$0x10]  }
0x17f: {  	s14 =	simm.s32 $0x0;
	s15 =	simm.s32 $0xA0C0;
	[tilespmem:s13+$0x30] =	vst v19;
	v19 =	vperm.xlane v1, v21;
	v21 =	vsub.f32 v18, v12;
	v12 =	vperm.xlane v1, v22;
	v18 =	vld [tilespmem:s12+$0x20]  }
.LBB2_12:
0x180: {  	v22 =	vld [tilespmem:s15+$0x30];
	s14 =	sadd.s32 $0x80, s14;
	v7 =	vsub.f32 v7, v20;
	v4 =	vsub.f32 v14, v4  }
0x181: {  	v14 =	vld [tilespmem:s15+$0xFFFFFFD0];
	p0 =	slt.u32 s14, $0x1F80;
	v2 =	vmul.f32 v21, v2;
	v9 =	vsub.f32 v15, v9  }
0x182: {  	s12 =	sadd.s32 $0x80, s12;
	v15 =	vld [tilespmem:s15+$0xFFFFFFE0];
	v7 =	vmul.f32 v7, v19;
	v3 =	vmul.f32 v4, v3;
	v4 =	vsub.f32 v16, v10  }
0x183: {  	v10 =	vld [tilespmem:s12+$0x30];
	[tilespmem:s13+$0xFFFFFFD0] =	vst v2;
	v2 =	vmul.f32 v9, v5;
	v5 =	vsub.f32 v17, v11  }
0x184: {  	v9 =	vld [tilespmem:s15+$0xFFFFFFF0];
	[tilespmem:s13+$0xFFFFFFC0] =	vst v7;
	v4 =	vmul.f32 v4, v6;
	v6 =	vsub.f32 v18, v13  }
0x185: {  	v11 =	vld [tilespmem:s15+$0x0];
	v7 =	vadd.s32 $0xFFFFFFFF, v22;
	[tilespmem:s13+$0xFFFFFFE0] =	vst v3;
	v3 =	vmul.f32 v5, v8  }
0x186: {  	v5 =	vadd.s32 $0xFFFFFFFF, v14;
	v8 =	vld [tilespmem:s15+$0x10];
	v13 =	vperm.xlane v0, v7;
	[tilespmem:s13+$0xFFFFFFF0] =	vst v2;
	v6 =	vmul.f32 v6, v12  }
0x187: {  	v12 =	vperm.xlane v0, v5;
	v2 =	vperm.xlane v1, v5;
	v5 =	vadd.s32 $0xFFFFFFFF, v15;
	v16 =	vld [tilespmem:s15+$0x20];
	[tilespmem:s13+$0x0] =	vst v4  }
0x188: {  	v14 =	vperm.xlane v1, v7;
	v17 =	vld [tilespmem:s15+$0xFFFFFFC0];
	v4 =	vperm.xlane v0, v5;
	v10 =	vsub.f32 v10, v13;
	[tilespmem:s13+$0x10] =	vst v3  }
0x189: {  	v3 =	vperm.xlane v1, v5;
	v7 =	vld [tilespmem:s12+$0xFFFFFFC0];
	v5 =	vadd.s32 $0xFFFFFFFF, v9;
	[tilespmem:s13+$0x20] =	vst v6  }
0x18a: {  	v18 =	vld [tilespmem:s12+$0xFFFFFFD0];
	v9 =	vperm.xlane v0, v5;
	v6 =	vadd.s32 $0xFFFFFFFF, v11;
	v13 =	vmul.f32 v10, v14  }
.Ltmp5:
0x18b: {  	s13 =	sadd.s32 $0x80, s13;
	v5 =	vperm.xlane v1, v5;
	v14 =	vld [tilespmem:s12+$0xFFFFFFE0];
	v10 =	vperm.xlane v0, v6;
	v8 =	vadd.s32 $0xFFFFFFFF, v8;
	(pc) =	sbr.rel @p0 .LBB2_12-.Ltmp5, $4  }
0x18c: {  	v6 =	vperm.xlane v1, v6;
	v15 =	vld [tilespmem:s12+$0xFFFFFFF0];
	v11 =	vperm.xlane v0, v8;
	v22 =	vadd.s32 $0xFFFFFFFF, v16;
	[tilespmem:s13+$0x30] =	vst v13  }
0x18d: {  	v8 =	vperm.xlane v1, v8;
	v17 =	vadd.s32 $0xFFFFFFFF, v17;
	v16 =	vld [tilespmem:s12+$0x0];
	v13 =	vperm.xlane v0, v22  }
0x18e: {  	v20 =	vperm.xlane v0, v17;
	v19 =	vperm.xlane v1, v17;
	v17 =	vld [tilespmem:s12+$0x10]  }
0x18f: {  	s15 =	sadd.s32 $0x80, s15;
	v21 =	vsub.f32 v18, v12;
	v12 =	vperm.xlane v1, v22;
	v18 =	vld [tilespmem:s12+$0x20]  }
0x190: {  	v7 =	vsub.f32 v7, v20  }
0x191: {  	v4 =	vsub.f32 v14, v4;
	v2 =	vmul.f32 v21, v2  }
0x192: {  	v9 =	vsub.f32 v15, v9;
	v7 =	vmul.f32 v7, v19  }
0x193: {  	v3 =	vmul.f32 v4, v3;
	v4 =	vsub.f32 v16, v10;
	[tilespmem:s13+$0xFFFFFFD0] =	vst v2  }
0x194: {  	v2 =	vmul.f32 v9, v5;
	v5 =	vsub.f32 v17, v11;
	[tilespmem:s13+$0xFFFFFFC0] =	vst v7  }
0x195: {  	v4 =	vmul.f32 v4, v6;
	v6 =	vsub.f32 v18, v13;
	[tilespmem:s13+$0xFFFFFFE0] =	vst v3  }
0x196: {  	v3 =	vmul.f32 v5, v8;
	[tilespmem:s13+$0xFFFFFFF0] =	vst v2  }
0x197: {  	v2 =	vmul.f32 v6, v12;
	[tilespmem:s13+$0x0] =	vst v4  }
0x198: {  	[tilespmem:s13+$0x10] =	vst v3  }
0x199: {  	[tilespmem:s13+$0x20] =	vst v2  }
0x19a: {  	s12 =	rddreg [dreg:$0x16]  }
0x19b: {  	[hbm4b:s12+s1] =	stream.linear.scatter [tilespmem:s2], [sflag:$0x6], $0x2000, $0x38;
	[tilespmem:$0x18100] =	vst v63  }
0x19c: {  	s13 =	rddreg [dreg:$0x1e]  }
0x19d: {  	[tilespmem:s23], [sflag:$0x2] =	stream.linear.gather [hbm4b:s13+s1], $0x2000, $0x38;
	[tilespmem:$0x18100] =	vst v63  }
0x19e: {  	s14 =	rddreg [dreg:$0x1f]  }
0x19f: {  	[tilespmem:s24], [sflag:$0x2] =	stream.linear.gather [hbm4b:s14+s1], $0x2000, $0x38;
	[tilespmem:$0x18100] =	vst v63  }
0x1a0: {  	_ =	swait.ge [sflag:s3], $0x2000  }
0x1a1: {  	[sflag:s3] =	ssyncset.done $0x0  }
0x1a2: {  	[sflag:s3] =	ssyncadd.s32 $0xFFFFE000  }
0x1a3: {  	_ =	swait.ge [sflag:s3], $0x2000  }
0x1a4: {  	[sflag:s3] =	ssyncset.done $0x0  }
0x1a5: {  	[sflag:s3] =	ssyncadd.s32 $0xFFFFE000  }
0x1a6: {  	_ =	swait.ge [sflag:s9], $0x2000  }
0x1a7: {  	[sflag:s9] =	ssyncset.done $0x0  }
0x1a8: {  	s15 =	simm.s32 $0xC040;
	[sflag:s9] =	ssyncadd.s32 $0xFFFFE000  }
0x1a9: {  	v2 =	vld [tilespmem:s15+$0x30]  }
0x1aa: {  	v3 =	vld [tilespmem:s15+$0xFFFFFFD0]  }
0x1ab: {  	v4 =	vld [tilespmem:s15+$0xFFFFFFE0]  }
0x1ac: {  	v11 =	vld [tilespmem:s15+$0x10]  }
0x1ad: {  	v13 =	vld [tilespmem:s15+$0x20]  }
0x1ae: {  	s12 =	simm.s32 $0x4040;
	v16 =	vld [tilespmem:s15+$0xFFFFFFC0]  }
0x1af: {  	v5 =	vld [tilespmem:s12+$0x30]  }
0x1b0: {  	v6 =	vld [tilespmem:s15+$0xFFFFFFF0];
	v7 =	vadd.s32 $0xFFFFFFFF, v2;
	v2 =	vadd.s32 $0xFFFFFFFF, v3  }
0x1b1: {  	v8 =	vld [tilespmem:s15+$0x0];
	v9 =	vadd.s32 $0xFFFFFFFF, v4;
	v17 =	vadd.s32 $0xFFFFFFFF, v11;
	v3 =	vperm.xlane v0, v7  }
0x1b2: {  	v22 =	vadd.s32 $0xFFFFFFFF, v13;
	v12 =	vperm.xlane v0, v2;
	v2 =	vperm.xlane v1, v2  }
0x1b3: {  	v18 =	vld [tilespmem:s12+$0xFFFFFFD0];
	v21 =	vadd.s32 $0xFFFFFFFF, v16;
	v10 =	vperm.xlane v1, v7;
	v4 =	vperm.xlane v0, v9  }
0x1b4: {  	v14 =	vld [tilespmem:s12+$0xFFFFFFE0];
	v11 =	vperm.xlane v0, v17;
	v13 =	vperm.xlane v0, v22;
	v5 =	vsub.f32 v5, v3  }
0x1b5: {  	v6 =	vadd.s32 $0xFFFFFFFF, v6;
	v7 =	vld [tilespmem:s12+$0xFFFFFFC0];
	v20 =	vperm.xlane v0, v21;
	v3 =	vperm.xlane v1, v9  }
0x1b6: {  	v15 =	vld [tilespmem:s12+$0xFFFFFFF0];
	v8 =	vadd.s32 $0xFFFFFFFF, v8;
	v9 =	vperm.xlane v0, v6;
	v19 =	vmul.f32 v5, v10  }
0x1b7: {  	v16 =	vld [tilespmem:s12+$0x0];
	v5 =	vperm.xlane v1, v6;
	v10 =	vperm.xlane v0, v8  }
0x1b8: {  	s13 =	simm.s32 $0x14040;
	v6 =	vperm.xlane v1, v8;
	v8 =	vperm.xlane v1, v17;
	v17 =	vld [tilespmem:s12+$0x10]  }
0x1b9: {  	s14 =	simm.s32 $0x0;
	s15 =	simm.s32 $0xC0C0;
	[tilespmem:s13+$0x30] =	vst v19;
	v19 =	vperm.xlane v1, v21;
	v21 =	vsub.f32 v18, v12;
	v12 =	vperm.xlane v1, v22;
	v18 =	vld [tilespmem:s12+$0x20]  }
.LBB2_14:
0x1ba: {  	v22 =	vld [tilespmem:s15+$0x30];
	s14 =	sadd.s32 $0x80, s14;
	v7 =	vsub.f32 v7, v20;
	v4 =	vsub.f32 v14, v4  }
0x1bb: {  	v14 =	vld [tilespmem:s15+$0xFFFFFFD0];
	p0 =	slt.u32 s14, $0x1F80;
	v2 =	vmul.f32 v21, v2;
	v9 =	vsub.f32 v15, v9  }
0x1bc: {  	s12 =	sadd.s32 $0x80, s12;
	v15 =	vld [tilespmem:s15+$0xFFFFFFE0];
	v7 =	vmul.f32 v7, v19;
	v3 =	vmul.f32 v4, v3;
	v4 =	vsub.f32 v16, v10  }
0x1bd: {  	v10 =	vld [tilespmem:s12+$0x30];
	[tilespmem:s13+$0xFFFFFFD0] =	vst v2;
	v2 =	vmul.f32 v9, v5;
	v5 =	vsub.f32 v17, v11  }
0x1be: {  	v9 =	vld [tilespmem:s15+$0xFFFFFFF0];
	[tilespmem:s13+$0xFFFFFFC0] =	vst v7;
	v4 =	vmul.f32 v4, v6;
	v6 =	vsub.f32 v18, v13  }
0x1bf: {  	v11 =	vld [tilespmem:s15+$0x0];
	v7 =	vadd.s32 $0xFFFFFFFF, v22;
	[tilespmem:s13+$0xFFFFFFE0] =	vst v3;
	v3 =	vmul.f32 v5, v8  }
0x1c0: {  	v5 =	vadd.s32 $0xFFFFFFFF, v14;
	v8 =	vld [tilespmem:s15+$0x10];
	v13 =	vperm.xlane v0, v7;
	[tilespmem:s13+$0xFFFFFFF0] =	vst v2;
	v6 =	vmul.f32 v6, v12  }
0x1c1: {  	v12 =	vperm.xlane v0, v5;
	v2 =	vperm.xlane v1, v5;
	v5 =	vadd.s32 $0xFFFFFFFF, v15;
	v16 =	vld [tilespmem:s15+$0x20];
	[tilespmem:s13+$0x0] =	vst v4  }
0x1c2: {  	v14 =	vperm.xlane v1, v7;
	v17 =	vld [tilespmem:s15+$0xFFFFFFC0];
	v4 =	vperm.xlane v0, v5;
	v10 =	vsub.f32 v10, v13;
	[tilespmem:s13+$0x10] =	vst v3  }
0x1c3: {  	v3 =	vperm.xlane v1, v5;
	v7 =	vld [tilespmem:s12+$0xFFFFFFC0];
	v5 =	vadd.s32 $0xFFFFFFFF, v9;
	[tilespmem:s13+$0x20] =	vst v6  }
0x1c4: {  	v18 =	vld [tilespmem:s12+$0xFFFFFFD0];
	v9 =	vperm.xlane v0, v5;
	v6 =	vadd.s32 $0xFFFFFFFF, v11;
	v13 =	vmul.f32 v10, v14  }
.Ltmp6:
0x1c5: {  	s13 =	sadd.s32 $0x80, s13;
	v5 =	vperm.xlane v1, v5;
	v14 =	vld [tilespmem:s12+$0xFFFFFFE0];
	v10 =	vperm.xlane v0, v6;
	v8 =	vadd.s32 $0xFFFFFFFF, v8;
	(pc) =	sbr.rel @p0 .LBB2_14-.Ltmp6, $4  }
0x1c6: {  	v6 =	vperm.xlane v1, v6;
	v15 =	vld [tilespmem:s12+$0xFFFFFFF0];
	v11 =	vperm.xlane v0, v8;
	v22 =	vadd.s32 $0xFFFFFFFF, v16;
	[tilespmem:s13+$0x30] =	vst v13  }
0x1c7: {  	v8 =	vperm.xlane v1, v8;
	v17 =	vadd.s32 $0xFFFFFFFF, v17;
	v16 =	vld [tilespmem:s12+$0x0];
	v13 =	vperm.xlane v0, v22  }
0x1c8: {  	v20 =	vperm.xlane v0, v17;
	v19 =	vperm.xlane v1, v17;
	v17 =	vld [tilespmem:s12+$0x10]  }
0x1c9: {  	s15 =	sadd.s32 $0x80, s15;
	v21 =	vsub.f32 v18, v12;
	v12 =	vperm.xlane v1, v22;
	v18 =	vld [tilespmem:s12+$0x20]  }
0x1ca: {  	v7 =	vsub.f32 v7, v20  }
0x1cb: {  	v4 =	vsub.f32 v14, v4;
	v2 =	vmul.f32 v21, v2  }
0x1cc: {  	v9 =	vsub.f32 v15, v9;
	v7 =	vmul.f32 v7, v19  }
0x1cd: {  	v3 =	vmul.f32 v4, v3;
	v4 =	vsub.f32 v16, v10;
	[tilespmem:s13+$0xFFFFFFD0] =	vst v2  }
0x1ce: {  	v2 =	vmul.f32 v9, v5;
	v5 =	vsub.f32 v17, v11;
	[tilespmem:s13+$0xFFFFFFC0] =	vst v7  }
0x1cf: {  	v4 =	vmul.f32 v4, v6;
	v6 =	vsub.f32 v18, v13;
	[tilespmem:s13+$0xFFFFFFE0] =	vst v3  }
0x1d0: {  	v3 =	vmul.f32 v5, v8;
	[tilespmem:s13+$0xFFFFFFF0] =	vst v2  }
0x1d1: {  	v2 =	vmul.f32 v6, v12;
	[tilespmem:s13+$0x0] =	vst v4  }
0x1d2: {  	[tilespmem:s13+$0x10] =	vst v3  }
0x1d3: {  	[tilespmem:s13+$0x20] =	vst v2  }
0x1d4: {  	s12 =	rddreg [dreg:$0x17]  }
0x1d5: {  	s13 =	sld [smem:$0x7ED]  }
0x1d6: {  	[hbm4b:s12+s1] =	stream.linear.scatter [tilespmem:s4], [sflag:$0x7], $0x2000, $0x38;
	[tilespmem:$0x18100] =	vst v63  }
0x1d7: {  	s14 =	sld [smem:$0x7EE]  }
0x1d8: {  	[tilespmem:s25], [sflag:$0x3] =	stream.linear.gather [hbm4b:s13+s1], $0x2000, $0x38;
	[tilespmem:$0x18100] =	vst v63  }
0x1d9: {  	_ = 	snop  }
0x1da: {  	[tilespmem:s26], [sflag:$0x3] =	stream.linear.gather [hbm4b:s14+s1], $0x2000, $0x38;
	[tilespmem:$0x18100] =	vst v63  }
0x1db: {  	_ =	swait.ge [sflag:s5], $0x2000  }
0x1dc: {  	[sflag:s5] =	ssyncset.done $0x0  }
0x1dd: {  	[sflag:s5] =	ssyncadd.s32 $0xFFFFE000  }
0x1de: {  	_ =	swait.ge [sflag:s5], $0x2000  }
0x1df: {  	[sflag:s5] =	ssyncset.done $0x0  }
0x1e0: {  	[sflag:s5] =	ssyncadd.s32 $0xFFFFE000  }
0x1e1: {  	_ =	swait.ge [sflag:s10], $0x2000  }
0x1e2: {  	[sflag:s10] =	ssyncset.done $0x0  }
0x1e3: {  	s15 =	simm.s32 $0xE040;
	[sflag:s10] =	ssyncadd.s32 $0xFFFFE000  }
0x1e4: {  	v2 =	vld [tilespmem:s15+$0x30]  }
0x1e5: {  	v3 =	vld [tilespmem:s15+$0xFFFFFFD0]  }
0x1e6: {  	v4 =	vld [tilespmem:s15+$0xFFFFFFE0]  }
0x1e7: {  	v11 =	vld [tilespmem:s15+$0x10]  }
0x1e8: {  	v13 =	vld [tilespmem:s15+$0x20]  }
0x1e9: {  	s12 =	simm.s32 $0x6040;
	v16 =	vld [tilespmem:s15+$0xFFFFFFC0]  }
0x1ea: {  	v5 =	vld [tilespmem:s12+$0x30]  }
0x1eb: {  	v6 =	vld [tilespmem:s15+$0xFFFFFFF0];
	v7 =	vadd.s32 $0xFFFFFFFF, v2;
	v2 =	vadd.s32 $0xFFFFFFFF, v3  }
0x1ec: {  	v8 =	vld [tilespmem:s15+$0x0];
	v9 =	vadd.s32 $0xFFFFFFFF, v4;
	v17 =	vadd.s32 $0xFFFFFFFF, v11;
	v3 =	vperm.xlane v0, v7  }
0x1ed: {  	v22 =	vadd.s32 $0xFFFFFFFF, v13;
	v12 =	vperm.xlane v0, v2;
	v2 =	vperm.xlane v1, v2  }
0x1ee: {  	v18 =	vld [tilespmem:s12+$0xFFFFFFD0];
	v21 =	vadd.s32 $0xFFFFFFFF, v16;
	v10 =	vperm.xlane v1, v7;
	v4 =	vperm.xlane v0, v9  }
0x1ef: {  	v14 =	vld [tilespmem:s12+$0xFFFFFFE0];
	v11 =	vperm.xlane v0, v17;
	v13 =	vperm.xlane v0, v22;
	v5 =	vsub.f32 v5, v3  }
0x1f0: {  	v6 =	vadd.s32 $0xFFFFFFFF, v6;
	v7 =	vld [tilespmem:s12+$0xFFFFFFC0];
	v20 =	vperm.xlane v0, v21;
	v3 =	vperm.xlane v1, v9  }
0x1f1: {  	v15 =	vld [tilespmem:s12+$0xFFFFFFF0];
	v8 =	vadd.s32 $0xFFFFFFFF, v8;
	v9 =	vperm.xlane v0, v6;
	v19 =	vmul.f32 v5, v10  }
0x1f2: {  	v16 =	vld [tilespmem:s12+$0x0];
	v5 =	vperm.xlane v1, v6;
	v10 =	vperm.xlane v0, v8  }
0x1f3: {  	s13 =	simm.s32 $0x16040;
	v6 =	vperm.xlane v1, v8;
	v8 =	vperm.xlane v1, v17;
	v17 =	vld [tilespmem:s12+$0x10]  }
0x1f4: {  	s14 =	simm.s32 $0x0;
	s15 =	simm.s32 $0xE0C0;
	[tilespmem:s13+$0x30] =	vst v19;
	v19 =	vperm.xlane v1, v21;
	v21 =	vsub.f32 v18, v12;
	v12 =	vperm.xlane v1, v22;
	v18 =	vld [tilespmem:s12+$0x20]  }
.LBB2_16:
0x1f5: {  	v22 =	vld [tilespmem:s15+$0x30];
	s14 =	sadd.s32 $0x80, s14;
	v7 =	vsub.f32 v7, v20;
	v4 =	vsub.f32 v14, v4  }
0x1f6: {  	v14 =	vld [tilespmem:s15+$0xFFFFFFD0];
	p0 =	slt.u32 s14, $0x1F80;
	v2 =	vmul.f32 v21, v2;
	v9 =	vsub.f32 v15, v9  }
0x1f7: {  	s12 =	sadd.s32 $0x80, s12;
	v15 =	vld [tilespmem:s15+$0xFFFFFFE0];
	v7 =	vmul.f32 v7, v19;
	v3 =	vmul.f32 v4, v3;
	v4 =	vsub.f32 v16, v10  }
0x1f8: {  	v10 =	vld [tilespmem:s12+$0x30];
	[tilespmem:s13+$0xFFFFFFD0] =	vst v2;
	v2 =	vmul.f32 v9, v5;
	v5 =	vsub.f32 v17, v11  }
0x1f9: {  	v9 =	vld [tilespmem:s15+$0xFFFFFFF0];
	[tilespmem:s13+$0xFFFFFFC0] =	vst v7;
	v4 =	vmul.f32 v4, v6;
	v6 =	vsub.f32 v18, v13  }
0x1fa: {  	v11 =	vld [tilespmem:s15+$0x0];
	v7 =	vadd.s32 $0xFFFFFFFF, v22;
	[tilespmem:s13+$0xFFFFFFE0] =	vst v3;
	v3 =	vmul.f32 v5, v8  }
0x1fb: {  	v5 =	vadd.s32 $0xFFFFFFFF, v14;
	v8 =	vld [tilespmem:s15+$0x10];
	v13 =	vperm.xlane v0, v7;
	[tilespmem:s13+$0xFFFFFFF0] =	vst v2;
	v6 =	vmul.f32 v6, v12  }
0x1fc: {  	v12 =	vperm.xlane v0, v5;
	v2 =	vperm.xlane v1, v5;
	v5 =	vadd.s32 $0xFFFFFFFF, v15;
	v16 =	vld [tilespmem:s15+$0x20];
	[tilespmem:s13+$0x0] =	vst v4  }
0x1fd: {  	v14 =	vperm.xlane v1, v7;
	v17 =	vld [tilespmem:s15+$0xFFFFFFC0];
	v4 =	vperm.xlane v0, v5;
	v10 =	vsub.f32 v10, v13;
	[tilespmem:s13+$0x10] =	vst v3  }
0x1fe: {  	v3 =	vperm.xlane v1, v5;
	v7 =	vld [tilespmem:s12+$0xFFFFFFC0];
	v5 =	vadd.s32 $0xFFFFFFFF, v9;
	[tilespmem:s13+$0x20] =	vst v6  }
0x1ff: {  	v18 =	vld [tilespmem:s12+$0xFFFFFFD0];
	v9 =	vperm.xlane v0, v5;
	v6 =	vadd.s32 $0xFFFFFFFF, v11;
	v13 =	vmul.f32 v10, v14  }
.Ltmp7:
0x200: {  	s13 =	sadd.s32 $0x80, s13;
	v5 =	vperm.xlane v1, v5;
	v14 =	vld [tilespmem:s12+$0xFFFFFFE0];
	v10 =	vperm.xlane v0, v6;
	v8 =	vadd.s32 $0xFFFFFFFF, v8;
	(pc) =	sbr.rel @p0 .LBB2_16-.Ltmp7, $4  }
0x201: {  	v6 =	vperm.xlane v1, v6;
	v15 =	vld [tilespmem:s12+$0xFFFFFFF0];
	v11 =	vperm.xlane v0, v8;
	v22 =	vadd.s32 $0xFFFFFFFF, v16;
	[tilespmem:s13+$0x30] =	vst v13  }
0x202: {  	v8 =	vperm.xlane v1, v8;
	v17 =	vadd.s32 $0xFFFFFFFF, v17;
	v16 =	vld [tilespmem:s12+$0x0];
	v13 =	vperm.xlane v0, v22  }
0x203: {  	v20 =	vperm.xlane v0, v17;
	v19 =	vperm.xlane v1, v17;
	v17 =	vld [tilespmem:s12+$0x10]  }
0x204: {  	s15 =	sadd.s32 $0x80, s15;
	v21 =	vsub.f32 v18, v12;
	v12 =	vperm.xlane v1, v22;
	v18 =	vld [tilespmem:s12+$0x20]  }
0x205: {  	v7 =	vsub.f32 v7, v20  }
0x206: {  	v4 =	vsub.f32 v14, v4;
	v2 =	vmul.f32 v21, v2  }
0x207: {  	v9 =	vsub.f32 v15, v9;
	v7 =	vmul.f32 v7, v19  }
0x208: {  	v3 =	vmul.f32 v4, v3;
	v4 =	vsub.f32 v16, v10;
	[tilespmem:s13+$0xFFFFFFD0] =	vst v2  }
0x209: {  	v2 =	vmul.f32 v9, v5;
	v5 =	vsub.f32 v17, v11;
	[tilespmem:s13+$0xFFFFFFC0] =	vst v7  }
0x20a: {  	v4 =	vmul.f32 v4, v6;
	v6 =	vsub.f32 v18, v13;
	[tilespmem:s13+$0xFFFFFFE0] =	vst v3  }
0x20b: {  	v3 =	vmul.f32 v5, v8;
	[tilespmem:s13+$0xFFFFFFF0] =	vst v2  }
0x20c: {  	v2 =	vmul.f32 v6, v12;
	[tilespmem:s13+$0x0] =	vst v4  }
0x20d: {  	[tilespmem:s13+$0x10] =	vst v3  }
0x20e: {  	[tilespmem:s13+$0x20] =	vst v2  }
0x20f: {  	s12 =	rddreg [dreg:$0x1a]  }
0x210: {  	s13 =	sld [smem:$0x7F0]  }
0x211: {  	[hbm4b:s12+s1] =	stream.linear.scatter [tilespmem:s6], [sflag:$0x8], $0x2000, $0x38;
	[tilespmem:$0x18100] =	vst v63  }
0x212: {  	s14 =	sld [smem:$0x7F1]  }
0x213: {  	[tilespmem:s28], [sflag:$0x4] =	stream.linear.gather [hbm4b:s13+s1], $0x2000, $0x38;
	[tilespmem:$0x18100] =	vst v63  }
0x214: {  	_ = 	snop  }
0x215: {  	[tilespmem:s29], [sflag:$0x4] =	stream.linear.gather [hbm4b:s14+s1], $0x2000, $0x38;
	[tilespmem:$0x18100] =	vst v63  }
0x216: {  	_ =	swait.ge [sflag:s30], $0x2000  }
0x217: {  	[sflag:s30] =	ssyncset.done $0x0  }
0x218: {  	[sflag:s30] =	ssyncadd.s32 $0xFFFFE000  }
0x219: {  	_ =	swait.ge [sflag:s30], $0x2000  }
0x21a: {  	[sflag:s30] =	ssyncset.done $0x0  }
0x21b: {  	[sflag:s30] =	ssyncadd.s32 $0xFFFFE000  }
0x21c: {  	_ =	swait.ge [sflag:s7], $0x2000  }
0x21d: {  	[sflag:s7] =	ssyncset.done $0x0  }
0x21e: {  	s15 =	simm.s32 $0x8040;
	[sflag:s7] =	ssyncadd.s32 $0xFFFFE000  }
0x21f: {  	v2 =	vld [tilespmem:s15+$0x30]  }
0x220: {  	v3 =	vld [tilespmem:s15+$0xFFFFFFD0]  }
0x221: {  	v4 =	vld [tilespmem:s15+$0xFFFFFFE0]  }
0x222: {  	v11 =	vld [tilespmem:s15+$0x10]  }
0x223: {  	v13 =	vld [tilespmem:s15+$0x20]  }
0x224: {  	s12 =	simm.s32 $0x40;
	v16 =	vld [tilespmem:s15+$0xFFFFFFC0]  }
0x225: {  	v5 =	vld [tilespmem:s12+$0x30]  }
0x226: {  	v6 =	vld [tilespmem:s15+$0xFFFFFFF0];
	v7 =	vadd.s32 $0xFFFFFFFF, v2;
	v2 =	vadd.s32 $0xFFFFFFFF, v3  }
0x227: {  	v8 =	vld [tilespmem:s15+$0x0];
	v9 =	vadd.s32 $0xFFFFFFFF, v4;
	v17 =	vadd.s32 $0xFFFFFFFF, v11;
	v3 =	vperm.xlane v0, v7  }
0x228: {  	v22 =	vadd.s32 $0xFFFFFFFF, v13;
	v12 =	vperm.xlane v0, v2;
	v2 =	vperm.xlane v1, v2  }
0x229: {  	v18 =	vld [tilespmem:s12+$0xFFFFFFD0];
	v21 =	vadd.s32 $0xFFFFFFFF, v16;
	v10 =	vperm.xlane v1, v7;
	v4 =	vperm.xlane v0, v9  }
0x22a: {  	v14 =	vld [tilespmem:s12+$0xFFFFFFE0];
	v11 =	vperm.xlane v0, v17;
	v13 =	vperm.xlane v0, v22;
	v5 =	vsub.f32 v5, v3  }
0x22b: {  	v6 =	vadd.s32 $0xFFFFFFFF, v6;
	v7 =	vld [tilespmem:s12+$0xFFFFFFC0];
	v20 =	vperm.xlane v0, v21;
	v3 =	vperm.xlane v1, v9  }
0x22c: {  	v15 =	vld [tilespmem:s12+$0xFFFFFFF0];
	v8 =	vadd.s32 $0xFFFFFFFF, v8;
	v9 =	vperm.xlane v0, v6;
	v19 =	vmul.f32 v5, v10  }
0x22d: {  	v16 =	vld [tilespmem:s12+$0x0];
	v5 =	vperm.xlane v1, v6;
	v10 =	vperm.xlane v0, v8  }
0x22e: {  	s13 =	simm.s32 $0x10040;
	v6 =	vperm.xlane v1, v8;
	v8 =	vperm.xlane v1, v17;
	v17 =	vld [tilespmem:s12+$0x10]  }
0x22f: {  	s14 =	simm.s32 $0x0;
	s15 =	simm.s32 $0x80C0;
	[tilespmem:s13+$0x30] =	vst v19;
	v19 =	vperm.xlane v1, v21;
	v21 =	vsub.f32 v18, v12;
	v12 =	vperm.xlane v1, v22;
	v18 =	vld [tilespmem:s12+$0x20]  }
.LBB2_18:
0x230: {  	v22 =	vld [tilespmem:s15+$0x30];
	s14 =	sadd.s32 $0x80, s14;
	v7 =	vsub.f32 v7, v20;
	v4 =	vsub.f32 v14, v4  }
0x231: {  	v14 =	vld [tilespmem:s15+$0xFFFFFFD0];
	p0 =	slt.u32 s14, $0x1F80;
	v2 =	vmul.f32 v21, v2;
	v9 =	vsub.f32 v15, v9  }
0x232: {  	s12 =	sadd.s32 $0x80, s12;
	v15 =	vld [tilespmem:s15+$0xFFFFFFE0];
	v7 =	vmul.f32 v7, v19;
	v3 =	vmul.f32 v4, v3;
	v4 =	vsub.f32 v16, v10  }
0x233: {  	v10 =	vld [tilespmem:s12+$0x30];
	[tilespmem:s13+$0xFFFFFFD0] =	vst v2;
	v2 =	vmul.f32 v9, v5;
	v5 =	vsub.f32 v17, v11  }
0x234: {  	v9 =	vld [tilespmem:s15+$0xFFFFFFF0];
	[tilespmem:s13+$0xFFFFFFC0] =	vst v7;
	v4 =	vmul.f32 v4, v6;
	v6 =	vsub.f32 v18, v13  }
0x235: {  	v11 =	vld [tilespmem:s15+$0x0];
	v7 =	vadd.s32 $0xFFFFFFFF, v22;
	[tilespmem:s13+$0xFFFFFFE0] =	vst v3;
	v3 =	vmul.f32 v5, v8  }
0x236: {  	v5 =	vadd.s32 $0xFFFFFFFF, v14;
	v8 =	vld [tilespmem:s15+$0x10];
	v13 =	vperm.xlane v0, v7;
	[tilespmem:s13+$0xFFFFFFF0] =	vst v2;
	v6 =	vmul.f32 v6, v12  }
0x237: {  	v12 =	vperm.xlane v0, v5;
	v2 =	vperm.xlane v1, v5;
	v5 =	vadd.s32 $0xFFFFFFFF, v15;
	v16 =	vld [tilespmem:s15+$0x20];
	[tilespmem:s13+$0x0] =	vst v4  }
0x238: {  	v14 =	vperm.xlane v1, v7;
	v17 =	vld [tilespmem:s15+$0xFFFFFFC0];
	v4 =	vperm.xlane v0, v5;
	v10 =	vsub.f32 v10, v13;
	[tilespmem:s13+$0x10] =	vst v3  }
0x239: {  	v3 =	vperm.xlane v1, v5;
	v7 =	vld [tilespmem:s12+$0xFFFFFFC0];
	v5 =	vadd.s32 $0xFFFFFFFF, v9;
	[tilespmem:s13+$0x20] =	vst v6  }
0x23a: {  	v18 =	vld [tilespmem:s12+$0xFFFFFFD0];
	v9 =	vperm.xlane v0, v5;
	v6 =	vadd.s32 $0xFFFFFFFF, v11;
	v13 =	vmul.f32 v10, v14  }
.Ltmp8:
0x23b: {  	s13 =	sadd.s32 $0x80, s13;
	v5 =	vperm.xlane v1, v5;
	v14 =	vld [tilespmem:s12+$0xFFFFFFE0];
	v10 =	vperm.xlane v0, v6;
	v8 =	vadd.s32 $0xFFFFFFFF, v8;
	(pc) =	sbr.rel @p0 .LBB2_18-.Ltmp8, $4  }
0x23c: {  	v6 =	vperm.xlane v1, v6;
	v15 =	vld [tilespmem:s12+$0xFFFFFFF0];
	v11 =	vperm.xlane v0, v8;
	v22 =	vadd.s32 $0xFFFFFFFF, v16;
	[tilespmem:s13+$0x30] =	vst v13  }
0x23d: {  	v8 =	vperm.xlane v1, v8;
	v17 =	vadd.s32 $0xFFFFFFFF, v17;
	v16 =	vld [tilespmem:s12+$0x0];
	v13 =	vperm.xlane v0, v22  }
0x23e: {  	v20 =	vperm.xlane v0, v17;
	v19 =	vperm.xlane v1, v17;
	v17 =	vld [tilespmem:s12+$0x10]  }
0x23f: {  	s15 =	sadd.s32 $0x80, s15;
	v21 =	vsub.f32 v18, v12;
	v12 =	vperm.xlane v1, v22;
	v18 =	vld [tilespmem:s12+$0x20]  }
0x240: {  	v7 =	vsub.f32 v7, v20  }
0x241: {  	v4 =	vsub.f32 v14, v4;
	v2 =	vmul.f32 v21, v2  }
0x242: {  	v9 =	vsub.f32 v15, v9;
	v7 =	vmul.f32 v7, v19  }
0x243: {  	v3 =	vmul.f32 v4, v3;
	v4 =	vsub.f32 v16, v10;
	[tilespmem:s13+$0xFFFFFFD0] =	vst v2  }
0x244: {  	v2 =	vmul.f32 v9, v5;
	v5 =	vsub.f32 v17, v11;
	[tilespmem:s13+$0xFFFFFFC0] =	vst v7  }
0x245: {  	v4 =	vmul.f32 v4, v6;
	v6 =	vsub.f32 v18, v13;
	[tilespmem:s13+$0xFFFFFFE0] =	vst v3  }
0x246: {  	v3 =	vmul.f32 v5, v8;
	[tilespmem:s13+$0xFFFFFFF0] =	vst v2  }
0x247: {  	v2 =	vmul.f32 v6, v12;
	[tilespmem:s13+$0x0] =	vst v4  }
0x248: {  	[tilespmem:s13+$0x10] =	vst v3  }
0x249: {  	[tilespmem:s13+$0x20] =	vst v2  }
0x24a: {  	s12 =	rddreg [dreg:$0x1d]  }
0x24b: {  	s13 =	sld [smem:$0x7F6]  }
0x24c: {  	[hbm4b:s12+s1] =	stream.linear.scatter [tilespmem:s31], [sflag:$0x5], $0x2000, $0x38;
	[tilespmem:$0x18100] =	vst v63  }
0x24d: {  	s14 =	sld [smem:$0x7FA]  }
0x24e: {  	[tilespmem:s1], [sflag:$0x1] =	stream.linear.gather [hbm4b:s13+s1], $0x2000, $0x38;
	[tilespmem:$0x18100] =	vst v63  }
0x24f: {  	_ = 	snop  }
0x250: {  	[tilespmem:s22], [sflag:$0x1] =	stream.linear.gather [hbm4b:s14+s1], $0x2000, $0x38;
	[tilespmem:$0x18100] =	vst v63  }
0x251: {  	_ =	swait.ge [sflag:s0], $0x2000  }
0x252: {  	[sflag:s0] =	ssyncset.done $0x0  }
0x253: {  	[sflag:s0] =	ssyncadd.s32 $0xFFFFE000  }
0x254: {  	_ =	swait.ge [sflag:s0], $0x2000  }
0x255: {  	[sflag:s0] =	ssyncset.done $0x0  }
0x256: {  	[sflag:s0] =	ssyncadd.s32 $0xFFFFE000  }
0x257: {  	_ =	swait.ge [sflag:s8], $0x2000  }
0x258: {  	[sflag:s8] =	ssyncset.done $0x0  }
0x259: {  	s15 =	simm.s32 $0xA040;
	[sflag:s8] =	ssyncadd.s32 $0xFFFFE000  }
0x25a: {  	v2 =	vld [tilespmem:s15+$0x30]  }
0x25b: {  	v3 =	vld [tilespmem:s15+$0xFFFFFFD0]  }
0x25c: {  	v4 =	vld [tilespmem:s15+$0xFFFFFFE0]  }
0x25d: {  	v11 =	vld [tilespmem:s15+$0x10]  }
0x25e: {  	v13 =	vld [tilespmem:s15+$0x20]  }
0x25f: {  	s12 =	simm.s32 $0x2040;
	v16 =	vld [tilespmem:s15+$0xFFFFFFC0]  }
0x260: {  	v5 =	vld [tilespmem:s12+$0x30]  }
0x261: {  	v6 =	vld [tilespmem:s15+$0xFFFFFFF0];
	v7 =	vadd.s32 $0xFFFFFFFF, v2;
	v2 =	vadd.s32 $0xFFFFFFFF, v3  }
0x262: {  	v8 =	vld [tilespmem:s15+$0x0];
	v9 =	vadd.s32 $0xFFFFFFFF, v4;
	v17 =	vadd.s32 $0xFFFFFFFF, v11;
	v3 =	vperm.xlane v0, v7  }
0x263: {  	v22 =	vadd.s32 $0xFFFFFFFF, v13;
	v12 =	vperm.xlane v0, v2;
	v2 =	vperm.xlane v1, v2  }
0x264: {  	v18 =	vld [tilespmem:s12+$0xFFFFFFD0];
	v21 =	vadd.s32 $0xFFFFFFFF, v16;
	v10 =	vperm.xlane v1, v7;
	v4 =	vperm.xlane v0, v9  }
0x265: {  	v14 =	vld [tilespmem:s12+$0xFFFFFFE0];
	v11 =	vperm.xlane v0, v17;
	v13 =	vperm.xlane v0, v22;
	v5 =	vsub.f32 v5, v3  }
0x266: {  	v6 =	vadd.s32 $0xFFFFFFFF, v6;
	v7 =	vld [tilespmem:s12+$0xFFFFFFC0];
	v20 =	vperm.xlane v0, v21;
	v3 =	vperm.xlane v1, v9  }
0x267: {  	v15 =	vld [tilespmem:s12+$0xFFFFFFF0];
	v8 =	vadd.s32 $0xFFFFFFFF, v8;
	v9 =	vperm.xlane v0, v6;
	v19 =	vmul.f32 v5, v10  }
0x268: {  	v16 =	vld [tilespmem:s12+$0x0];
	v5 =	vperm.xlane v1, v6;
	v10 =	vperm.xlane v0, v8  }
0x269: {  	s13 =	simm.s32 $0x12040;
	v6 =	vperm.xlane v1, v8;
	v8 =	vperm.xlane v1, v17;
	v17 =	vld [tilespmem:s12+$0x10]  }
0x26a: {  	s14 =	simm.s32 $0x0;
	s15 =	simm.s32 $0xA0C0;
	[tilespmem:s13+$0x30] =	vst v19;
	v19 =	vperm.xlane v1, v21;
	v21 =	vsub.f32 v18, v12;
	v12 =	vperm.xlane v1, v22;
	v18 =	vld [tilespmem:s12+$0x20]  }
.LBB2_20:
0x26b: {  	v22 =	vld [tilespmem:s15+$0x30];
	s14 =	sadd.s32 $0x80, s14;
	v7 =	vsub.f32 v7, v20;
	v4 =	vsub.f32 v14, v4  }
0x26c: {  	v14 =	vld [tilespmem:s15+$0xFFFFFFD0];
	p0 =	slt.u32 s14, $0x1F80;
	v2 =	vmul.f32 v21, v2;
	v9 =	vsub.f32 v15, v9  }
0x26d: {  	s12 =	sadd.s32 $0x80, s12;
	v15 =	vld [tilespmem:s15+$0xFFFFFFE0];
	v7 =	vmul.f32 v7, v19;
	v3 =	vmul.f32 v4, v3;
	v4 =	vsub.f32 v16, v10  }
0x26e: {  	v10 =	vld [tilespmem:s12+$0x30];
	[tilespmem:s13+$0xFFFFFFD0] =	vst v2;
	v2 =	vmul.f32 v9, v5;
	v5 =	vsub.f32 v17, v11  }
0x26f: {  	v9 =	vld [tilespmem:s15+$0xFFFFFFF0];
	[tilespmem:s13+$0xFFFFFFC0] =	vst v7;
	v4 =	vmul.f32 v4, v6;
	v6 =	vsub.f32 v18, v13  }
0x270: {  	v11 =	vld [tilespmem:s15+$0x0];
	v7 =	vadd.s32 $0xFFFFFFFF, v22;
	[tilespmem:s13+$0xFFFFFFE0] =	vst v3;
	v3 =	vmul.f32 v5, v8  }
0x271: {  	v5 =	vadd.s32 $0xFFFFFFFF, v14;
	v8 =	vld [tilespmem:s15+$0x10];
	v13 =	vperm.xlane v0, v7;
	[tilespmem:s13+$0xFFFFFFF0] =	vst v2;
	v6 =	vmul.f32 v6, v12  }
0x272: {  	v12 =	vperm.xlane v0, v5;
	v2 =	vperm.xlane v1, v5;
	v5 =	vadd.s32 $0xFFFFFFFF, v15;
	v16 =	vld [tilespmem:s15+$0x20];
	[tilespmem:s13+$0x0] =	vst v4  }
0x273: {  	v14 =	vperm.xlane v1, v7;
	v17 =	vld [tilespmem:s15+$0xFFFFFFC0];
	v4 =	vperm.xlane v0, v5;
	v10 =	vsub.f32 v10, v13;
	[tilespmem:s13+$0x10] =	vst v3  }
0x274: {  	v3 =	vperm.xlane v1, v5;
	v7 =	vld [tilespmem:s12+$0xFFFFFFC0];
	v5 =	vadd.s32 $0xFFFFFFFF, v9;
	[tilespmem:s13+$0x20] =	vst v6  }
0x275: {  	v18 =	vld [tilespmem:s12+$0xFFFFFFD0];
	v9 =	vperm.xlane v0, v5;
	v6 =	vadd.s32 $0xFFFFFFFF, v11;
	v13 =	vmul.f32 v10, v14  }
.Ltmp9:
0x276: {  	s13 =	sadd.s32 $0x80, s13;
	v5 =	vperm.xlane v1, v5;
	v14 =	vld [tilespmem:s12+$0xFFFFFFE0];
	v10 =	vperm.xlane v0, v6;
	v8 =	vadd.s32 $0xFFFFFFFF, v8;
	(pc) =	sbr.rel @p0 .LBB2_20-.Ltmp9, $4  }
0x277: {  	v6 =	vperm.xlane v1, v6;
	v15 =	vld [tilespmem:s12+$0xFFFFFFF0];
	v11 =	vperm.xlane v0, v8;
	v22 =	vadd.s32 $0xFFFFFFFF, v16;
	[tilespmem:s13+$0x30] =	vst v13  }
0x278: {  	v8 =	vperm.xlane v1, v8;
	v17 =	vadd.s32 $0xFFFFFFFF, v17;
	v16 =	vld [tilespmem:s12+$0x0];
	v13 =	vperm.xlane v0, v22  }
0x279: {  	v20 =	vperm.xlane v0, v17;
	v19 =	vperm.xlane v1, v17;
	v17 =	vld [tilespmem:s12+$0x10]  }
0x27a: {  	s15 =	sadd.s32 $0x80, s15;
	v21 =	vsub.f32 v18, v12;
	v12 =	vperm.xlane v1, v22;
	v18 =	vld [tilespmem:s12+$0x20]  }
0x27b: {  	v7 =	vsub.f32 v7, v20  }
0x27c: {  	v4 =	vsub.f32 v14, v4;
	v2 =	vmul.f32 v21, v2  }
0x27d: {  	v9 =	vsub.f32 v15, v9;
	v7 =	vmul.f32 v7, v19  }
0x27e: {  	v3 =	vmul.f32 v4, v3;
	v4 =	vsub.f32 v16, v10;
	[tilespmem:s13+$0xFFFFFFD0] =	vst v2  }
0x27f: {  	v2 =	vmul.f32 v9, v5;
	v5 =	vsub.f32 v17, v11;
	[tilespmem:s13+$0xFFFFFFC0] =	vst v7  }
0x280: {  	v4 =	vmul.f32 v4, v6;
	v6 =	vsub.f32 v18, v13;
	[tilespmem:s13+$0xFFFFFFE0] =	vst v3  }
0x281: {  	v3 =	vmul.f32 v5, v8;
	[tilespmem:s13+$0xFFFFFFF0] =	vst v2  }
0x282: {  	v2 =	vmul.f32 v6, v12;
	[tilespmem:s13+$0x0] =	vst v4  }
0x283: {  	[tilespmem:s13+$0x10] =	vst v3  }
0x284: {  	[tilespmem:s13+$0x20] =	vst v2  }
0x285: {  	s12 =	sld [smem:$0x7EC];
	_ =	sdelay $0x1  }
0x286: {  	s13 =	sld [smem:$0x7F7]  }
0x287: {  	[hbm4b:s12+s1] =	stream.linear.scatter [tilespmem:s2], [sflag:$0x6], $0x2000, $0x38;
	[tilespmem:$0x18100] =	vst v63  }
0x288: {  	s14 =	sld [smem:$0x7FB]  }
0x289: {  	[tilespmem:s23], [sflag:$0x2] =	stream.linear.gather [hbm4b:s13+s1], $0x2000, $0x38;
	[tilespmem:$0x18100] =	vst v63  }
0x28a: {  	_ = 	snop  }
0x28b: {  	[tilespmem:s24], [sflag:$0x2] =	stream.linear.gather [hbm4b:s14+s1], $0x2000, $0x38;
	[tilespmem:$0x18100] =	vst v63  }
0x28c: {  	_ =	swait.ge [sflag:s3], $0x2000  }
0x28d: {  	[sflag:s3] =	ssyncset.done $0x0  }
0x28e: {  	[sflag:s3] =	ssyncadd.s32 $0xFFFFE000  }
0x28f: {  	_ =	swait.ge [sflag:s3], $0x2000  }
0x290: {  	[sflag:s3] =	ssyncset.done $0x0  }
0x291: {  	[sflag:s3] =	ssyncadd.s32 $0xFFFFE000  }
0x292: {  	_ =	swait.ge [sflag:s9], $0x2000  }
0x293: {  	[sflag:s9] =	ssyncset.done $0x0  }
0x294: {  	s15 =	simm.s32 $0xC040;
	[sflag:s9] =	ssyncadd.s32 $0xFFFFE000  }
0x295: {  	v2 =	vld [tilespmem:s15+$0x30]  }
0x296: {  	v3 =	vld [tilespmem:s15+$0xFFFFFFD0]  }
0x297: {  	v4 =	vld [tilespmem:s15+$0xFFFFFFE0]  }
0x298: {  	v11 =	vld [tilespmem:s15+$0x10]  }
0x299: {  	v13 =	vld [tilespmem:s15+$0x20]  }
0x29a: {  	s12 =	simm.s32 $0x4040;
	v16 =	vld [tilespmem:s15+$0xFFFFFFC0]  }
0x29b: {  	v5 =	vld [tilespmem:s12+$0x30]  }
0x29c: {  	v6 =	vld [tilespmem:s15+$0xFFFFFFF0];
	v7 =	vadd.s32 $0xFFFFFFFF, v2;
	v2 =	vadd.s32 $0xFFFFFFFF, v3  }
0x29d: {  	v8 =	vld [tilespmem:s15+$0x0];
	v9 =	vadd.s32 $0xFFFFFFFF, v4;
	v17 =	vadd.s32 $0xFFFFFFFF, v11;
	v3 =	vperm.xlane v0, v7  }
0x29e: {  	v22 =	vadd.s32 $0xFFFFFFFF, v13;
	v12 =	vperm.xlane v0, v2;
	v2 =	vperm.xlane v1, v2  }
0x29f: {  	v18 =	vld [tilespmem:s12+$0xFFFFFFD0];
	v21 =	vadd.s32 $0xFFFFFFFF, v16;
	v10 =	vperm.xlane v1, v7;
	v4 =	vperm.xlane v0, v9  }
0x2a0: {  	v14 =	vld [tilespmem:s12+$0xFFFFFFE0];
	v11 =	vperm.xlane v0, v17;
	v13 =	vperm.xlane v0, v22;
	v5 =	vsub.f32 v5, v3  }
0x2a1: {  	v6 =	vadd.s32 $0xFFFFFFFF, v6;
	v7 =	vld [tilespmem:s12+$0xFFFFFFC0];
	v20 =	vperm.xlane v0, v21;
	v3 =	vperm.xlane v1, v9  }
0x2a2: {  	v15 =	vld [tilespmem:s12+$0xFFFFFFF0];
	v8 =	vadd.s32 $0xFFFFFFFF, v8;
	v9 =	vperm.xlane v0, v6;
	v19 =	vmul.f32 v5, v10  }
0x2a3: {  	v16 =	vld [tilespmem:s12+$0x0];
	v5 =	vperm.xlane v1, v6;
	v10 =	vperm.xlane v0, v8  }
0x2a4: {  	s13 =	simm.s32 $0x14040;
	v6 =	vperm.xlane v1, v8;
	v8 =	vperm.xlane v1, v17;
	v17 =	vld [tilespmem:s12+$0x10]  }
0x2a5: {  	s14 =	simm.s32 $0x0;
	s15 =	simm.s32 $0xC0C0;
	[tilespmem:s13+$0x30] =	vst v19;
	v19 =	vperm.xlane v1, v21;
	v21 =	vsub.f32 v18, v12;
	v12 =	vperm.xlane v1, v22;
	v18 =	vld [tilespmem:s12+$0x20]  }
.LBB2_22:
0x2a6: {  	v22 =	vld [tilespmem:s15+$0x30];
	s14 =	sadd.s32 $0x80, s14;
	v7 =	vsub.f32 v7, v20;
	v4 =	vsub.f32 v14, v4  }
0x2a7: {  	v14 =	vld [tilespmem:s15+$0xFFFFFFD0];
	p0 =	slt.u32 s14, $0x1F80;
	v2 =	vmul.f32 v21, v2;
	v9 =	vsub.f32 v15, v9  }
0x2a8: {  	s12 =	sadd.s32 $0x80, s12;
	v15 =	vld [tilespmem:s15+$0xFFFFFFE0];
	v7 =	vmul.f32 v7, v19;
	v3 =	vmul.f32 v4, v3;
	v4 =	vsub.f32 v16, v10  }
0x2a9: {  	v10 =	vld [tilespmem:s12+$0x30];
	[tilespmem:s13+$0xFFFFFFD0] =	vst v2;
	v2 =	vmul.f32 v9, v5;
	v5 =	vsub.f32 v17, v11  }
0x2aa: {  	v9 =	vld [tilespmem:s15+$0xFFFFFFF0];
	[tilespmem:s13+$0xFFFFFFC0] =	vst v7;
	v4 =	vmul.f32 v4, v6;
	v6 =	vsub.f32 v18, v13  }
0x2ab: {  	v11 =	vld [tilespmem:s15+$0x0];
	v7 =	vadd.s32 $0xFFFFFFFF, v22;
	[tilespmem:s13+$0xFFFFFFE0] =	vst v3;
	v3 =	vmul.f32 v5, v8  }
0x2ac: {  	v5 =	vadd.s32 $0xFFFFFFFF, v14;
	v8 =	vld [tilespmem:s15+$0x10];
	v13 =	vperm.xlane v0, v7;
	[tilespmem:s13+$0xFFFFFFF0] =	vst v2;
	v6 =	vmul.f32 v6, v12  }
0x2ad: {  	v12 =	vperm.xlane v0, v5;
	v2 =	vperm.xlane v1, v5;
	v5 =	vadd.s32 $0xFFFFFFFF, v15;
	v16 =	vld [tilespmem:s15+$0x20];
	[tilespmem:s13+$0x0] =	vst v4  }
0x2ae: {  	v14 =	vperm.xlane v1, v7;
	v17 =	vld [tilespmem:s15+$0xFFFFFFC0];
	v4 =	vperm.xlane v0, v5;
	v10 =	vsub.f32 v10, v13;
	[tilespmem:s13+$0x10] =	vst v3  }
0x2af: {  	v3 =	vperm.xlane v1, v5;
	v7 =	vld [tilespmem:s12+$0xFFFFFFC0];
	v5 =	vadd.s32 $0xFFFFFFFF, v9;
	[tilespmem:s13+$0x20] =	vst v6  }
0x2b0: {  	v18 =	vld [tilespmem:s12+$0xFFFFFFD0];
	v9 =	vperm.xlane v0, v5;
	v6 =	vadd.s32 $0xFFFFFFFF, v11;
	v13 =	vmul.f32 v10, v14  }
.Ltmp10:
0x2b1: {  	s13 =	sadd.s32 $0x80, s13;
	v5 =	vperm.xlane v1, v5;
	v14 =	vld [tilespmem:s12+$0xFFFFFFE0];
	v10 =	vperm.xlane v0, v6;
	v8 =	vadd.s32 $0xFFFFFFFF, v8;
	(pc) =	sbr.rel @p0 .LBB2_22-.Ltmp10, $4  }
0x2b2: {  	v6 =	vperm.xlane v1, v6;
	v15 =	vld [tilespmem:s12+$0xFFFFFFF0];
	v11 =	vperm.xlane v0, v8;
	v22 =	vadd.s32 $0xFFFFFFFF, v16;
	[tilespmem:s13+$0x30] =	vst v13  }
0x2b3: {  	v8 =	vperm.xlane v1, v8;
	v17 =	vadd.s32 $0xFFFFFFFF, v17;
	v16 =	vld [tilespmem:s12+$0x0];
	v13 =	vperm.xlane v0, v22  }
0x2b4: {  	v20 =	vperm.xlane v0, v17;
	v19 =	vperm.xlane v1, v17;
	v17 =	vld [tilespmem:s12+$0x10]  }
0x2b5: {  	s15 =	sadd.s32 $0x80, s15;
	v21 =	vsub.f32 v18, v12;
	v12 =	vperm.xlane v1, v22;
	v18 =	vld [tilespmem:s12+$0x20]  }
0x2b6: {  	v7 =	vsub.f32 v7, v20  }
0x2b7: {  	v4 =	vsub.f32 v14, v4;
	v2 =	vmul.f32 v21, v2  }
0x2b8: {  	v9 =	vsub.f32 v15, v9;
	v7 =	vmul.f32 v7, v19  }
0x2b9: {  	v3 =	vmul.f32 v4, v3;
	v4 =	vsub.f32 v16, v10;
	[tilespmem:s13+$0xFFFFFFD0] =	vst v2  }
0x2ba: {  	v2 =	vmul.f32 v9, v5;
	v5 =	vsub.f32 v17, v11;
	[tilespmem:s13+$0xFFFFFFC0] =	vst v7  }
0x2bb: {  	v4 =	vmul.f32 v4, v6;
	v6 =	vsub.f32 v18, v13;
	[tilespmem:s13+$0xFFFFFFE0] =	vst v3  }
0x2bc: {  	v3 =	vmul.f32 v5, v8;
	[tilespmem:s13+$0xFFFFFFF0] =	vst v2  }
0x2bd: {  	v2 =	vmul.f32 v6, v12;
	[tilespmem:s13+$0x0] =	vst v4  }
0x2be: {  	[tilespmem:s13+$0x10] =	vst v3  }
0x2bf: {  	[tilespmem:s13+$0x20] =	vst v2  }
0x2c0: {  	s12 =	sld [smem:$0x7EF];
	_ =	sdelay $0x1  }
0x2c1: {  	s13 =	sld [smem:$0x7F8]  }
0x2c2: {  	[hbm4b:s12+s1] =	stream.linear.scatter [tilespmem:s4], [sflag:$0x7], $0x2000, $0x38;
	[tilespmem:$0x18100] =	vst v63  }
0x2c3: {  	s14 =	sld [smem:$0x7FC]  }
0x2c4: {  	[tilespmem:s25], [sflag:$0x3] =	stream.linear.gather [hbm4b:s13+s1], $0x2000, $0x38;
	[tilespmem:$0x18100] =	vst v63  }
0x2c5: {  	_ = 	snop  }
0x2c6: {  	[tilespmem:s26], [sflag:$0x3] =	stream.linear.gather [hbm4b:s14+s1], $0x2000, $0x38;
	[tilespmem:$0x18100] =	vst v63  }
0x2c7: {  	_ =	swait.ge [sflag:s5], $0x2000  }
0x2c8: {  	[sflag:s5] =	ssyncset.done $0x0  }
0x2c9: {  	[sflag:s5] =	ssyncadd.s32 $0xFFFFE000  }
0x2ca: {  	_ =	swait.ge [sflag:s5], $0x2000  }
0x2cb: {  	[sflag:s5] =	ssyncset.done $0x0  }
0x2cc: {  	[sflag:s5] =	ssyncadd.s32 $0xFFFFE000  }
0x2cd: {  	_ =	swait.ge [sflag:s10], $0x2000  }
0x2ce: {  	[sflag:s10] =	ssyncset.done $0x0  }
0x2cf: {  	s15 =	simm.s32 $0xE040;
	[sflag:s10] =	ssyncadd.s32 $0xFFFFE000  }
0x2d0: {  	v2 =	vld [tilespmem:s15+$0x30]  }
0x2d1: {  	v3 =	vld [tilespmem:s15+$0xFFFFFFD0]  }
0x2d2: {  	v4 =	vld [tilespmem:s15+$0xFFFFFFE0]  }
0x2d3: {  	v11 =	vld [tilespmem:s15+$0x10]  }
0x2d4: {  	v13 =	vld [tilespmem:s15+$0x20]  }
0x2d5: {  	s12 =	simm.s32 $0x6040;
	v16 =	vld [tilespmem:s15+$0xFFFFFFC0]  }
0x2d6: {  	v5 =	vld [tilespmem:s12+$0x30]  }
0x2d7: {  	v6 =	vld [tilespmem:s15+$0xFFFFFFF0];
	v7 =	vadd.s32 $0xFFFFFFFF, v2;
	v2 =	vadd.s32 $0xFFFFFFFF, v3  }
0x2d8: {  	v8 =	vld [tilespmem:s15+$0x0];
	v9 =	vadd.s32 $0xFFFFFFFF, v4;
	v17 =	vadd.s32 $0xFFFFFFFF, v11;
	v3 =	vperm.xlane v0, v7  }
0x2d9: {  	v22 =	vadd.s32 $0xFFFFFFFF, v13;
	v12 =	vperm.xlane v0, v2;
	v2 =	vperm.xlane v1, v2  }
0x2da: {  	v18 =	vld [tilespmem:s12+$0xFFFFFFD0];
	v21 =	vadd.s32 $0xFFFFFFFF, v16;
	v10 =	vperm.xlane v1, v7;
	v4 =	vperm.xlane v0, v9  }
0x2db: {  	v14 =	vld [tilespmem:s12+$0xFFFFFFE0];
	v11 =	vperm.xlane v0, v17;
	v13 =	vperm.xlane v0, v22;
	v5 =	vsub.f32 v5, v3  }
0x2dc: {  	v6 =	vadd.s32 $0xFFFFFFFF, v6;
	v7 =	vld [tilespmem:s12+$0xFFFFFFC0];
	v20 =	vperm.xlane v0, v21;
	v3 =	vperm.xlane v1, v9  }
0x2dd: {  	v15 =	vld [tilespmem:s12+$0xFFFFFFF0];
	v8 =	vadd.s32 $0xFFFFFFFF, v8;
	v9 =	vperm.xlane v0, v6;
	v19 =	vmul.f32 v5, v10  }
0x2de: {  	v16 =	vld [tilespmem:s12+$0x0];
	v5 =	vperm.xlane v1, v6;
	v10 =	vperm.xlane v0, v8  }
0x2df: {  	s13 =	simm.s32 $0x16040;
	v6 =	vperm.xlane v1, v8;
	v8 =	vperm.xlane v1, v17;
	v17 =	vld [tilespmem:s12+$0x10]  }
0x2e0: {  	s14 =	simm.s32 $0x0;
	s15 =	simm.s32 $0xE0C0;
	[tilespmem:s13+$0x30] =	vst v19;
	v19 =	vperm.xlane v1, v21;
	v21 =	vsub.f32 v18, v12;
	v12 =	vperm.xlane v1, v22;
	v18 =	vld [tilespmem:s12+$0x20]  }
.LBB2_24:
0x2e1: {  	v22 =	vld [tilespmem:s15+$0x30];
	s14 =	sadd.s32 $0x80, s14;
	v7 =	vsub.f32 v7, v20;
	v4 =	vsub.f32 v14, v4  }
0x2e2: {  	v14 =	vld [tilespmem:s15+$0xFFFFFFD0];
	p0 =	slt.u32 s14, $0x1F80;
	v2 =	vmul.f32 v21, v2;
	v9 =	vsub.f32 v15, v9  }
0x2e3: {  	s12 =	sadd.s32 $0x80, s12;
	v15 =	vld [tilespmem:s15+$0xFFFFFFE0];
	v7 =	vmul.f32 v7, v19;
	v3 =	vmul.f32 v4, v3;
	v4 =	vsub.f32 v16, v10  }
0x2e4: {  	v10 =	vld [tilespmem:s12+$0x30];
	[tilespmem:s13+$0xFFFFFFD0] =	vst v2;
	v2 =	vmul.f32 v9, v5;
	v5 =	vsub.f32 v17, v11  }
0x2e5: {  	v9 =	vld [tilespmem:s15+$0xFFFFFFF0];
	[tilespmem:s13+$0xFFFFFFC0] =	vst v7;
	v4 =	vmul.f32 v4, v6;
	v6 =	vsub.f32 v18, v13  }
0x2e6: {  	v11 =	vld [tilespmem:s15+$0x0];
	v7 =	vadd.s32 $0xFFFFFFFF, v22;
	[tilespmem:s13+$0xFFFFFFE0] =	vst v3;
	v3 =	vmul.f32 v5, v8  }
0x2e7: {  	v5 =	vadd.s32 $0xFFFFFFFF, v14;
	v8 =	vld [tilespmem:s15+$0x10];
	v13 =	vperm.xlane v0, v7;
	[tilespmem:s13+$0xFFFFFFF0] =	vst v2;
	v6 =	vmul.f32 v6, v12  }
0x2e8: {  	v12 =	vperm.xlane v0, v5;
	v2 =	vperm.xlane v1, v5;
	v5 =	vadd.s32 $0xFFFFFFFF, v15;
	v16 =	vld [tilespmem:s15+$0x20];
	[tilespmem:s13+$0x0] =	vst v4  }
0x2e9: {  	v14 =	vperm.xlane v1, v7;
	v17 =	vld [tilespmem:s15+$0xFFFFFFC0];
	v4 =	vperm.xlane v0, v5;
	v10 =	vsub.f32 v10, v13;
	[tilespmem:s13+$0x10] =	vst v3  }
0x2ea: {  	v3 =	vperm.xlane v1, v5;
	v7 =	vld [tilespmem:s12+$0xFFFFFFC0];
	v5 =	vadd.s32 $0xFFFFFFFF, v9;
	[tilespmem:s13+$0x20] =	vst v6  }
0x2eb: {  	v18 =	vld [tilespmem:s12+$0xFFFFFFD0];
	v9 =	vperm.xlane v0, v5;
	v6 =	vadd.s32 $0xFFFFFFFF, v11;
	v13 =	vmul.f32 v10, v14  }
.Ltmp11:
0x2ec: {  	s13 =	sadd.s32 $0x80, s13;
	v5 =	vperm.xlane v1, v5;
	v14 =	vld [tilespmem:s12+$0xFFFFFFE0];
	v10 =	vperm.xlane v0, v6;
	v8 =	vadd.s32 $0xFFFFFFFF, v8;
	(pc) =	sbr.rel @p0 .LBB2_24-.Ltmp11, $4  }
0x2ed: {  	v6 =	vperm.xlane v1, v6;
	v15 =	vld [tilespmem:s12+$0xFFFFFFF0];
	v11 =	vperm.xlane v0, v8;
	v22 =	vadd.s32 $0xFFFFFFFF, v16;
	[tilespmem:s13+$0x30] =	vst v13  }
0x2ee: {  	v8 =	vperm.xlane v1, v8;
	v17 =	vadd.s32 $0xFFFFFFFF, v17;
	v16 =	vld [tilespmem:s12+$0x0];
	v13 =	vperm.xlane v0, v22  }
0x2ef: {  	v20 =	vperm.xlane v0, v17;
	v19 =	vperm.xlane v1, v17;
	v17 =	vld [tilespmem:s12+$0x10]  }
0x2f0: {  	s15 =	sadd.s32 $0x80, s15;
	v21 =	vsub.f32 v18, v12;
	v12 =	vperm.xlane v1, v22;
	v18 =	vld [tilespmem:s12+$0x20]  }
0x2f1: {  	v7 =	vsub.f32 v7, v20  }
0x2f2: {  	v4 =	vsub.f32 v14, v4;
	v2 =	vmul.f32 v21, v2  }
0x2f3: {  	v9 =	vsub.f32 v15, v9;
	v7 =	vmul.f32 v7, v19  }
0x2f4: {  	v3 =	vmul.f32 v4, v3;
	v4 =	vsub.f32 v16, v10;
	[tilespmem:s13+$0xFFFFFFD0] =	vst v2  }
0x2f5: {  	v2 =	vmul.f32 v9, v5;
	v5 =	vsub.f32 v17, v11;
	[tilespmem:s13+$0xFFFFFFC0] =	vst v7  }
0x2f6: {  	v4 =	vmul.f32 v4, v6;
	v6 =	vsub.f32 v18, v13;
	[tilespmem:s13+$0xFFFFFFE0] =	vst v3  }
0x2f7: {  	v3 =	vmul.f32 v5, v8;
	[tilespmem:s13+$0xFFFFFFF0] =	vst v2  }
0x2f8: {  	v2 =	vmul.f32 v6, v12;
	[tilespmem:s13+$0x0] =	vst v4  }
0x2f9: {  	[tilespmem:s13+$0x10] =	vst v3  }
0x2fa: {  	[tilespmem:s13+$0x20] =	vst v2  }
0x2fb: {  	s12 =	sld [smem:$0x7F2];
	_ =	sdelay $0x1  }
0x2fc: {  	s13 =	sld [smem:$0x7F9]  }
0x2fd: {  	[hbm4b:s12+s1] =	stream.linear.scatter [tilespmem:s6], [sflag:$0x8], $0x2000, $0x38;
	[tilespmem:$0x18100] =	vst v63  }
0x2fe: {  	s14 =	sld [smem:$0x7FD]  }
0x2ff: {  	[tilespmem:s28], [sflag:$0x4] =	stream.linear.gather [hbm4b:s13+s1], $0x2000, $0x38;
	[tilespmem:$0x18100] =	vst v63  }
0x300: {  	_ = 	snop  }
0x301: {  	[tilespmem:s29], [sflag:$0x4] =	stream.linear.gather [hbm4b:s14+s1], $0x2000, $0x38;
	[tilespmem:$0x18100] =	vst v63  }
0x302: {  	_ =	swait.ge [sflag:s30], $0x2000  }
0x303: {  	[sflag:s30] =	ssyncset.done $0x0  }
0x304: {  	[sflag:s30] =	ssyncadd.s32 $0xFFFFE000  }
0x305: {  	_ =	swait.ge [sflag:s30], $0x2000  }
0x306: {  	[sflag:s30] =	ssyncset.done $0x0  }
0x307: {  	[sflag:s30] =	ssyncadd.s32 $0xFFFFE000  }
0x308: {  	_ =	swait.ge [sflag:s7], $0x2000  }
0x309: {  	[sflag:s7] =	ssyncset.done $0x0  }
0x30a: {  	s15 =	simm.s32 $0x8040;
	[sflag:s7] =	ssyncadd.s32 $0xFFFFE000  }
0x30b: {  	v2 =	vld [tilespmem:s15+$0x30]  }
0x30c: {  	v3 =	vld [tilespmem:s15+$0xFFFFFFD0]  }
0x30d: {  	v4 =	vld [tilespmem:s15+$0xFFFFFFE0]  }
0x30e: {  	v11 =	vld [tilespmem:s15+$0x10]  }
0x30f: {  	v13 =	vld [tilespmem:s15+$0x20]  }
0x310: {  	s12 =	simm.s32 $0x40;
	v16 =	vld [tilespmem:s15+$0xFFFFFFC0]  }
0x311: {  	v5 =	vld [tilespmem:s12+$0x30]  }
0x312: {  	v6 =	vld [tilespmem:s15+$0xFFFFFFF0];
	v7 =	vadd.s32 $0xFFFFFFFF, v2;
	v2 =	vadd.s32 $0xFFFFFFFF, v3  }
0x313: {  	v8 =	vld [tilespmem:s15+$0x0];
	v9 =	vadd.s32 $0xFFFFFFFF, v4;
	v17 =	vadd.s32 $0xFFFFFFFF, v11;
	v3 =	vperm.xlane v0, v7  }
0x314: {  	v22 =	vadd.s32 $0xFFFFFFFF, v13;
	v12 =	vperm.xlane v0, v2;
	v2 =	vperm.xlane v1, v2  }
0x315: {  	v18 =	vld [tilespmem:s12+$0xFFFFFFD0];
	v21 =	vadd.s32 $0xFFFFFFFF, v16;
	v10 =	vperm.xlane v1, v7;
	v4 =	vperm.xlane v0, v9  }
0x316: {  	v14 =	vld [tilespmem:s12+$0xFFFFFFE0];
	v11 =	vperm.xlane v0, v17;
	v13 =	vperm.xlane v0, v22;
	v5 =	vsub.f32 v5, v3  }
0x317: {  	v6 =	vadd.s32 $0xFFFFFFFF, v6;
	v7 =	vld [tilespmem:s12+$0xFFFFFFC0];
	v20 =	vperm.xlane v0, v21;
	v3 =	vperm.xlane v1, v9  }
0x318: {  	v15 =	vld [tilespmem:s12+$0xFFFFFFF0];
	v8 =	vadd.s32 $0xFFFFFFFF, v8;
	v9 =	vperm.xlane v0, v6;
	v19 =	vmul.f32 v5, v10  }
0x319: {  	v16 =	vld [tilespmem:s12+$0x0];
	v5 =	vperm.xlane v1, v6;
	v10 =	vperm.xlane v0, v8  }
0x31a: {  	s13 =	simm.s32 $0x10040;
	v6 =	vperm.xlane v1, v8;
	v8 =	vperm.xlane v1, v17;
	v17 =	vld [tilespmem:s12+$0x10]  }
0x31b: {  	s14 =	simm.s32 $0x0;
	s15 =	simm.s32 $0x80C0;
	[tilespmem:s13+$0x30] =	vst v19;
	v19 =	vperm.xlane v1, v21;
	v21 =	vsub.f32 v18, v12;
	v12 =	vperm.xlane v1, v22;
	v18 =	vld [tilespmem:s12+$0x20]  }
.LBB2_26:
0x31c: {  	v22 =	vld [tilespmem:s15+$0x30];
	s14 =	sadd.s32 $0x80, s14;
	v7 =	vsub.f32 v7, v20;
	v4 =	vsub.f32 v14, v4  }
0x31d: {  	v14 =	vld [tilespmem:s15+$0xFFFFFFD0];
	p0 =	slt.u32 s14, $0x1F80;
	v2 =	vmul.f32 v21, v2;
	v9 =	vsub.f32 v15, v9  }
0x31e: {  	s12 =	sadd.s32 $0x80, s12;
	v15 =	vld [tilespmem:s15+$0xFFFFFFE0];
	v7 =	vmul.f32 v7, v19;
	v3 =	vmul.f32 v4, v3;
	v4 =	vsub.f32 v16, v10  }
0x31f: {  	v10 =	vld [tilespmem:s12+$0x30];
	[tilespmem:s13+$0xFFFFFFD0] =	vst v2;
	v2 =	vmul.f32 v9, v5;
	v5 =	vsub.f32 v17, v11  }
0x320: {  	v9 =	vld [tilespmem:s15+$0xFFFFFFF0];
	[tilespmem:s13+$0xFFFFFFC0] =	vst v7;
	v4 =	vmul.f32 v4, v6;
	v6 =	vsub.f32 v18, v13  }
0x321: {  	v11 =	vld [tilespmem:s15+$0x0];
	v7 =	vadd.s32 $0xFFFFFFFF, v22;
	[tilespmem:s13+$0xFFFFFFE0] =	vst v3;
	v3 =	vmul.f32 v5, v8  }
0x322: {  	v5 =	vadd.s32 $0xFFFFFFFF, v14;
	v8 =	vld [tilespmem:s15+$0x10];
	v13 =	vperm.xlane v0, v7;
	[tilespmem:s13+$0xFFFFFFF0] =	vst v2;
	v6 =	vmul.f32 v6, v12  }
0x323: {  	v12 =	vperm.xlane v0, v5;
	v2 =	vperm.xlane v1, v5;
	v5 =	vadd.s32 $0xFFFFFFFF, v15;
	v16 =	vld [tilespmem:s15+$0x20];
	[tilespmem:s13+$0x0] =	vst v4  }
0x324: {  	v14 =	vperm.xlane v1, v7;
	v17 =	vld [tilespmem:s15+$0xFFFFFFC0];
	v4 =	vperm.xlane v0, v5;
	v10 =	vsub.f32 v10, v13;
	[tilespmem:s13+$0x10] =	vst v3  }
0x325: {  	v3 =	vperm.xlane v1, v5;
	v7 =	vld [tilespmem:s12+$0xFFFFFFC0];
	v5 =	vadd.s32 $0xFFFFFFFF, v9;
	[tilespmem:s13+$0x20] =	vst v6  }
0x326: {  	v18 =	vld [tilespmem:s12+$0xFFFFFFD0];
	v9 =	vperm.xlane v0, v5;
	v6 =	vadd.s32 $0xFFFFFFFF, v11;
	v13 =	vmul.f32 v10, v14  }
.Ltmp12:
0x327: {  	s13 =	sadd.s32 $0x80, s13;
	v5 =	vperm.xlane v1, v5;
	v14 =	vld [tilespmem:s12+$0xFFFFFFE0];
	v10 =	vperm.xlane v0, v6;
	v8 =	vadd.s32 $0xFFFFFFFF, v8;
	(pc) =	sbr.rel @p0 .LBB2_26-.Ltmp12, $4  }
0x328: {  	v6 =	vperm.xlane v1, v6;
	v15 =	vld [tilespmem:s12+$0xFFFFFFF0];
	v11 =	vperm.xlane v0, v8;
	v22 =	vadd.s32 $0xFFFFFFFF, v16;
	[tilespmem:s13+$0x30] =	vst v13  }
0x329: {  	v8 =	vperm.xlane v1, v8;
	v17 =	vadd.s32 $0xFFFFFFFF, v17;
	v16 =	vld [tilespmem:s12+$0x0];
	v13 =	vperm.xlane v0, v22  }
0x32a: {  	v20 =	vperm.xlane v0, v17;
	v19 =	vperm.xlane v1, v17;
	v17 =	vld [tilespmem:s12+$0x10]  }
0x32b: {  	s15 =	sadd.s32 $0x80, s15;
	v21 =	vsub.f32 v18, v12;
	v12 =	vperm.xlane v1, v22;
	v18 =	vld [tilespmem:s12+$0x20]  }
0x32c: {  	v7 =	vsub.f32 v7, v20  }
0x32d: {  	v4 =	vsub.f32 v14, v4;
	v2 =	vmul.f32 v21, v2  }
0x32e: {  	v9 =	vsub.f32 v15, v9;
	v7 =	vmul.f32 v7, v19  }
0x32f: {  	v3 =	vmul.f32 v4, v3;
	v4 =	vsub.f32 v16, v10;
	[tilespmem:s13+$0xFFFFFFD0] =	vst v2  }
0x330: {  	v2 =	vmul.f32 v9, v5;
	v5 =	vsub.f32 v17, v11;
	[tilespmem:s13+$0xFFFFFFC0] =	vst v7  }
0x331: {  	v4 =	vmul.f32 v4, v6;
	v6 =	vsub.f32 v18, v13;
	[tilespmem:s13+$0xFFFFFFE0] =	vst v3  }
0x332: {  	v3 =	vmul.f32 v5, v8;
	[tilespmem:s13+$0xFFFFFFF0] =	vst v2  }
0x333: {  	v2 =	vmul.f32 v6, v12;
	[tilespmem:s13+$0x0] =	vst v4  }
0x334: {  	[tilespmem:s13+$0x10] =	vst v3  }
0x335: {  	[tilespmem:s13+$0x20] =	vst v2  }
0x336: {  	[hbm4b:s16+s1] =	stream.linear.scatter [tilespmem:s31], [sflag:$0x5], $0x2000, $0x38;
	[tilespmem:$0x18100] =	vst v63  }
0x337: {  	_ =	swait.ge [sflag:s0], $0x2000  }
0x338: {  	[sflag:s0] =	ssyncset.done $0x0  }
0x339: {  	[sflag:s0] =	ssyncadd.s32 $0xFFFFE000  }
0x33a: {  	_ =	swait.ge [sflag:s0], $0x2000  }
0x33b: {  	[sflag:s0] =	ssyncset.done $0x0  }
0x33c: {  	[sflag:s0] =	ssyncadd.s32 $0xFFFFE000  }
0x33d: {  	_ =	swait.ge [sflag:s8], $0x2000  }
0x33e: {  	[sflag:s8] =	ssyncset.done $0x0  }
0x33f: {  	s15 =	simm.s32 $0xA040;
	[sflag:s8] =	ssyncadd.s32 $0xFFFFE000  }
0x340: {  	v2 =	vld [tilespmem:s15+$0x30]  }
0x341: {  	v3 =	vld [tilespmem:s15+$0xFFFFFFD0]  }
0x342: {  	v4 =	vld [tilespmem:s15+$0xFFFFFFE0]  }
0x343: {  	v11 =	vld [tilespmem:s15+$0x10]  }
0x344: {  	v13 =	vld [tilespmem:s15+$0x20]  }
0x345: {  	s12 =	simm.s32 $0x2040;
	v16 =	vld [tilespmem:s15+$0xFFFFFFC0]  }
0x346: {  	v5 =	vld [tilespmem:s12+$0x30]  }
0x347: {  	v6 =	vld [tilespmem:s15+$0xFFFFFFF0];
	v7 =	vadd.s32 $0xFFFFFFFF, v2;
	v2 =	vadd.s32 $0xFFFFFFFF, v3  }
0x348: {  	v8 =	vld [tilespmem:s15+$0x0];
	v9 =	vadd.s32 $0xFFFFFFFF, v4;
	v17 =	vadd.s32 $0xFFFFFFFF, v11;
	v3 =	vperm.xlane v0, v7  }
0x349: {  	v22 =	vadd.s32 $0xFFFFFFFF, v13;
	v12 =	vperm.xlane v0, v2;
	v2 =	vperm.xlane v1, v2  }
0x34a: {  	v18 =	vld [tilespmem:s12+$0xFFFFFFD0];
	v21 =	vadd.s32 $0xFFFFFFFF, v16;
	v10 =	vperm.xlane v1, v7;
	v4 =	vperm.xlane v0, v9  }
0x34b: {  	v14 =	vld [tilespmem:s12+$0xFFFFFFE0];
	v11 =	vperm.xlane v0, v17;
	v13 =	vperm.xlane v0, v22;
	v5 =	vsub.f32 v5, v3  }
0x34c: {  	v6 =	vadd.s32 $0xFFFFFFFF, v6;
	v7 =	vld [tilespmem:s12+$0xFFFFFFC0];
	v20 =	vperm.xlane v0, v21;
	v3 =	vperm.xlane v1, v9  }
0x34d: {  	v15 =	vld [tilespmem:s12+$0xFFFFFFF0];
	v8 =	vadd.s32 $0xFFFFFFFF, v8;
	v9 =	vperm.xlane v0, v6;
	v19 =	vmul.f32 v5, v10  }
0x34e: {  	v16 =	vld [tilespmem:s12+$0x0];
	v5 =	vperm.xlane v1, v6;
	v10 =	vperm.xlane v0, v8  }
0x34f: {  	s13 =	simm.s32 $0x12040;
	v6 =	vperm.xlane v1, v8;
	v8 =	vperm.xlane v1, v17;
	v17 =	vld [tilespmem:s12+$0x10]  }
0x350: {  	s14 =	simm.s32 $0x0;
	s15 =	simm.s32 $0xA0C0;
	[tilespmem:s13+$0x30] =	vst v19;
	v19 =	vperm.xlane v1, v21;
	v21 =	vsub.f32 v18, v12;
	v12 =	vperm.xlane v1, v22;
	v18 =	vld [tilespmem:s12+$0x20]  }
.LBB2_28:
0x351: {  	v22 =	vld [tilespmem:s15+$0x30];
	s14 =	sadd.s32 $0x80, s14;
	v7 =	vsub.f32 v7, v20;
	v4 =	vsub.f32 v14, v4  }
0x352: {  	v14 =	vld [tilespmem:s15+$0xFFFFFFD0];
	p0 =	slt.u32 s14, $0x1F80;
	v2 =	vmul.f32 v21, v2;
	v9 =	vsub.f32 v15, v9  }
0x353: {  	s12 =	sadd.s32 $0x80, s12;
	v15 =	vld [tilespmem:s15+$0xFFFFFFE0];
	v7 =	vmul.f32 v7, v19;
	v3 =	vmul.f32 v4, v3;
	v4 =	vsub.f32 v16, v10  }
0x354: {  	v10 =	vld [tilespmem:s12+$0x30];
	[tilespmem:s13+$0xFFFFFFD0] =	vst v2;
	v2 =	vmul.f32 v9, v5;
	v5 =	vsub.f32 v17, v11  }
0x355: {  	v9 =	vld [tilespmem:s15+$0xFFFFFFF0];
	[tilespmem:s13+$0xFFFFFFC0] =	vst v7;
	v4 =	vmul.f32 v4, v6;
	v6 =	vsub.f32 v18, v13  }
0x356: {  	v11 =	vld [tilespmem:s15+$0x0];
	v7 =	vadd.s32 $0xFFFFFFFF, v22;
	[tilespmem:s13+$0xFFFFFFE0] =	vst v3;
	v3 =	vmul.f32 v5, v8  }
0x357: {  	v5 =	vadd.s32 $0xFFFFFFFF, v14;
	v8 =	vld [tilespmem:s15+$0x10];
	v13 =	vperm.xlane v0, v7;
	[tilespmem:s13+$0xFFFFFFF0] =	vst v2;
	v6 =	vmul.f32 v6, v12  }
0x358: {  	v12 =	vperm.xlane v0, v5;
	v2 =	vperm.xlane v1, v5;
	v5 =	vadd.s32 $0xFFFFFFFF, v15;
	v16 =	vld [tilespmem:s15+$0x20];
	[tilespmem:s13+$0x0] =	vst v4  }
0x359: {  	v14 =	vperm.xlane v1, v7;
	v17 =	vld [tilespmem:s15+$0xFFFFFFC0];
	v4 =	vperm.xlane v0, v5;
	v10 =	vsub.f32 v10, v13;
	[tilespmem:s13+$0x10] =	vst v3  }
0x35a: {  	v3 =	vperm.xlane v1, v5;
	v7 =	vld [tilespmem:s12+$0xFFFFFFC0];
	v5 =	vadd.s32 $0xFFFFFFFF, v9;
	[tilespmem:s13+$0x20] =	vst v6  }
0x35b: {  	v18 =	vld [tilespmem:s12+$0xFFFFFFD0];
	v9 =	vperm.xlane v0, v5;
	v6 =	vadd.s32 $0xFFFFFFFF, v11;
	v13 =	vmul.f32 v10, v14  }
.Ltmp13:
0x35c: {  	s13 =	sadd.s32 $0x80, s13;
	v5 =	vperm.xlane v1, v5;
	v14 =	vld [tilespmem:s12+$0xFFFFFFE0];
	v10 =	vperm.xlane v0, v6;
	v8 =	vadd.s32 $0xFFFFFFFF, v8;
	(pc) =	sbr.rel @p0 .LBB2_28-.Ltmp13, $4  }
0x35d: {  	v6 =	vperm.xlane v1, v6;
	v15 =	vld [tilespmem:s12+$0xFFFFFFF0];
	v11 =	vperm.xlane v0, v8;
	v22 =	vadd.s32 $0xFFFFFFFF, v16;
	[tilespmem:s13+$0x30] =	vst v13  }
0x35e: {  	v8 =	vperm.xlane v1, v8;
	v17 =	vadd.s32 $0xFFFFFFFF, v17;
	v16 =	vld [tilespmem:s12+$0x0];
	v13 =	vperm.xlane v0, v22  }
0x35f: {  	v20 =	vperm.xlane v0, v17;
	v19 =	vperm.xlane v1, v17;
	v17 =	vld [tilespmem:s12+$0x10]  }
0x360: {  	s15 =	sadd.s32 $0x80, s15;
	v21 =	vsub.f32 v18, v12;
	v12 =	vperm.xlane v1, v22;
	v18 =	vld [tilespmem:s12+$0x20]  }
0x361: {  	v7 =	vsub.f32 v7, v20  }
0x362: {  	v4 =	vsub.f32 v14, v4;
	v2 =	vmul.f32 v21, v2  }
0x363: {  	v9 =	vsub.f32 v15, v9;
	v7 =	vmul.f32 v7, v19  }
0x364: {  	v3 =	vmul.f32 v4, v3;
	v4 =	vsub.f32 v16, v10;
	[tilespmem:s13+$0xFFFFFFD0] =	vst v2  }
0x365: {  	v2 =	vmul.f32 v9, v5;
	v5 =	vsub.f32 v17, v11;
	[tilespmem:s13+$0xFFFFFFC0] =	vst v7  }
0x366: {  	v4 =	vmul.f32 v4, v6;
	v6 =	vsub.f32 v18, v13;
	[tilespmem:s13+$0xFFFFFFE0] =	vst v3  }
0x367: {  	v3 =	vmul.f32 v5, v8;
	[tilespmem:s13+$0xFFFFFFF0] =	vst v2  }
0x368: {  	v2 =	vmul.f32 v6, v12;
	[tilespmem:s13+$0x0] =	vst v4  }
0x369: {  	[tilespmem:s13+$0x10] =	vst v3  }
0x36a: {  	[tilespmem:s13+$0x20] =	vst v2  }
0x36b: {  	[hbm4b:s17+s1] =	stream.linear.scatter [tilespmem:s2], [sflag:$0x6], $0x2000, $0x38;
	[tilespmem:$0x18100] =	vst v63  }
0x36c: {  	_ =	swait.ge [sflag:s3], $0x2000  }
0x36d: {  	[sflag:s3] =	ssyncset.done $0x0  }
0x36e: {  	[sflag:s3] =	ssyncadd.s32 $0xFFFFE000  }
0x36f: {  	_ =	swait.ge [sflag:s3], $0x2000  }
0x370: {  	[sflag:s3] =	ssyncset.done $0x0  }
0x371: {  	[sflag:s3] =	ssyncadd.s32 $0xFFFFE000  }
0x372: {  	_ =	swait.ge [sflag:s9], $0x2000  }
0x373: {  	[sflag:s9] =	ssyncset.done $0x0  }
0x374: {  	s15 =	simm.s32 $0xC040;
	[sflag:s9] =	ssyncadd.s32 $0xFFFFE000  }
0x375: {  	v2 =	vld [tilespmem:s15+$0x30]  }
0x376: {  	v3 =	vld [tilespmem:s15+$0xFFFFFFD0]  }
0x377: {  	v4 =	vld [tilespmem:s15+$0xFFFFFFE0]  }
0x378: {  	v11 =	vld [tilespmem:s15+$0x10]  }
0x379: {  	v13 =	vld [tilespmem:s15+$0x20]  }
0x37a: {  	s12 =	simm.s32 $0x4040;
	v16 =	vld [tilespmem:s15+$0xFFFFFFC0]  }
0x37b: {  	v5 =	vld [tilespmem:s12+$0x30]  }
0x37c: {  	v6 =	vld [tilespmem:s15+$0xFFFFFFF0];
	v7 =	vadd.s32 $0xFFFFFFFF, v2;
	v2 =	vadd.s32 $0xFFFFFFFF, v3  }
0x37d: {  	v8 =	vld [tilespmem:s15+$0x0];
	v9 =	vadd.s32 $0xFFFFFFFF, v4;
	v17 =	vadd.s32 $0xFFFFFFFF, v11;
	v3 =	vperm.xlane v0, v7  }
0x37e: {  	v22 =	vadd.s32 $0xFFFFFFFF, v13;
	v12 =	vperm.xlane v0, v2;
	v2 =	vperm.xlane v1, v2  }
0x37f: {  	v18 =	vld [tilespmem:s12+$0xFFFFFFD0];
	v21 =	vadd.s32 $0xFFFFFFFF, v16;
	v10 =	vperm.xlane v1, v7;
	v4 =	vperm.xlane v0, v9  }
0x380: {  	v14 =	vld [tilespmem:s12+$0xFFFFFFE0];
	v11 =	vperm.xlane v0, v17;
	v13 =	vperm.xlane v0, v22;
	v5 =	vsub.f32 v5, v3  }
0x381: {  	v6 =	vadd.s32 $0xFFFFFFFF, v6;
	v7 =	vld [tilespmem:s12+$0xFFFFFFC0];
	v20 =	vperm.xlane v0, v21;
	v3 =	vperm.xlane v1, v9  }
0x382: {  	v15 =	vld [tilespmem:s12+$0xFFFFFFF0];
	v8 =	vadd.s32 $0xFFFFFFFF, v8;
	v9 =	vperm.xlane v0, v6;
	v19 =	vmul.f32 v5, v10  }
0x383: {  	v16 =	vld [tilespmem:s12+$0x0];
	v5 =	vperm.xlane v1, v6;
	v10 =	vperm.xlane v0, v8  }
0x384: {  	s13 =	simm.s32 $0x14040;
	v6 =	vperm.xlane v1, v8;
	v8 =	vperm.xlane v1, v17;
	v17 =	vld [tilespmem:s12+$0x10]  }
0x385: {  	s14 =	simm.s32 $0x0;
	s15 =	simm.s32 $0xC0C0;
	[tilespmem:s13+$0x30] =	vst v19;
	v19 =	vperm.xlane v1, v21;
	v21 =	vsub.f32 v18, v12;
	v12 =	vperm.xlane v1, v22;
	v18 =	vld [tilespmem:s12+$0x20]  }
.LBB2_30:
0x386: {  	v22 =	vld [tilespmem:s15+$0x30];
	s14 =	sadd.s32 $0x80, s14;
	v7 =	vsub.f32 v7, v20;
	v4 =	vsub.f32 v14, v4  }
0x387: {  	v14 =	vld [tilespmem:s15+$0xFFFFFFD0];
	p0 =	slt.u32 s14, $0x1F80;
	v2 =	vmul.f32 v21, v2;
	v9 =	vsub.f32 v15, v9  }
0x388: {  	s12 =	sadd.s32 $0x80, s12;
	v15 =	vld [tilespmem:s15+$0xFFFFFFE0];
	v7 =	vmul.f32 v7, v19;
	v3 =	vmul.f32 v4, v3;
	v4 =	vsub.f32 v16, v10  }
0x389: {  	v10 =	vld [tilespmem:s12+$0x30];
	[tilespmem:s13+$0xFFFFFFD0] =	vst v2;
	v2 =	vmul.f32 v9, v5;
	v5 =	vsub.f32 v17, v11  }
0x38a: {  	v9 =	vld [tilespmem:s15+$0xFFFFFFF0];
	[tilespmem:s13+$0xFFFFFFC0] =	vst v7;
	v4 =	vmul.f32 v4, v6;
	v6 =	vsub.f32 v18, v13  }
0x38b: {  	v11 =	vld [tilespmem:s15+$0x0];
	v7 =	vadd.s32 $0xFFFFFFFF, v22;
	[tilespmem:s13+$0xFFFFFFE0] =	vst v3;
	v3 =	vmul.f32 v5, v8  }
0x38c: {  	v5 =	vadd.s32 $0xFFFFFFFF, v14;
	v8 =	vld [tilespmem:s15+$0x10];
	v13 =	vperm.xlane v0, v7;
	[tilespmem:s13+$0xFFFFFFF0] =	vst v2;
	v6 =	vmul.f32 v6, v12  }
0x38d: {  	v12 =	vperm.xlane v0, v5;
	v2 =	vperm.xlane v1, v5;
	v5 =	vadd.s32 $0xFFFFFFFF, v15;
	v16 =	vld [tilespmem:s15+$0x20];
	[tilespmem:s13+$0x0] =	vst v4  }
0x38e: {  	v14 =	vperm.xlane v1, v7;
	v17 =	vld [tilespmem:s15+$0xFFFFFFC0];
	v4 =	vperm.xlane v0, v5;
	v10 =	vsub.f32 v10, v13;
	[tilespmem:s13+$0x10] =	vst v3  }
0x38f: {  	v3 =	vperm.xlane v1, v5;
	v7 =	vld [tilespmem:s12+$0xFFFFFFC0];
	v5 =	vadd.s32 $0xFFFFFFFF, v9;
	[tilespmem:s13+$0x20] =	vst v6  }
0x390: {  	v18 =	vld [tilespmem:s12+$0xFFFFFFD0];
	v9 =	vperm.xlane v0, v5;
	v6 =	vadd.s32 $0xFFFFFFFF, v11;
	v13 =	vmul.f32 v10, v14  }
.Ltmp14:
0x391: {  	s13 =	sadd.s32 $0x80, s13;
	v5 =	vperm.xlane v1, v5;
	v14 =	vld [tilespmem:s12+$0xFFFFFFE0];
	v10 =	vperm.xlane v0, v6;
	v8 =	vadd.s32 $0xFFFFFFFF, v8;
	(pc) =	sbr.rel @p0 .LBB2_30-.Ltmp14, $4  }
0x392: {  	v6 =	vperm.xlane v1, v6;
	v15 =	vld [tilespmem:s12+$0xFFFFFFF0];
	v11 =	vperm.xlane v0, v8;
	v22 =	vadd.s32 $0xFFFFFFFF, v16;
	[tilespmem:s13+$0x30] =	vst v13  }
0x393: {  	v8 =	vperm.xlane v1, v8;
	v17 =	vadd.s32 $0xFFFFFFFF, v17;
	v16 =	vld [tilespmem:s12+$0x0];
	v13 =	vperm.xlane v0, v22  }
0x394: {  	v20 =	vperm.xlane v0, v17;
	v19 =	vperm.xlane v1, v17;
	v17 =	vld [tilespmem:s12+$0x10]  }
0x395: {  	s15 =	sadd.s32 $0x80, s15;
	v21 =	vsub.f32 v18, v12;
	v12 =	vperm.xlane v1, v22;
	v18 =	vld [tilespmem:s12+$0x20]  }
0x396: {  	v7 =	vsub.f32 v7, v20  }
0x397: {  	v4 =	vsub.f32 v14, v4;
	v2 =	vmul.f32 v21, v2  }
0x398: {  	v9 =	vsub.f32 v15, v9;
	v7 =	vmul.f32 v7, v19  }
0x399: {  	v3 =	vmul.f32 v4, v3;
	v4 =	vsub.f32 v16, v10;
	[tilespmem:s13+$0xFFFFFFD0] =	vst v2  }
0x39a: {  	v2 =	vmul.f32 v9, v5;
	v5 =	vsub.f32 v17, v11;
	[tilespmem:s13+$0xFFFFFFC0] =	vst v7  }
0x39b: {  	v4 =	vmul.f32 v4, v6;
	v6 =	vsub.f32 v18, v13;
	[tilespmem:s13+$0xFFFFFFE0] =	vst v3  }
0x39c: {  	v3 =	vmul.f32 v5, v8;
	[tilespmem:s13+$0xFFFFFFF0] =	vst v2  }
0x39d: {  	v2 =	vmul.f32 v6, v12;
	[tilespmem:s13+$0x0] =	vst v4  }
0x39e: {  	[tilespmem:s13+$0x10] =	vst v3  }
0x39f: {  	[tilespmem:s13+$0x20] =	vst v2  }
0x3a0: {  	[hbm4b:s18+s1] =	stream.linear.scatter [tilespmem:s4], [sflag:$0x7], $0x2000, $0x38;
	[tilespmem:$0x18100] =	vst v63  }
0x3a1: {  	_ =	swait.ge [sflag:s5], $0x2000  }
0x3a2: {  	[sflag:s5] =	ssyncset.done $0x0  }
0x3a3: {  	[sflag:s5] =	ssyncadd.s32 $0xFFFFE000  }
0x3a4: {  	_ =	swait.ge [sflag:s5], $0x2000  }
0x3a5: {  	[sflag:s5] =	ssyncset.done $0x0  }
0x3a6: {  	[sflag:s5] =	ssyncadd.s32 $0xFFFFE000  }
0x3a7: {  	_ =	swait.ge [sflag:s10], $0x2000  }
0x3a8: {  	[sflag:s10] =	ssyncset.done $0x0  }
0x3a9: {  	s15 =	simm.s32 $0xE040;
	[sflag:s10] =	ssyncadd.s32 $0xFFFFE000  }
0x3aa: {  	v2 =	vld [tilespmem:s15+$0x30]  }
0x3ab: {  	v3 =	vld [tilespmem:s15+$0xFFFFFFD0]  }
0x3ac: {  	v4 =	vld [tilespmem:s15+$0xFFFFFFE0]  }
0x3ad: {  	v11 =	vld [tilespmem:s15+$0x10]  }
0x3ae: {  	v13 =	vld [tilespmem:s15+$0x20]  }
0x3af: {  	s12 =	simm.s32 $0x6040;
	v16 =	vld [tilespmem:s15+$0xFFFFFFC0]  }
0x3b0: {  	v5 =	vld [tilespmem:s12+$0x30]  }
0x3b1: {  	v6 =	vld [tilespmem:s15+$0xFFFFFFF0];
	v7 =	vadd.s32 $0xFFFFFFFF, v2;
	v2 =	vadd.s32 $0xFFFFFFFF, v3  }
0x3b2: {  	v8 =	vld [tilespmem:s15+$0x0];
	v9 =	vadd.s32 $0xFFFFFFFF, v4;
	v17 =	vadd.s32 $0xFFFFFFFF, v11;
	v3 =	vperm.xlane v0, v7  }
0x3b3: {  	v22 =	vadd.s32 $0xFFFFFFFF, v13;
	v12 =	vperm.xlane v0, v2;
	v2 =	vperm.xlane v1, v2  }
0x3b4: {  	v18 =	vld [tilespmem:s12+$0xFFFFFFD0];
	v21 =	vadd.s32 $0xFFFFFFFF, v16;
	v10 =	vperm.xlane v1, v7;
	v4 =	vperm.xlane v0, v9  }
0x3b5: {  	v14 =	vld [tilespmem:s12+$0xFFFFFFE0];
	v11 =	vperm.xlane v0, v17;
	v13 =	vperm.xlane v0, v22;
	v5 =	vsub.f32 v5, v3  }
0x3b6: {  	v6 =	vadd.s32 $0xFFFFFFFF, v6;
	v7 =	vld [tilespmem:s12+$0xFFFFFFC0];
	v20 =	vperm.xlane v0, v21;
	v3 =	vperm.xlane v1, v9  }
0x3b7: {  	v15 =	vld [tilespmem:s12+$0xFFFFFFF0];
	v8 =	vadd.s32 $0xFFFFFFFF, v8;
	v9 =	vperm.xlane v0, v6;
	v19 =	vmul.f32 v5, v10  }
0x3b8: {  	v16 =	vld [tilespmem:s12+$0x0];
	v5 =	vperm.xlane v1, v6;
	v10 =	vperm.xlane v0, v8  }
0x3b9: {  	s13 =	simm.s32 $0x16040;
	v6 =	vperm.xlane v1, v8;
	v8 =	vperm.xlane v1, v17;
	v17 =	vld [tilespmem:s12+$0x10]  }
0x3ba: {  	s14 =	simm.s32 $0x0;
	s15 =	simm.s32 $0xE0C0;
	[tilespmem:s13+$0x30] =	vst v19;
	v19 =	vperm.xlane v1, v21;
	v21 =	vsub.f32 v18, v12;
	v12 =	vperm.xlane v1, v22;
	v18 =	vld [tilespmem:s12+$0x20]  }
.LBB2_32:
0x3bb: {  	v22 =	vld [tilespmem:s15+$0x30];
	s14 =	sadd.s32 $0x80, s14;
	v7 =	vsub.f32 v7, v20;
	v4 =	vsub.f32 v14, v4  }
0x3bc: {  	v14 =	vld [tilespmem:s15+$0xFFFFFFD0];
	p0 =	slt.u32 s14, $0x1F80;
	v2 =	vmul.f32 v21, v2;
	v9 =	vsub.f32 v15, v9  }
0x3bd: {  	s12 =	sadd.s32 $0x80, s12;
	v15 =	vld [tilespmem:s15+$0xFFFFFFE0];
	v7 =	vmul.f32 v7, v19;
	v3 =	vmul.f32 v4, v3;
	v4 =	vsub.f32 v16, v10  }
0x3be: {  	v10 =	vld [tilespmem:s12+$0x30];
	[tilespmem:s13+$0xFFFFFFD0] =	vst v2;
	v2 =	vmul.f32 v9, v5;
	v5 =	vsub.f32 v17, v11  }
0x3bf: {  	v9 =	vld [tilespmem:s15+$0xFFFFFFF0];
	[tilespmem:s13+$0xFFFFFFC0] =	vst v7;
	v4 =	vmul.f32 v4, v6;
	v6 =	vsub.f32 v18, v13  }
0x3c0: {  	v11 =	vld [tilespmem:s15+$0x0];
	v7 =	vadd.s32 $0xFFFFFFFF, v22;
	[tilespmem:s13+$0xFFFFFFE0] =	vst v3;
	v3 =	vmul.f32 v5, v8  }
0x3c1: {  	v5 =	vadd.s32 $0xFFFFFFFF, v14;
	v8 =	vld [tilespmem:s15+$0x10];
	v13 =	vperm.xlane v0, v7;
	[tilespmem:s13+$0xFFFFFFF0] =	vst v2;
	v6 =	vmul.f32 v6, v12  }
0x3c2: {  	v12 =	vperm.xlane v0, v5;
	v2 =	vperm.xlane v1, v5;
	v5 =	vadd.s32 $0xFFFFFFFF, v15;
	v16 =	vld [tilespmem:s15+$0x20];
	[tilespmem:s13+$0x0] =	vst v4  }
0x3c3: {  	v14 =	vperm.xlane v1, v7;
	v17 =	vld [tilespmem:s15+$0xFFFFFFC0];
	v4 =	vperm.xlane v0, v5;
	v10 =	vsub.f32 v10, v13;
	[tilespmem:s13+$0x10] =	vst v3  }
0x3c4: {  	v3 =	vperm.xlane v1, v5;
	v7 =	vld [tilespmem:s12+$0xFFFFFFC0];
	v5 =	vadd.s32 $0xFFFFFFFF, v9;
	[tilespmem:s13+$0x20] =	vst v6  }
0x3c5: {  	v18 =	vld [tilespmem:s12+$0xFFFFFFD0];
	v9 =	vperm.xlane v0, v5;
	v6 =	vadd.s32 $0xFFFFFFFF, v11;
	v13 =	vmul.f32 v10, v14  }
.Ltmp15:
0x3c6: {  	s13 =	sadd.s32 $0x80, s13;
	v5 =	vperm.xlane v1, v5;
	v14 =	vld [tilespmem:s12+$0xFFFFFFE0];
	v10 =	vperm.xlane v0, v6;
	v8 =	vadd.s32 $0xFFFFFFFF, v8;
	(pc) =	sbr.rel @p0 .LBB2_32-.Ltmp15, $4  }
0x3c7: {  	v6 =	vperm.xlane v1, v6;
	v15 =	vld [tilespmem:s12+$0xFFFFFFF0];
	v11 =	vperm.xlane v0, v8;
	v22 =	vadd.s32 $0xFFFFFFFF, v16;
	[tilespmem:s13+$0x30] =	vst v13  }
0x3c8: {  	v8 =	vperm.xlane v1, v8;
	v17 =	vadd.s32 $0xFFFFFFFF, v17;
	v16 =	vld [tilespmem:s12+$0x0];
	v13 =	vperm.xlane v0, v22  }
0x3c9: {  	v20 =	vperm.xlane v0, v17;
	v19 =	vperm.xlane v1, v17;
	v17 =	vld [tilespmem:s12+$0x10]  }
0x3ca: {  	s15 =	sadd.s32 $0x80, s15;
	v21 =	vsub.f32 v18, v12;
	v12 =	vperm.xlane v1, v22;
	v18 =	vld [tilespmem:s12+$0x20]  }
0x3cb: {  	v0 =	vsub.f32 v7, v20  }
0x3cc: {  	v1 =	vsub.f32 v14, v4;
	v2 =	vmul.f32 v21, v2  }
0x3cd: {  	v56 =	vsub.f32 v15, v9;
	v0 =	vmul.f32 v0, v19  }
0x3ce: {  	v1 =	vmul.f32 v1, v3;
	v57 =	vsub.f32 v16, v10;
	[tilespmem:s13+$0xFFFFFFD0] =	vst v2  }
0x3cf: {  	v58 =	vmul.f32 v56, v5;
	v59 =	vsub.f32 v17, v11;
	[tilespmem:s13+$0xFFFFFFC0] =	vst v0  }
0x3d0: {  	v60 =	vmul.f32 v57, v6;
	v61 =	vsub.f32 v18, v13;
	[tilespmem:s13+$0xFFFFFFE0] =	vst v1  }
0x3d1: {  	v62 =	vmul.f32 v59, v8;
	[tilespmem:s13+$0xFFFFFFF0] =	vst v58  }
0x3d2: {  	v63 =	vmul.f32 v61, v12;
	[tilespmem:s13+$0x0] =	vst v60  }
0x3d3: {  	[tilespmem:s13+$0x10] =	vst v62  }
0x3d4: {  	[tilespmem:s13+$0x20] =	vst v63  }
0x3d5: {  	[hbm4b:s19+s1] =	stream.linear.scatter [tilespmem:s6], [sflag:$0x8], $0x2000, $0x38;
	[tilespmem:$0x18100] =	vst v63  }
0x3d6: {  	_ =	swait.ge [sflag:s7], $0x2000  }
0x3d7: {  	[sflag:s7] =	ssyncset.done $0x0  }
0x3d8: {  	[sflag:s7] =	ssyncadd.s32 $0xFFFFE000  }
0x3d9: {  	_ =	swait.ge [sflag:s8], $0x2000  }
0x3da: {  	[sflag:s8] =	ssyncset.done $0x0  }
0x3db: {  	s11 =	sadd.s32 $0x1, s11;
	[sflag:s8] =	ssyncadd.s32 $0xFFFFE000  }
0x3dc: {  	p0 =	sne.s32 s11, s20;
	_ =	swait.ge [sflag:s9], $0x2000  }
.Ltmp16:
0x3dd: {  	[sflag:s9] =	ssyncset.done $0x0;
	(pc) =	sbr.rel @p0 .LBB2_1-.Ltmp16, $4  }
0x3de: {  	[sflag:s9] =	ssyncadd.s32 $0xFFFFE000  }
0x3df: {  	_ =	swait.ge [sflag:s10], $0x2000  }
0x3e0: {  	[sflag:s10] =	ssyncset.done $0x0  }
0x3e1: {  	[sflag:s10] =	ssyncadd.s32 $0xFFFFE000  }
0x3e2: {  	_ =	sfence.sel $0x180000  }
0x3e3: {  	[bflag:$0x0] =	sbarrier.arrive $0xFFFF  }
0x3e4: {  	_ =	strace $0x90000047  }
0x3e5: {  	s0 =	stileid.u32;
	[bflag:$0x2] =	sbarrier.arrive $0xFFFF  }
0x3e6: {  	p0 =	sne.s32 s0, $0x0;
	s0 =	rddreg [dreg:$0x5]  }
0x3e7: {  	s0 =	sadd.s32 @!p0 $0x100000, s0  }
0x3e8: {  	[sflag:s0] =	ssyncadd.tile.s32 @!p0 $0x1;
	_ =	shalt  }
.Lfunc_end2:
_tile_overlayer_lowered:
.L_overlay_start_2:
0x3e9: {  	(tag) =	ssettag $0x2  }
0x3ea: {  	s0 =	rddreg [dreg:$0x0];
	s2 =	stileid.u32  }
0x3eb: {  	s1 =	rddreg [dreg:$0x1];
	p0 =	sne.s32 s2, $0x0  }
0x3ec: {  	s3 =	rddreg [dreg:$0x2];
	[bflag:$0x3] =	sbarrier.arrive $0xFFFF;
	s2 =	simm.s32 @!p0 $0x1C09  }
0x3ed: {  	[timem:s3], [sflag:s2] =	dma.local @!p0 [hbm:s0], s1  }
0x3ee: {  	s0 =	simm.s32 @!p0 $0x9  }
0x3ef: {  	_ =	swait.ge @!p0 [sflag:s0], s1  }
0x3f0: {  	s1 =	ssub.s32 @!p0 $0x0, s1;
	[sflag:s0] =	ssyncset.done @!p0 $0x0  }
0x3f1: {  	[sflag:s0] =	ssyncadd.s32 @!p0 s1  }
0x3f2: {  	[bflag:$0x3] =	sbarrier.arrive $0xFFFF  }
0x3f3: {  	_ =	shalt  }

</sc_bundles>
